<compile_context>
chip_gen: v7x
topology: tpu7x:2x2x1
jax: 0.10.2.dev20260603
libtpu: 0.0.44.dev20260713+nightly
codegen_flags: <defaults>
</compile_context>

<pallas_src>
import functools

import jax
import jax.numpy as jnp
import numpy as np
from jax import lax
from jax.experimental import pallas as pl
from jax.experimental.pallas import tpu as pltpu
from jax.experimental.pallas import tpu_sc as plsc

B = 4096
N_TABLES = 26
VOCAB = 100000
M = 64

_NC = 2
_NS = 16
_NW = _NC * _NS
_ROWS = N_TABLES * M
_RPW = _ROWS // _NW


def _sc_tgather_body(tab_hbm, idx_hbm, out_hbm, arow_v, idx_v, vals_v, sem_o):
    wid = lax.axis_index("s") * _NC + lax.axis_index("c")
    r0 = wid * _RPW

    def row_body(t, k_prev):
        r = r0 + t
        k = r // M
        pltpu.sync_copy(tab_hbm.at[r], arow_v)

        @pl.when(jnp.logical_or(t == 0, k != k_prev))
        def _load_idx():
            pltpu.sync_copy(idx_hbm.at[k], idx_v)

        @pl.when(t > 0)
        def _drain_out():
            pltpu.make_async_copy(out_hbm.at[r], vals_v, sem_o).wait()

        for off in range(0, B, 16):
            idx16 = idx_v[pl.ds(off, 16)]
            vals_v[pl.ds(off, 16)] = plsc.load_gather(arow_v, [idx16])
        pltpu.async_copy(vals_v, out_hbm.at[r], sem_o)
        return k

    last = lax.fori_loop(0, _RPW, row_body, jnp.int32(-1))
    pltpu.make_async_copy(out_hbm.at[r0], vals_v, sem_o).wait()
    del last


_sc_tgather = functools.partial(
    pl.kernel,
    mesh=plsc.VectorSubcoreMesh(core_axis_name="c", subcore_axis_name="s"),
    out_type=jax.ShapeDtypeStruct((_ROWS, B), jnp.float32),
    scratch_types=[
        pltpu.VMEM((VOCAB,), jnp.float32),
        pltpu.VMEM((B,), jnp.int32),
        pltpu.VMEM((B,), jnp.float32),
        pltpu.SemaphoreType.DMA,
    ],
    compiler_params=pltpu.CompilerParams(needs_layout_passes=False),
)(_sc_tgather_body)


_BS = 512


def _tc_body(xp_ref, emb_ref, w0_ref, b0_ref, w1_ref, b1_ref, w2_ref, b2_ref,
             tw1x_ref, tw1z_ref, tb1_ref, tw2_ref, tb2_ref, tw3_ref, tb3_ref,
             out_ref):
    f32 = jnp.float32

    def dense(v, w_ref, b_ref):
        return lax.dot_general(v, w_ref[...], (((1,), (1,)), ((), ())),
                               preferred_element_type=f32) + b_ref[...]

    x = xp_ref[...]
    h = jnp.maximum(dense(x, w0_ref, b0_ref), 0.0)
    h = jnp.maximum(dense(h, w1_ref, b1_ref), 0.0)
    xb = jnp.maximum(dense(h, w2_ref, b2_ref), 0.0)

    T = jnp.concatenate([xb[:, None, :], emb_ref[...]], axis=1)
    Z = lax.dot_general(T, T, (((2,), (2,)), ((0,), (0,))),
                        preferred_element_type=f32)
    Z2d = Z.reshape(Z.shape[0], 27 * 27)
    h = jnp.maximum(
        lax.dot_general(xb, tw1x_ref[...], (((1,), (1,)), ((), ())),
                        preferred_element_type=f32)
        + lax.dot_general(Z2d, tw1z_ref[...], (((1,), (1,)), ((), ())),
                          preferred_element_type=f32)
        + tb1_ref[...], 0.0)
    h = jnp.maximum(dense(h, tw2_ref, tb2_ref), 0.0)
    p = jax.nn.sigmoid(dense(h, tw3_ref, tb3_ref))
    out_ref[...] = p[:, 0:1]


def _full(shape):
    return pl.BlockSpec(shape, lambda i: (0,) * len(shape))


def kernel(dense_x, lS_o, lS_i, emb_tables, bot_Ws, bot_bs, top_Ws, top_bs):
    del lS_o
    f32 = jnp.float32

    tabT = jnp.transpose(emb_tables, (0, 2, 1)).reshape(_ROWS, VOCAB)
    outT = _sc_tgather(tabT, lS_i)
    emb3 = outT.reshape(N_TABLES, M, B).transpose(2, 0, 1)

    xp = dense_x
    w0p = bot_Ws[0]
    tw1x = top_Ws[0][:, :M]
    src = np.full((27, 27), 0, dtype=np.int32)
    valid = np.zeros((27, 27), dtype=np.float32)
    cnt = 0
    for i in range(27):
        for j in range(i):
            src[i, j] = M + cnt
            valid[i, j] = 1.0
            cnt += 1
    tw1z = jnp.take(top_Ws[0], jnp.asarray(src.reshape(-1)), axis=1) \
        * jnp.asarray(valid.reshape(1, -1))
    tw3p = jnp.concatenate([top_Ws[2], jnp.zeros((127, top_Ws[2].shape[1]), f32)], axis=0)

    b0, b1, b2 = (b.reshape(1, -1) for b in bot_bs)
    tb1, tb2, _ = (b.reshape(1, -1) for b in top_bs)
    tb3 = jnp.concatenate([top_bs[2], jnp.zeros((127,), f32)]).reshape(1, -1)

    grid = (B // _BS,)
    out = pl.pallas_call(
        _tc_body,
        grid=grid,
        in_specs=[
            pl.BlockSpec((_BS, 13), lambda i: (i, 0)),
            pl.BlockSpec((_BS, N_TABLES, M), lambda i: (i, 0, 0)),
            _full(w0p.shape), _full(b0.shape),
            _full(bot_Ws[1].shape), _full(b1.shape),
            _full(bot_Ws[2].shape), _full(b2.shape),
            _full(tw1x.shape), _full(tw1z.shape), _full(tb1.shape),
            _full(top_Ws[1].shape), _full(tb2.shape),
            _full(tw3p.shape), _full(tb3.shape),
        ],
        out_specs=pl.BlockSpec((_BS, 1), lambda i: (i, 0)),
        out_shape=jax.ShapeDtypeStruct((B, 1), f32),
    )(xp, emb3, w0p, b0, bot_Ws[1], b1, bot_Ws[2], b2,
      tw1x, tw1z, tb1, top_Ws[1], tb2, tw3p, tb3)
    return out

# --- scband reference (transcript-rebuilt; emitter-appended) ---
"""Pipeline reference for scband-dlrm-net-78116865179737 (READ-ONLY COPY).

The authoritative reference and input builder live on the scoring server;
editing this copy changes nothing except your own understanding.
"""

import jax, jax.numpy as jnp
import numpy as np

B = 4096
N_TABLES = 26
VOCAB = 100000
M = 64
LN_BOT = [13, 512, 256, 64]
LN_TOP = [415, 512, 256, 1]


def _make_mlp_params(key, ln):
    Ws, bs = [], []
    for i in range(len(ln) - 1):
        n, m = ln[i], ln[i + 1]
        key, k1, k2 = jax.random.split(key, 3)
        Ws.append(jax.random.normal(k1, (m, n), jnp.float32) * np.sqrt(2.0 / (m + n)))
        bs.append(jax.random.normal(k2, (m,), jnp.float32) * np.sqrt(1.0 / m))
    return tuple(Ws), tuple(bs)


def setup_inputs(seed: int = 0) -> dict:
    key = jax.random.key(seed)
    k0, k1, k2, k3, k4 = jax.random.split(key, 5)
    dense_x = jax.random.normal(k0, (B, 13), jnp.float32)
    # one lookup per bag (pooling factor 1): offsets are per-table arange
    lS_i = jax.random.randint(k1, (N_TABLES, B), 0, VOCAB, dtype=jnp.int32)
    lS_o = jnp.tile(jnp.arange(B, dtype=jnp.int32), (N_TABLES, 1))
    bound = np.sqrt(1.0 / VOCAB)
    emb_tables = jax.random.uniform(k2, (N_TABLES, VOCAB, M), jnp.float32, -bound, bound)
    bot_Ws, bot_bs = _make_mlp_params(k3, LN_BOT)
    top_Ws, top_bs = _make_mlp_params(k4, LN_TOP)
    return {"dense_x": dense_x, "lS_o": lS_o, "lS_i": lS_i, "emb_tables": emb_tables,
            "bot_Ws": bot_Ws, "bot_bs": bot_bs, "top_Ws": top_Ws, "top_bs": top_bs}


def _mlp(x, Ws, bs, sigmoid_layer):
    for i, (W, b) in enumerate(zip(Ws, bs)):
        x = x @ W.T + b
        x = jax.nn.sigmoid(x) if i == sigmoid_layer else jax.nn.relu(x)
    return x


def _emb_bag_sum(table, indices, offsets, batch):
    # EmbeddingBag(mode='sum'): bag id of each index from nondecreasing offsets
    bag = jnp.searchsorted(offsets, jnp.arange(indices.shape[0]), side='right') - 1
    return jax.ops.segment_sum(table[indices], bag, num_segments=batch)


def reference(dense_x, lS_o, lS_i, emb_tables, bot_Ws, bot_bs, top_Ws, top_bs):
    # bottom MLP on dense features
    x = _mlp(dense_x, bot_Ws, bot_bs, -1)
    # apply_emb: one EmbeddingBag(sum) per sparse field
    ly = [_emb_bag_sum(emb_tables[k], lS_i[k], lS_o[k], dense_x.shape[0]) for k in range(N_TABLES)]
    # interact_features: dot interaction, lower triangle (offset=0 -> j < i)
    bsz, d = x.shape
    T = jnp.concatenate([x] + ly, axis=1).reshape(bsz, -1, d)
    Z = jnp.einsum('bnd,bmd->bnm', T, T)
    ni = T.shape[1]
    li = np.array([i for i in range(ni) for j in range(i)])
    lj = np.array([j for i in range(ni) for j in range(i)])
    Zflat = Z[:, li, lj]
    R = jnp.concatenate([x, Zflat], axis=1)
    # top MLP with sigmoid on last layer (sigmoid_top = 2)
    p = _mlp(R, top_Ws, top_bs, len(top_Ws) - 1)
    return p

if __name__ == "__main__":
    import jax
    _d = setup_inputs()
    print(jax.jit(kernel)(*tuple(_d.values())))

</pallas_src>

<mosaic_0001>
#map = affine_map<(d0, d1) -> (0, 0)>
module attributes {stable_mosaic.version = 14 : i64} {
  func.func @_sc_tgather_body(%arg0: i32, %arg1: i32, %arg2: memref<1664x100000xf32, #tpu.memory_space<hbm>>, %arg3: memref<26x4096xi32, #tpu.memory_space<hbm>>, %arg4: memref<1664x4096xf32, #tpu.memory_space<hbm>>, %arg5: memref<100000xf32, #tpu.memory_space<vmem>>, %arg6: memref<4096xi32, #tpu.memory_space<vmem>>, %arg7: memref<4096xf32, #tpu.memory_space<vmem>>, %arg8: memref<!tpu.dma_semaphore, #tpu.memory_space<semaphore_mem>>) attributes {dimension_semantics = [#tpu.dimension_semantics<core_parallel>, #tpu.dimension_semantics<subcore_parallel>], iteration_bounds = array<i64: 2, 16>, scalar_prefetch = 0 : i64, scratch_operands = 4 : i64, tpu.core_type = #tpu.core_type<sc_vector_subcore>, window_params = [{transform_indices = #map}, {transform_indices = #map}, {transform_indices = #map}]} {
    %mul3A = arith.constant 2 : i32
    %mul3A_0 = arith.muli %arg1, %mul3A : i32
    %add3A = arith.addi %mul3A_0, %arg0 : i32
    %mul3A_1 = arith.constant 52 : i32
    %mul3A_2 = arith.muli %add3A, %mul3A_1 : i32
    %scan3A = arith.constant -1 : i32
    %scan3A_3 = arith.constant 0 : i32
    %scan3A_4 = arith.constant 52 : i32
    %scan3A_5 = arith.addi %scan3A_3, %scan3A_4 : i32
    %scan3A_6 = arith.constant 1 : i32
    %scan3A_7 = scf.for %scan3A_14 = %scan3A_3 to %scan3A_5 step %scan3A_6 iter_args(%scan3A_15 = %scan3A) -> (i32)  : i32 {
      %add3A_16 = arith.addi %mul3A_2, %scan3A_14 : i32
      %jit3A = arith.constant 64 : i32
      %div3A = arith.divsi %add3A_16, %jit3A : i32
      %sign3A = arith.constant 0 : i32
      %sign3A_17 = arith.cmpi sgt, %add3A_16, %sign3A : i32
      %sign3A_18 = arith.extui %sign3A_17 : i1 to i32
      %sign3A_19 = arith.constant 0 : i32
      %sign3A_20 = arith.cmpi slt, %add3A_16, %sign3A_19 : i32
      %sign3A_21 = arith.extui %sign3A_20 : i1 to i32
      %sign3A_22 = arith.subi %sign3A_18, %sign3A_21 : i32
      %sign3A_23 = arith.constant 0 : i32
      %sign3A_24 = arith.cmpi sgt, %jit3A, %sign3A_23 : i32
      %sign3A_25 = arith.extui %sign3A_24 : i1 to i32
      %sign3A_26 = arith.constant 0 : i32
      %sign3A_27 = arith.cmpi slt, %jit3A, %sign3A_26 : i32
      %sign3A_28 = arith.extui %sign3A_27 : i1 to i32
      %sign3A_29 = arith.subi %sign3A_25, %sign3A_28 : i32
      %ne3A = arith.cmpi ne, %sign3A_22, %sign3A_29 : i32
      %rem3A = arith.remsi %add3A_16, %jit3A : i32
      %ne3A_30 = arith.constant 0 : i32
      %ne3A_31 = arith.cmpi ne, %rem3A, %ne3A_30 : i32
      %and3A = arith.andi %ne3A, %ne3A_31 : i1
      %sub3A = arith.constant 1 : i32
      %sub3A_32 = arith.subi %div3A, %sub3A : i32
      %select_n3A = arith.select %and3A, %sub3A_32, %div3A : i32
      "tpu.region"() ({
        %run_scoped3A = tpu.sem_alloc : memref<!tpu.dma_semaphore, #tpu.memory_space<semaphore_mem>>
        %dma_start3A_1322 = arith.constant 0 : i32
        %dma_start3A_1323 = tpu.memref_slice %arg2[%add3A_16, %dma_start3A_1322] : memref<1664x100000xf32, #tpu.memory_space<hbm>> -> memref<1x100000xf32, #tpu.memory_space<hbm>>
        %dma_start3A_1324 = tpu.memref_squeeze %dma_start3A_1323 : memref<1x100000xf32, #tpu.memory_space<hbm>> -> memref<100000xf32, #tpu.memory_space<hbm>>
        %dma_start3A_1325 = arith.constant 0 : i32
        %dma_start3A_1326 = tpu.memref_slice %arg2[%add3A_16, %dma_start3A_1325] : memref<1664x100000xf32, #tpu.memory_space<hbm>> -> memref<1x100000xf32, #tpu.memory_space<hbm>>
        %dma_start3A_1327 = tpu.memref_squeeze %dma_start3A_1326 : memref<1x100000xf32, #tpu.memory_space<hbm>> -> memref<100000xf32, #tpu.memory_space<hbm>>
        tpu.enqueue_dma source(%dma_start3A_1327 : memref<100000xf32, #tpu.memory_space<hbm>>) target(%arg5 : memref<100000xf32, #tpu.memory_space<vmem>>) target_semaphore(%run_scoped3A : memref<!tpu.dma_semaphore, #tpu.memory_space<semaphore_mem>>)
        %dma_wait3A_1328 = arith.constant 0 : i32
        %dma_wait3A_1329 = tpu.memref_slice %arg2[%add3A_16, %dma_wait3A_1328] : memref<1664x100000xf32, #tpu.memory_space<hbm>> -> memref<1x100000xf32, #tpu.memory_space<hbm>>
        %dma_wait3A_1330 = tpu.memref_squeeze %dma_wait3A_1329 : memref<1x100000xf32, #tpu.memory_space<hbm>> -> memref<100000xf32, #tpu.memory_space<hbm>>
        %dma_wait3A_1331 = arith.constant 0 : i32
        %dma_wait3A_1332 = tpu.memref_slice %arg2[%add3A_16, %dma_wait3A_1331] : memref<1664x100000xf32, #tpu.memory_space<hbm>> -> memref<1x100000xf32, #tpu.memory_space<hbm>>
        %dma_wait3A_1333 = tpu.memref_squeeze %dma_wait3A_1332 : memref<1x100000xf32, #tpu.memory_space<hbm>> -> memref<100000xf32, #tpu.memory_space<hbm>>
        tpu.wait_dma2 semaphore(%run_scoped3A : memref<!tpu.dma_semaphore, #tpu.memory_space<semaphore_mem>>) src(%dma_wait3A_1333 : memref<100000xf32, #tpu.memory_space<hbm>>) dst(%arg5 : memref<100000xf32, #tpu.memory_space<vmem>>)
        tpu.yield
      }) : () -> ()
      %eq3A = arith.constant 0 : i32
      %eq3A_33 = arith.cmpi eq, %scan3A_14, %eq3A : i32
      %ne3A_34 = arith.cmpi ne, %select_n3A, %scan3A_15 : i32
      %or3A = arith.ori %eq3A_33, %ne3A_34 : i1
      %convert_element_type3A = arith.extui %or3A : i1 to i32
      %cond3A = arith.constant 0 : i32
      %cond3A_35 = arith.cmpi ne, %convert_element_type3A, %cond3A : i32
      scf.if %cond3A_35 {
        "tpu.region"() ({
          %run_scoped3A = tpu.sem_alloc : memref<!tpu.dma_semaphore, #tpu.memory_space<semaphore_mem>>
          %dma_start3A_1322 = arith.constant 0 : i32
          %dma_start3A_1323 = tpu.memref_slice %arg3[%select_n3A, %dma_start3A_1322] : memref<26x4096xi32, #tpu.memory_space<hbm>> -> memref<1x4096xi32, #tpu.memory_space<hbm>>
          %dma_start3A_1324 = tpu.memref_squeeze %dma_start3A_1323 : memref<1x4096xi32, #tpu.memory_space<hbm>> -> memref<4096xi32, #tpu.memory_space<hbm>>
          %dma_start3A_1325 = arith.constant 0 : i32
          %dma_start3A_1326 = tpu.memref_slice %arg3[%select_n3A, %dma_start3A_1325] : memref<26x4096xi32, #tpu.memory_space<hbm>> -> memref<1x4096xi32, #tpu.memory_space<hbm>>
          %dma_start3A_1327 = tpu.memref_squeeze %dma_start3A_1326 : memref<1x4096xi32, #tpu.memory_space<hbm>> -> memref<4096xi32, #tpu.memory_space<hbm>>
          tpu.enqueue_dma source(%dma_start3A_1327 : memref<4096xi32, #tpu.memory_space<hbm>>) target(%arg6 : memref<4096xi32, #tpu.memory_space<vmem>>) target_semaphore(%run_scoped3A : memref<!tpu.dma_semaphore, #tpu.memory_space<semaphore_mem>>)
          %dma_wait3A_1328 = arith.constant 0 : i32
          %dma_wait3A_1329 = tpu.memref_slice %arg3[%select_n3A, %dma_wait3A_1328] : memref<26x4096xi32, #tpu.memory_space<hbm>> -> memref<1x4096xi32, #tpu.memory_space<hbm>>
          %dma_wait3A_1330 = tpu.memref_squeeze %dma_wait3A_1329 : memref<1x4096xi32, #tpu.memory_space<hbm>> -> memref<4096xi32, #tpu.memory_space<hbm>>
          %dma_wait3A_1331 = arith.constant 0 : i32
          %dma_wait3A_1332 = tpu.memref_slice %arg3[%select_n3A, %dma_wait3A_1331] : memref<26x4096xi32, #tpu.memory_space<hbm>> -> memref<1x4096xi32, #tpu.memory_space<hbm>>
          %dma_wait3A_1333 = tpu.memref_squeeze %dma_wait3A_1332 : memref<1x4096xi32, #tpu.memory_space<hbm>> -> memref<4096xi32, #tpu.memory_space<hbm>>
          tpu.wait_dma2 semaphore(%run_scoped3A : memref<!tpu.dma_semaphore, #tpu.memory_space<semaphore_mem>>) src(%dma_wait3A_1333 : memref<4096xi32, #tpu.memory_space<hbm>>) dst(%arg6 : memref<4096xi32, #tpu.memory_space<vmem>>)
          tpu.yield
        }) : () -> ()
      } else {
      }
      %gt3A = arith.constant 0 : i32
      %gt3A_36 = arith.cmpi sgt, %scan3A_14, %gt3A : i32
      %convert_element_type3A_37 = arith.extui %gt3A_36 : i1 to i32
      %cond3A_38 = arith.constant 0 : i32
      %cond3A_39 = arith.cmpi ne, %convert_element_type3A_37, %cond3A_38 : i32
      scf.if %cond3A_39 {
        %dma_wait3A_1322 = arith.constant 0 : i32
        %dma_wait3A_1323 = tpu.memref_slice %arg4[%add3A_16, %dma_wait3A_1322] : memref<1664x4096xf32, #tpu.memory_space<hbm>> -> memref<1x4096xf32, #tpu.memory_space<hbm>>
        %dma_wait3A_1324 = tpu.memref_squeeze %dma_wait3A_1323 : memref<1x4096xf32, #tpu.memory_space<hbm>> -> memref<4096xf32, #tpu.memory_space<hbm>>
        %dma_wait3A_1325 = arith.constant 0 : i32
        %dma_wait3A_1326 = tpu.memref_slice %arg4[%add3A_16, %dma_wait3A_1325] : memref<1664x4096xf32, #tpu.memory_space<hbm>> -> memref<1x4096xf32, #tpu.memory_space<hbm>>
        %dma_wait3A_1327 = tpu.memref_squeeze %dma_wait3A_1326 : memref<1x4096xf32, #tpu.memory_space<hbm>> -> memref<4096xf32, #tpu.memory_space<hbm>>
        tpu.wait_dma2 semaphore(%arg8 : memref<!tpu.dma_semaphore, #tpu.memory_space<semaphore_mem>>) src(%dma_wait3A_1327 : memref<4096xf32, #tpu.memory_space<hbm>>) dst(%arg7 : memref<4096xf32, #tpu.memory_space<vmem>>)
      } else {
      }
      %get3A = arith.constant 0 : index
      %get3A_40 = tpu.vector_load %arg6[%get3A] {strides = array<i32>} : memref<4096xi32, #tpu.memory_space<vmem>>, vector<16xi32>,
      %gather3A = tpu.vector_load_idx %arg5[%get3A_40] : memref<100000xf32, #tpu.memory_space<vmem>>[vector<16xi32>], vector<16xf32>,
      %swap3A = arith.constant 0 : index
      %swap3A_41 = tpu.vector_load %arg7[%swap3A] {strides = array<i32>} : memref<4096xf32, #tpu.memory_space<vmem>>, vector<16xf32>,
      tpu.vector_store %arg7[%swap3A], %gather3A {strides = array<i32>} : memref<4096xf32, #tpu.memory_space<vmem>>, vector<16xf32>,
      %get3A_42 = arith.constant 16 : index
      %get3A_43 = tpu.vector_load %arg6[%get3A_42] {strides = array<i32>} : memref<4096xi32, #tpu.memory_space<vmem>>, vector<16xi32>,
      %gather3A_44 = tpu.vector_load_idx %arg5[%get3A_43] : memref<100000xf32, #tpu.memory_space<vmem>>[vector<16xi32>], vector<16xf32>,
      %swap3A_45 = arith.constant 16 : index
      %swap3A_46 = tpu.vector_load %arg7[%swap3A_45] {strides = array<i32>} : memref<4096xf32, #tpu.memory_space<vmem>>, vector<16xf32>,
      tpu.vector_store %arg7[%swap3A_45], %gather3A_44 {strides = array<i32>} : memref<4096xf32, #tpu.memory_space<vmem>>, vector<16xf32>,
      %get3A_47 = arith.constant 32 : index
      %get3A_48 = tpu.vector_load %arg6[%get3A_47] {strides = array<i32>} : memref<4096xi32, #tpu.memory_space<vmem>>, vector<16xi32>,
      %gather3A_49 = tpu.vector_load_idx %arg5[%get3A_48] : memref<100000xf32, #tpu.memory_space<vmem>>[vector<16xi32>], vector<16xf32>,
      %swap3A_50 = arith.constant 32 : index
      %swap3A_51 = tpu.vector_load %arg7[%swap3A_50] {strides = array<i32>} : memref<4096xf32, #tpu.memory_space<vmem>>, vector<16xf32>,
      tpu.vector_store %arg7[%swap3A_50], %gather3A_49 {strides = array<i32>} : memref<4096xf32, #tpu.memory_space<vmem>>, vector<16xf32>,
      %get3A_52 = arith.constant 48 : index
      %get3A_53 = tpu.vector_load %arg6[%get3A_52] {strides = array<i32>} : memref<4096xi32, #tpu.memory_space<vmem>>, vector<16xi32>,
      %gather3A_54 = tpu.vector_load_idx %arg5[%get3A_53] : memref<100000xf32, #tpu.memory_space<vmem>>[vector<16xi32>], vector<16xf32>,
      %swap3A_55 = arith.constant 48 : index
      %swap3A_56 = tpu.vector_load %arg7[%swap3A_55] {strides = array<i32>} : memref<4096xf32, #tpu.memory_space<vmem>>, vector<16xf32>,
      tpu.vector_store %arg7[%swap3A_55], %gather3A_54 {strides = array<i32>} : memref<4096xf32, #tpu.memory_space<vmem>>, vector<16xf32>,
      %get3A_57 = arith.constant 64 : index
      %get3A_58 = tpu.vector_load %arg6[%get3A_57] {strides = array<i32>} : memref<4096xi32, #tpu.memory_space<vmem>>, vector<16xi32>,
      %gather3A_59 = tpu.vector_load_idx %arg5[%get3A_58] : memref<100000xf32, #tpu.memory_space<vmem>>[vector<16xi32>], vector<16xf32>,
      %swap3A_60 = arith.constant 64 : index
      %swap3A_61 = tpu.vector_load %arg7[%swap3A_60] {strides = array<i32>} : memref<4096xf32, #tpu.memory_space<vmem>>, vector<16xf32>,
      tpu.vector_store %arg7[%swap3A_60], %gather3A_59 {strides = array<i32>} : memref<4096xf32, #tpu.memory_space<vmem>>, vector<16xf32>,
      %get3A_62 = arith.constant 80 : index
      %get3A_63 = tpu.vector_load %arg6[%get3A_62] {strides = array<i32>} : memref<4096xi32, #tpu.memory_space<vmem>>, vector<16xi32>,
      %gather3A_64 = tpu.vector_load_idx %arg5[%get3A_63] : memref<100000xf32, #tpu.memory_space<vmem>>[vector<16xi32>], vector<16xf32>,
      %swap3A_65 = arith.constant 80 : index
      %swap3A_66 = tpu.vector_load %arg7[%swap3A_65] {strides = array<i32>} : memref<4096xf32, #tpu.memory_space<vmem>>, vector<16xf32>,
      tpu.vector_store %arg7[%swap3A_65], %gather3A_64 {strides = array<i32>} : memref<4096xf32, #tpu.memory_space<vmem>>, vector<16xf32>,
      %get3A_67 = arith.constant 96 : index
      %get3A_68 = tpu.vector_load %arg6[%get3A_67] {strides = array<i32>} : memref<4096xi32, #tpu.memory_space<vmem>>, vector<16xi32>,
      %gather3A_69 = tpu.vector_load_idx %arg5[%get3A_68] : memref<100000xf32, #tpu.memory_space<vmem>>[vector<16xi32>], vector<16xf32>,
      %swap3A_70 = arith.constant 96 : index
      %swap3A_71 = tpu.vector_load %arg7[%swap3A_70] {strides = array<i32>} : memref<4096xf32, #tpu.memory_space<vmem>>, vector<16xf32>,
      tpu.vector_store %arg7[%swap3A_70], %gather3A_69 {strides = array<i32>} : memref<4096xf32, #tpu.memory_space<vmem>>, vector<16xf32>,
      %get3A_72 = arith.constant 112 : index
      %get3A_73 = tpu.vector_load %arg6[%get3A_72] {strides = array<i32>} : memref<4096xi32, #tpu.memory_space<vmem>>, vector<16xi32>,
      %gather3A_74 = tpu.vector_load_idx %arg5[%get3A_73] : memref<100000xf32, #tpu.memory_space<vmem>>[vector<16xi32>], vector<16xf32>,
      %swap3A_75 = arith.constant 112 : index
      %swap3A_76 = tpu.vector_load %arg7[%swap3A_75] {strides = array<i32>} : memref<4096xf32, #tpu.memory_space<vmem>>, vector<16xf32>,
      tpu.vector_store %arg7[%swap3A_75], %gather3A_74 {strides = array<i32>} : memref<4096xf32, #tpu.memory_space<vmem>>, vector<16xf32>,
      %get3A_77 = arith.constant 128 : index
      %get3A_78 = tpu.vector_load %arg6[%get3A_77] {strides = array<i32>} : memref<4096xi32, #tpu.memory_space<vmem>>, vector<16xi32>,
      %gather3A_79 = tpu.vector_load_idx %arg5[%get3A_78] : memref<100000xf32, #tpu.memory_space<vmem>>[vector<16xi32>], vector<16xf32>,
      %swap3A_80 = arith.constant 128 : index
      %swap3A_81 = tpu.vector_load %arg7[%swap3A_80] {strides = array<i32>} : memref<4096xf32, #tpu.memory_space<vmem>>, vector<16xf32>,
      tpu.vector_store %arg7[%swap3A_80], %gather3A_79 {strides = array<i32>} : memref<4096xf32, #tpu.memory_space<vmem>>, vector<16xf32>,
      %get3A_82 = arith.constant 144 : index
      %get3A_83 = tpu.vector_load %arg6[%get3A_82] {strides = array<i32>} : memref<4096xi32, #tpu.memory_space<vmem>>, vector<16xi32>,
      %gather3A_84 = tpu.vector_load_idx %arg5[%get3A_83] : memref<100000xf32, #tpu.memory_space<vmem>>[vector<16xi32>], vector<16xf32>,
      %swap3A_85 = arith.constant 144 : index
      %swap3A_86 = tpu.vector_load %arg7[%swap3A_85] {strides = array<i32>} : memref<4096xf32, #tpu.memory_space<vmem>>, vector<16xf32>,
      tpu.vector_store %arg7[%swap3A_85], %gather3A_84 {strides = array<i32>} : memref<4096xf32, #tpu.memory_space<vmem>>, vector<16xf32>,
      %get3A_87 = arith.constant 160 : index
      %get3A_88 = tpu.vector_load %arg6[%get3A_87] {strides = array<i32>} : memref<4096xi32, #tpu.memory_space<vmem>>, vector<16xi32>,
      %gather3A_89 = tpu.vector_load_idx %arg5[%get3A_88] : memref<100000xf32, #tpu.memory_space<vmem>>[vector<16xi32>], vector<16xf32>,
      %swap3A_90 = arith.constant 160 : index
      %swap3A_91 = tpu.vector_load %arg7[%swap3A_90] {strides = array<i32>} : memref<4096xf32, #tpu.memory_space<vmem>>, vector<16xf32>,
      tpu.vector_store %arg7[%swap3A_90], %gather3A_89 {strides = array<i32>} : memref<4096xf32, #tpu.memory_space<vmem>>, vector<16xf32>,
      %get3A_92 = arith.constant 176 : index
      %get3A_93 = tpu.vector_load %arg6[%get3A_92] {strides = array<i32>} : memref<4096xi32, #tpu.memory_space<vmem>>, vector<16xi32>,
      %gather3A_94 = tpu.vector_load_idx %arg5[%get3A_93] : memref<100000xf32, #tpu.memory_space<vmem>>[vector<16xi32>], vector<16xf32>,
      %swap3A_95 = arith.constant 176 : index
      %swap3A_96 = tpu.vector_load %arg7[%swap3A_95] {strides = array<i32>} : memref<4096xf32, #tpu.memory_space<vmem>>, vector<16xf32>,
      tpu.vector_store %arg7[%swap3A_95], %gather3A_94 {strides = array<i32>} : memref<4096xf32, #tpu.memory_space<vmem>>, vector<16xf32>,
      %get3A_97 = arith.constant 192 : index
      %get3A_98 = tpu.vector_load %arg6[%get3A_97] {strides = array<i32>} : memref<4096xi32, #tpu.memory_space<vmem>>, vector<16xi32>,
      %gather3A_99 = tpu.vector_load_idx %arg5[%get3A_98] : memref<100000xf32, #tpu.memory_space<vmem>>[vector<16xi32>], vector<16xf32>,
      %swap3A_100 = arith.constant 192 : index
      %swap3A_101 = tpu.vector_load %arg7[%swap3A_100] {strides = array<i32>} : memref<4096xf32, #tpu.memory_space<vmem>>, vector<16xf32>,
      tpu.vector_store %arg7[%swap3A_100], %gather3A_99 {strides = array<i32>} : memref<4096xf32, #tpu.memory_space<vmem>>, vector<16xf32>,
      %get3A_102 = arith.constant 208 : index
      %get3A_103 = tpu.vector_load %arg6[%get3A_102] {strides = array<i32>} : memref<4096xi32, #tpu.memory_space<vmem>>, vector<16xi32>,
      %gather3A_104 = tpu.vector_load_idx %arg5[%get3A_103] : memref<100000xf32, #tpu.memory_space<vmem>>[vector<16xi32>], vector<16xf32>,
      %swap3A_105 = arith.constant 208 : index
      %swap3A_106 = tpu.vector_load %arg7[%swap3A_105] {strides = array<i32>} : memref<4096xf32, #tpu.memory_space<vmem>>, vector<16xf32>,
      tpu.vector_store %arg7[%swap3A_105], %gather3A_104 {strides = array<i32>} : memref<4096xf32, #tpu.memory_space<vmem>>, vector<16xf32>,
      %get3A_107 = arith.constant 224 : index
      %get3A_108 = tpu.vector_load %arg6[%get3A_107] {strides = array<i32>} : memref<4096xi32, #tpu.memory_space<vmem>>, vector<16xi32>,
      %gather3A_109 = tpu.vector_load_idx %arg5[%get3A_108] : memref<100000xf32, #tpu.memory_space<vmem>>[vector<16xi32>], vector<16xf32>,
      %swap3A_110 = arith.constant 224 : index
      %swap3A_111 = tpu.vector_load %arg7[%swap3A_110] {strides = array<i32>} : memref<4096xf32, #tpu.memory_space<vmem>>, vector<16xf32>,
      tpu.vector_store %arg7[%swap3A_110], %gather3A_109 {strides = array<i32>} : memref<4096xf32, #tpu.memory_space<vmem>>, vector<16xf32>,
      %get3A_112 = arith.constant 240 : index
      %get3A_113 = tpu.vector_load %arg6[%get3A_112] {strides = array<i32>} : memref<4096xi32, #tpu.memory_space<vmem>>, vector<16xi32>,
      %gather3A_114 = tpu.vector_load_idx %arg5[%get3A_113] : memref<100000xf32, #tpu.memory_space<vmem>>[vector<16xi32>], vector<16xf32>,
      %swap3A_115 = arith.constant 240 : index
      %swap3A_116 = tpu.vector_load %arg7[%swap3A_115] {strides = array<i32>} : memref<4096xf32, #tpu.memory_space<vmem>>, vector<16xf32>,
      tpu.vector_store %arg7[%swap3A_115], %gather3A_114 {strides = array<i32>} : memref<4096xf32, #tpu.memory_space<vmem>>, vector<16xf32>,
      %get3A_117 = arith.constant 256 : index
      %get3A_118 = tpu.vector_load %arg6[%get3A_117] {strides = array<i32>} : memref<4096xi32, #tpu.memory_space<vmem>>, vector<16xi32>,
      %gather3A_119 = tpu.vector_load_idx %arg5[%get3A_118] : memref<100000xf32, #tpu.memory_space<vmem>>[vector<16xi32>], vector<16xf32>,
      %swap3A_120 = arith.constant 256 : index
      %swap3A_121 = tpu.vector_load %arg7[%swap3A_120] {strides = array<i32>} : memref<4096xf32, #tpu.memory_space<vmem>>, vector<16xf32>,
      tpu.vector_store %arg7[%swap3A_120], %gather3A_119 {strides = array<i32>} : memref<4096xf32, #tpu.memory_space<vmem>>, vector<16xf32>,
      %get3A_122 = arith.constant 272 : index
      %get3A_123 = tpu.vector_load %arg6[%get3A_122] {strides = array<i32>} : memref<4096xi32, #tpu.memory_space<vmem>>, vector<16xi32>,
      %gather3A_124 = tpu.vector_load_idx %arg5[%get3A_123] : memref<100000xf32, #tpu.memory_space<vmem>>[vector<16xi32>], vector<16xf32>,
      %swap3A_125 = arith.constant 272 : index
      %swap3A_126 = tpu.vector_load %arg7[%swap3A_125] {strides = array<i32>} : memref<4096xf32, #tpu.memory_space<vmem>>, vector<16xf32>,
      tpu.vector_store %arg7[%swap3A_125], %gather3A_124 {strides = array<i32>} : memref<4096xf32, #tpu.memory_space<vmem>>, vector<16xf32>,
      %get3A_127 = arith.constant 288 : index
      %get3A_128 = tpu.vector_load %arg6[%get3A_127] {strides = array<i32>} : memref<4096xi32, #tpu.memory_space<vmem>>, vector<16xi32>,
      %gather3A_129 = tpu.vector_load_idx %arg5[%get3A_128] : memref<100000xf32, #tpu.memory_space<vmem>>[vector<16xi32>], vector<16xf32>,
      %swap3A_130 = arith.constant 288 : index
      %swap3A_131 = tpu.vector_load %arg7[%swap3A_130] {strides = array<i32>} : memref<4096xf32, #tpu.memory_space<vmem>>, vector<16xf32>,
      tpu.vector_store %arg7[%swap3A_130], %gather3A_129 {strides = array<i32>} : memref<4096xf32, #tpu.memory_space<vmem>>, vector<16xf32>,
      %get3A_132 = arith.constant 304 : index
      %get3A_133 = tpu.vector_load %arg6[%get3A_132] {strides = array<i32>} : memref<4096xi32, #tpu.memory_space<vmem>>, vector<16xi32>,
      %gather3A_134 = tpu.vector_load_idx %arg5[%get3A_133] : memref<100000xf32, #tpu.memory_space<vmem>>[vector<16xi32>], vector<16xf32>,
      %swap3A_135 = arith.constant 304 : index
      %swap3A_136 = tpu.vector_load %arg7[%swap3A_135] {strides = array<i32>} : memref<4096xf32, #tpu.memory_space<vmem>>, vector<16xf32>,
      tpu.vector_store %arg7[%swap3A_135], %gather3A_134 {strides = array<i32>} : memref<4096xf32, #tpu.memory_space<vmem>>, vector<16xf32>,
      %get3A_137 = arith.constant 320 : index
      %get3A_138 = tpu.vector_load %arg6[%get3A_137] {strides = array<i32>} : memref<4096xi32, #tpu.memory_space<vmem>>, vector<16xi32>,
      %gather3A_139 = tpu.vector_load_idx %arg5[%get3A_138] : memref<100000xf32, #tpu.memory_space<vmem>>[vector<16xi32>], vector<16xf32>,
      %swap3A_140 = arith.constant 320 : index
      %swap3A_141 = tpu.vector_load %arg7[%swap3A_140] {strides = array<i32>} : memref<4096xf32, #tpu.memory_space<vmem>>, vector<16xf32>,
      tpu.vector_store %arg7[%swap3A_140], %gather3A_139 {strides = array<i32>} : memref<4096xf32, #tpu.memory_space<vmem>>, vector<16xf32>,
      %get3A_142 = arith.constant 336 : index
      %get3A_143 = tpu.vector_load %arg6[%get3A_142] {strides = array<i32>} : memref<4096xi32, #tpu.memory_space<vmem>>, vector<16xi32>,
      %gather3A_144 = tpu.vector_load_idx %arg5[%get3A_143] : memref<100000xf32, #tpu.memory_space<vmem>>[vector<16xi32>], vector<16xf32>,
      %swap3A_145 = arith.constant 336 : index
      %swap3A_146 = tpu.vector_load %arg7[%swap3A_145] {strides = array<i32>} : memref<4096xf32, #tpu.memory_space<vmem>>, vector<16xf32>,
      tpu.vector_store %arg7[%swap3A_145], %gather3A_144 {strides = array<i32>} : memref<4096xf32, #tpu.memory_space<vmem>>, vector<16xf32>,
      %get3A_147 = arith.constant 352 : index
      %get3A_148 = tpu.vector_load %arg6[%get3A_147] {strides = array<i32>} : memref<4096xi32, #tpu.memory_space<vmem>>, vector<16xi32>,
      %gather3A_149 = tpu.vector_load_idx %arg5[%get3A_148] : memref<100000xf32, #tpu.memory_space<vmem>>[vector<16xi32>], vector<16xf32>,
      %swap3A_150 = arith.constant 352 : index
      %swap3A_151 = tpu.vector_load %arg7[%swap3A_150] {strides = array<i32>} : memref<4096xf32, #tpu.memory_space<vmem>>, vector<16xf32>,
      tpu.vector_store %arg7[%swap3A_150], %gather3A_149 {strides = array<i32>} : memref<4096xf32, #tpu.memory_space<vmem>>, vector<16xf32>,
      %get3A_152 = arith.constant 368 : index
      %get3A_153 = tpu.vector_load %arg6[%get3A_152] {strides = array<i32>} : memref<4096xi32, #tpu.memory_space<vmem>>, vector<16xi32>,
      %gather3A_154 = tpu.vector_load_idx %arg5[%get3A_153] : memref<100000xf32, #tpu.memory_space<vmem>>[vector<16xi32>], vector<16xf32>,
      %swap3A_155 = arith.constant 368 : index
      %swap3A_156 = tpu.vector_load %arg7[%swap3A_155] {strides = array<i32>} : memref<4096xf32, #tpu.memory_space<vmem>>, vector<16xf32>,
      tpu.vector_store %arg7[%swap3A_155], %gather3A_154 {strides = array<i32>} : memref<4096xf32, #tpu.memory_space<vmem>>, vector<16xf32>,
      %get3A_157 = arith.constant 384 : index
      %get3A_158 = tpu.vector_load %arg6[%get3A_157] {strides = array<i32>} : memref<4096xi32, #tpu.memory_space<vmem>>, vector<16xi32>,
      %gather3A_159 = tpu.vector_load_idx %arg5[%get3A_158] : memref<100000xf32, #tpu.memory_space<vmem>>[vector<16xi32>], vector<16xf32>,
      %swap3A_160 = arith.constant 384 : index
      %swap3A_161 = tpu.vector_load %arg7[%swap3A_160] {strides = array<i32>} : memref<4096xf32, #tpu.memory_space<vmem>>, vector<16xf32>,
      tpu.vector_store %arg7[%swap3A_160], %gather3A_159 {strides = array<i32>} : memref<4096xf32, #tpu.memory_space<vmem>>, vector<16xf32>,
      %get3A_162 = arith.constant 400 : index
      %get3A_163 = tpu.vector_load %arg6[%get3A_162] {strides = array<i32>} : memref<4096xi32, #tpu.memory_space<vmem>>, vector<16xi32>,
      %gather3A_164 = tpu.vector_load_idx %arg5[%get3A_163] : memref<100000xf32, #tpu.memory_space<vmem>>[vector<16xi32>], vector<16xf32>,
      %swap3A_165 = arith.constant 400 : index
      %swap3A_166 = tpu.vector_load %arg7[%swap3A_165] {strides = array<i32>} : memref<4096xf32, #tpu.memory_space<vmem>>, vector<16xf32>,
      tpu.vector_store %arg7[%swap3A_165], %gather3A_164 {strides = array<i32>} : memref<4096xf32, #tpu.memory_space<vmem>>, vector<16xf32>,
      %get3A_167 = arith.constant 416 : index
      %get3A_168 = tpu.vector_load %arg6[%get3A_167] {strides = array<i32>} : memref<4096xi32, #tpu.memory_space<vmem>>, vector<16xi32>,
      %gather3A_169 = tpu.vector_load_idx %arg5[%get3A_168] : memref<100000xf32, #tpu.memory_space<vmem>>[vector<16xi32>], vector<16xf32>,
      %swap3A_170 = arith.constant 416 : index
      %swap3A_171 = tpu.vector_load %arg7[%swap3A_170] {strides = array<i32>} : memref<4096xf32, #tpu.memory_space<vmem>>, vector<16xf32>,
      tpu.vector_store %arg7[%swap3A_170], %gather3A_169 {strides = array<i32>} : memref<4096xf32, #tpu.memory_space<vmem>>, vector<16xf32>,
      %get3A_172 = arith.constant 432 : index
      %get3A_173 = tpu.vector_load %arg6[%get3A_172] {strides = array<i32>} : memref<4096xi32, #tpu.memory_space<vmem>>, vector<16xi32>,
      %gather3A_174 = tpu.vector_load_idx %arg5[%get3A_173] : memref<100000xf32, #tpu.memory_space<vmem>>[vector<16xi32>], vector<16xf32>,
      %swap3A_175 = arith.constant 432 : index
      %swap3A_176 = tpu.vector_load %arg7[%swap3A_175] {strides = array<i32>} : memref<4096xf32, #tpu.memory_space<vmem>>, vector<16xf32>,
      tpu.vector_store %arg7[%swap3A_175], %gather3A_174 {strides = array<i32>} : memref<4096xf32, #tpu.memory_space<vmem>>, vector<16xf32>,
      %get3A_177 = arith.constant 448 : index
      %get3A_178 = tpu.vector_load %arg6[%get3A_177] {strides = array<i32>} : memref<4096xi32, #tpu.memory_space<vmem>>, vector<16xi32>,
      %gather3A_179 = tpu.vector_load_idx %arg5[%get3A_178] : memref<100000xf32, #tpu.memory_space<vmem>>[vector<16xi32>], vector<16xf32>,
      %swap3A_180 = arith.constant 448 : index
      %swap3A_181 = tpu.vector_load %arg7[%swap3A_180] {strides = array<i32>} : memref<4096xf32, #tpu.memory_space<vmem>>, vector<16xf32>,
      tpu.vector_store %arg7[%swap3A_180], %gather3A_179 {strides = array<i32>} : memref<4096xf32, #tpu.memory_space<vmem>>, vector<16xf32>,
      %get3A_182 = arith.constant 464 : index
      %get3A_183 = tpu.vector_load %arg6[%get3A_182] {strides = array<i32>} : memref<4096xi32, #tpu.memory_space<vmem>>, vector<16xi32>,
      %gather3A_184 = tpu.vector_load_idx %arg5[%get3A_183] : memref<100000xf32, #tpu.memory_space<vmem>>[vector<16xi32>], vector<16xf32>,
      %swap3A_185 = arith.constant 464 : index
      %swap3A_186 = tpu.vector_load %arg7[%swap3A_185] {strides = array<i32>} : memref<4096xf32, #tpu.memory_space<vmem>>, vector<16xf32>,
      tpu.vector_store %arg7[%swap3A_185], %gather3A_184 {strides = array<i32>} : memref<4096xf32, #tpu.memory_space<vmem>>, vector<16xf32>,
      %get3A_187 = arith.constant 480 : index
      %get3A_188 = tpu.vector_load %arg6[%get3A_187] {strides = array<i32>} : memref<4096xi32, #tpu.memory_space<vmem>>, vector<16xi32>,
      %gather3A_189 = tpu.vector_load_idx %arg5[%get3A_188] : memref<100000xf32, #tpu.memory_space<vmem>>[vector<16xi32>], vector<16xf32>,
      %swap3A_190 = arith.constant 480 : index
      %swap3A_191 = tpu.vector_load %arg7[%swap3A_190] {strides = array<i32>} : memref<4096xf32, #tpu.memory_space<vmem>>, vector<16xf32>,
      tpu.vector_store %arg7[%swap3A_190], %gather3A_189 {strides = array<i32>} : memref<4096xf32, #tpu.memory_space<vmem>>, vector<16xf32>,
      %get3A_192 = arith.constant 496 : index
      %get3A_193 = tpu.vector_load %arg6[%get3A_192] {strides = array<i32>} : memref<4096xi32, #tpu.memory_space<vmem>>, vector<16xi32>,
      %gather3A_194 = tpu.vector_load_idx %arg5[%get3A_193] : memref<100000xf32, #tpu.memory_space<vmem>>[vector<16xi32>], vector<16xf32>,
      %swap3A_195 = arith.constant 496 : index
      %swap3A_196 = tpu.vector_load %arg7[%swap3A_195] {strides = array<i32>} : memref<4096xf32, #tpu.memory_space<vmem>>, vector<16xf32>,
      tpu.vector_store %arg7[%swap3A_195], %gather3A_194 {strides = array<i32>} : memref<4096xf32, #tpu.memory_space<vmem>>, vector<16xf32>,
      %get3A_197 = arith.constant 512 : index
      %get3A_198 = tpu.vector_load %arg6[%get3A_197] {strides = array<i32>} : memref<4096xi32, #tpu.memory_space<vmem>>, vector<16xi32>,
      %gather3A_199 = tpu.vector_load_idx %arg5[%get3A_198] : memref<100000xf32, #tpu.memory_space<vmem>>[vector<16xi32>], vector<16xf32>,
      %swap3A_200 = arith.constant 512 : index
      %swap3A_201 = tpu.vector_load %arg7[%swap3A_200] {strides = array<i32>} : memref<4096xf32, #tpu.memory_space<vmem>>, vector<16xf32>,
      tpu.vector_store %arg7[%swap3A_200], %gather3A_199 {strides = array<i32>} : memref<4096xf32, #tpu.memory_space<vmem>>, vector<16xf32>,
      %get3A_202 = arith.constant 528 : index
      %get3A_203 = tpu.vector_load %arg6[%get3A_202] {strides = array<i32>} : memref<4096xi32, #tpu.memory_space<vmem>>, vector<16xi32>,
      %gather3A_204 = tpu.vector_load_idx %arg5[%get3A_203] : memref<100000xf32, #tpu.memory_space<vmem>>[vector<16xi32>], vector<16xf32>,
      %swap3A_205 = arith.constant 528 : index
      %swap3A_206 = tpu.vector_load %arg7[%swap3A_205] {strides = array<i32>} : memref<4096xf32, #tpu.memory_space<vmem>>, vector<16xf32>,
      tpu.vector_store %arg7[%swap3A_205], %gather3A_204 {strides = array<i32>} : memref<4096xf32, #tpu.memory_space<vmem>>, vector<16xf32>,
      %get3A_207 = arith.constant 544 : index
      %get3A_208 = tpu.vector_load %arg6[%get3A_207] {strides = array<i32>} : memref<4096xi32, #tpu.memory_space<vmem>>, vector<16xi32>,
      %gather3A_209 = tpu.vector_load_idx %arg5[%get3A_208] : memref<100000xf32, #tpu.memory_space<vmem>>[vector<16xi32>], vector<16xf32>,
      %swap3A_210 = arith.constant 544 : index
      %swap3A_211 = tpu.vector_load %arg7[%swap3A_210] {strides = array<i32>} : memref<4096xf32, #tpu.memory_space<vmem>>, vector<16xf32>,
      tpu.vector_store %arg7[%swap3A_210], %gather3A_209 {strides = array<i32>} : memref<4096xf32, #tpu.memory_space<vmem>>, vector<16xf32>,
      %get3A_212 = arith.constant 560 : index
      %get3A_213 = tpu.vector_load %arg6[%get3A_212] {strides = array<i32>} : memref<4096xi32, #tpu.memory_space<vmem>>, vector<16xi32>,
      %gather3A_214 = tpu.vector_load_idx %arg5[%get3A_213] : memref<100000xf32, #tpu.memory_space<vmem>>[vector<16xi32>], vector<16xf32>,
      %swap3A_215 = arith.constant 560 : index
      %swap3A_216 = tpu.vector_load %arg7[%swap3A_215] {strides = array<i32>} : memref<4096xf32, #tpu.memory_space<vmem>>, vector<16xf32>,
      tpu.vector_store %arg7[%swap3A_215], %gather3A_214 {strides = array<i32>} : memref<4096xf32, #tpu.memory_space<vmem>>, vector<16xf32>,
      %get3A_217 = arith.constant 576 : index
      %get3A_218 = tpu.vector_load %arg6[%get3A_217] {strides = array<i32>} : memref<4096xi32, #tpu.memory_space<vmem>>, vector<16xi32>,
      %gather3A_219 = tpu.vector_load_idx %arg5[%get3A_218] : memref<100000xf32, #tpu.memory_space<vmem>>[vector<16xi32>], vector<16xf32>,
      %swap3A_220 = arith.constant 576 : index
      %swap3A_221 = tpu.vector_load %arg7[%swap3A_220] {strides = array<i32>} : memref<4096xf32, #tpu.memory_space<vmem>>, vector<16xf32>,
      tpu.vector_store %arg7[%swap3A_220], %gather3A_219 {strides = array<i32>} : memref<4096xf32, #tpu.memory_space<vmem>>, vector<16xf32>,
      %get3A_222 = arith.constant 592 : index
      %get3A_223 = tpu.vector_load %arg6[%get3A_222] {strides = array<i32>} : memref<4096xi32, #tpu.memory_space<vmem>>, vector<16xi32>,
      %gather3A_224 = tpu.vector_load_idx %arg5[%get3A_223] : memref<100000xf32, #tpu.memory_space<vmem>>[vector<16xi32>], vector<16xf32>,
      %swap3A_225 = arith.constant 592 : index
      %swap3A_226 = tpu.vector_load %arg7[%swap3A_225] {strides = array<i32>} : memref<4096xf32, #tpu.memory_space<vmem>>, vector<16xf32>,
      tpu.vector_store %arg7[%swap3A_225], %gather3A_224 {strides = array<i32>} : memref<4096xf32, #tpu.memory_space<vmem>>, vector<16xf32>,
      %get3A_227 = arith.constant 608 : index
      %get3A_228 = tpu.vector_load %arg6[%get3A_227] {strides = array<i32>} : memref<4096xi32, #tpu.memory_space<vmem>>, vector<16xi32>,
      %gather3A_229 = tpu.vector_load_idx %arg5[%get3A_228] : memref<100000xf32, #tpu.memory_space<vmem>>[vector<16xi32>], vector<16xf32>,
      %swap3A_230 = arith.constant 608 : index
      %swap3A_231 = tpu.vector_load %arg7[%swap3A_230] {strides = array<i32>} : memref<4096xf32, #tpu.memory_space<vmem>>, vector<16xf32>,
      tpu.vector_store %arg7[%swap3A_230], %gather3A_229 {strides = array<i32>} : memref<4096xf32, #tpu.memory_space<vmem>>, vector<16xf32>,
      %get3A_232 = arith.constant 624 : index
      %get3A_233 = tpu.vector_load %arg6[%get3A_232] {strides = array<i32>} : memref<4096xi32, #tpu.memory_space<vmem>>, vector<16xi32>,
      %gather3A_234 = tpu.vector_load_idx %arg5[%get3A_233] : memref<100000xf32, #tpu.memory_space<vmem>>[vector<16xi32>], vector<16xf32>,
      %swap3A_235 = arith.constant 624 : index
      %swap3A_236 = tpu.vector_load %arg7[%swap3A_235] {strides = array<i32>} : memref<4096xf32, #tpu.memory_space<vmem>>, vector<16xf32>,
      tpu.vector_store %arg7[%swap3A_235], %gather3A_234 {strides = array<i32>} : memref<4096xf32, #tpu.memory_space<vmem>>, vector<16xf32>,
      %get3A_237 = arith.constant 640 : index
      %get3A_238 = tpu.vector_load %arg6[%get3A_237] {strides = array<i32>} : memref<4096xi32, #tpu.memory_space<vmem>>, vector<16xi32>,
      %gather3A_239 = tpu.vector_load_idx %arg5[%get3A_238] : memref<100000xf32, #tpu.memory_space<vmem>>[vector<16xi32>], vector<16xf32>,
      %swap3A_240 = arith.constant 640 : index
      %swap3A_241 = tpu.vector_load %arg7[%swap3A_240] {strides = array<i32>} : memref<4096xf32, #tpu.memory_space<vmem>>, vector<16xf32>,
      tpu.vector_store %arg7[%swap3A_240], %gather3A_239 {strides = array<i32>} : memref<4096xf32, #tpu.memory_space<vmem>>, vector<16xf32>,
      %get3A_242 = arith.constant 656 : index
      %get3A_243 = tpu.vector_load %arg6[%get3A_242] {strides = array<i32>} : memref<4096xi32, #tpu.memory_space<vmem>>, vector<16xi32>,
      %gather3A_244 = tpu.vector_load_idx %arg5[%get3A_243] : memref<100000xf32, #tpu.memory_space<vmem>>[vector<16xi32>], vector<16xf32>,
      %swap3A_245 = arith.constant 656 : index
      %swap3A_246 = tpu.vector_load %arg7[%swap3A_245] {strides = array<i32>} : memref<4096xf32, #tpu.memory_space<vmem>>, vector<16xf32>,
      tpu.vector_store %arg7[%swap3A_245], %gather3A_244 {strides = array<i32>} : memref<4096xf32, #tpu.memory_space<vmem>>, vector<16xf32>,
      %get3A_247 = arith.constant 672 : index
      %get3A_248 = tpu.vector_load %arg6[%get3A_247] {strides = array<i32>} : memref<4096xi32, #tpu.memory_space<vmem>>, vector<16xi32>,
      %gather3A_249 = tpu.vector_load_idx %arg5[%get3A_248] : memref<100000xf32, #tpu.memory_space<vmem>>[vector<16xi32>], vector<16xf32>,
      %swap3A_250 = arith.constant 672 : index
      %swap3A_251 = tpu.vector_load %arg7[%swap3A_250] {strides = array<i32>} : memref<4096xf32, #tpu.memory_space<vmem>>, vector<16xf32>,
      tpu.vector_store %arg7[%swap3A_250], %gather3A_249 {strides = array<i32>} : memref<4096xf32, #tpu.memory_space<vmem>>, vector<16xf32>,
      %get3A_252 = arith.constant 688 : index
      %get3A_253 = tpu.vector_load %arg6[%get3A_252] {strides = array<i32>} : memref<4096xi32, #tpu.memory_space<vmem>>, vector<16xi32>,
      %gather3A_254 = tpu.vector_load_idx %arg5[%get3A_253] : memref<100000xf32, #tpu.memory_space<vmem>>[vector<16xi32>], vector<16xf32>,
      %swap3A_255 = arith.constant 688 : index
      %swap3A_256 = tpu.vector_load %arg7[%swap3A_255] {strides = array<i32>} : memref<4096xf32, #tpu.memory_space<vmem>>, vector<16xf32>,
      tpu.vector_store %arg7[%swap3A_255], %gather3A_254 {strides = array<i32>} : memref<4096xf32, #tpu.memory_space<vmem>>, vector<16xf32>,
      %get3A_257 = arith.constant 704 : index
      %get3A_258 = tpu.vector_load %arg6[%get3A_257] {strides = array<i32>} : memref<4096xi32, #tpu.memory_space<vmem>>, vector<16xi32>,
      %gather3A_259 = tpu.vector_load_idx %arg5[%get3A_258] : memref<100000xf32, #tpu.memory_space<vmem>>[vector<16xi32>], vector<16xf32>,
      %swap3A_260 = arith.constant 704 : index
      %swap3A_261 = tpu.vector_load %arg7[%swap3A_260] {strides = array<i32>} : memref<4096xf32, #tpu.memory_space<vmem>>, vector<16xf32>,
      tpu.vector_store %arg7[%swap3A_260], %gather3A_259 {strides = array<i32>} : memref<4096xf32, #tpu.memory_space<vmem>>, vector<16xf32>,
      %get3A_262 = arith.constant 720 : index
      %get3A_263 = tpu.vector_load %arg6[%get3A_262] {strides = array<i32>} : memref<4096xi32, #tpu.memory_space<vmem>>, vector<16xi32>,
      %gather3A_264 = tpu.vector_load_idx %arg5[%get3A_263] : memref<100000xf32, #tpu.memory_space<vmem>>[vector<16xi32>], vector<16xf32>,
      %swap3A_265 = arith.constant 720 : index
      %swap3A_266 = tpu.vector_load %arg7[%swap3A_265] {strides = array<i32>} : memref<4096xf32, #tpu.memory_space<vmem>>, vector<16xf32>,
      tpu.vector_store %arg7[%swap3A_265], %gather3A_264 {strides = array<i32>} : memref<4096xf32, #tpu.memory_space<vmem>>, vector<16xf32>,
      %get3A_267 = arith.constant 736 : index
      %get3A_268 = tpu.vector_load %arg6[%get3A_267] {strides = array<i32>} : memref<4096xi32, #tpu.memory_space<vmem>>, vector<16xi32>,
      %gather3A_269 = tpu.vector_load_idx %arg5[%get3A_268] : memref<100000xf32, #tpu.memory_space<vmem>>[vector<16xi32>], vector<16xf32>,
      %swap3A_270 = arith.constant 736 : index
      %swap3A_271 = tpu.vector_load %arg7[%swap3A_270] {strides = array<i32>} : memref<4096xf32, #tpu.memory_space<vmem>>, vector<16xf32>,
      tpu.vector_store %arg7[%swap3A_270], %gather3A_269 {strides = array<i32>} : memref<4096xf32, #tpu.memory_space<vmem>>, vector<16xf32>,
      %get3A_272 = arith.constant 752 : index
      %get3A_273 = tpu.vector_load %arg6[%get3A_272] {strides = array<i32>} : memref<4096xi32, #tpu.memory_space<vmem>>, vector<16xi32>,
      %gather3A_274 = tpu.vector_load_idx %arg5[%get3A_273] : memref<100000xf32, #tpu.memory_space<vmem>>[vector<16xi32>], vector<16xf32>,
      %swap3A_275 = arith.constant 752 : index
      %swap3A_276 = tpu.vector_load %arg7[%swap3A_275] {strides = array<i32>} : memref<4096xf32, #tpu.memory_space<vmem>>, vector<16xf32>,
      tpu.vector_store %arg7[%swap3A_275], %gather3A_274 {strides = array<i32>} : memref<4096xf32, #tpu.memory_space<vmem>>, vector<16xf32>,
      %get3A_277 = arith.constant 768 : index
      %get3A_278 = tpu.vector_load %arg6[%get3A_277] {strides = array<i32>} : memref<4096xi32, #tpu.memory_space<vmem>>, vector<16xi32>,
      %gather3A_279 = tpu.vector_load_idx %arg5[%get3A_278] : memref<100000xf32, #tpu.memory_space<vmem>>[vector<16xi32>], vector<16xf32>,
      %swap3A_280 = arith.constant 768 : index
      %swap3A_281 = tpu.vector_load %arg7[%swap3A_280] {strides = array<i32>} : memref<4096xf32, #tpu.memory_space<vmem>>, vector<16xf32>,
      tpu.vector_store %arg7[%swap3A_280], %gather3A_279 {strides = array<i32>} : memref<4096xf32, #tpu.memory_space<vmem>>, vector<16xf32>,
      %get3A_282 = arith.constant 784 : index
      %get3A_283 = tpu.vector_load %arg6[%get3A_282] {strides = array<i32>} : memref<4096xi32, #tpu.memory_space<vmem>>, vector<16xi32>,
      %gather3A_284 = tpu.vector_load_idx %arg5[%get3A_283] : memref<100000xf32, #tpu.memory_space<vmem>>[vector<16xi32>], vector<16xf32>,
      %swap3A_285 = arith.constant 784 : index
      %swap3A_286 = tpu.vector_load %arg7[%swap3A_285] {strides = array<i32>} : memref<4096xf32, #tpu.memory_space<vmem>>, vector<16xf32>,
      tpu.vector_store %arg7[%swap3A_285], %gather3A_284 {strides = array<i32>} : memref<4096xf32, #tpu.memory_space<vmem>>, vector<16xf32>,
      %get3A_287 = arith.constant 800 : index
      %get3A_288 = tpu.vector_load %arg6[%get3A_287] {strides = array<i32>} : memref<4096xi32, #tpu.memory_space<vmem>>, vector<16xi32>,
      %gather3A_289 = tpu.vector_load_idx %arg5[%get3A_288] : memref<100000xf32, #tpu.memory_space<vmem>>[vector<16xi32>], vector<16xf32>,
      %swap3A_290 = arith.constant 800 : index
      %swap3A_291 = tpu.vector_load %arg7[%swap3A_290] {strides = array<i32>} : memref<4096xf32, #tpu.memory_space<vmem>>, vector<16xf32>,
      tpu.vector_store %arg7[%swap3A_290], %gather3A_289 {strides = array<i32>} : memref<4096xf32, #tpu.memory_space<vmem>>, vector<16xf32>,
      %get3A_292 = arith.constant 816 : index
      %get3A_293 = tpu.vector_load %arg6[%get3A_292] {strides = array<i32>} : memref<4096xi32, #tpu.memory_space<vmem>>, vector<16xi32>,
      %gather3A_294 = tpu.vector_load_idx %arg5[%get3A_293] : memref<100000xf32, #tpu.memory_space<vmem>>[vector<16xi32>], vector<16xf32>,
      %swap3A_295 = arith.constant 816 : index
      %swap3A_296 = tpu.vector_load %arg7[%swap3A_295] {strides = array<i32>} : memref<4096xf32, #tpu.memory_space<vmem>>, vector<16xf32>,
      tpu.vector_store %arg7[%swap3A_295], %gather3A_294 {strides = array<i32>} : memref<4096xf32, #tpu.memory_space<vmem>>, vector<16xf32>,
      %get3A_297 = arith.constant 832 : index
      %get3A_298 = tpu.vector_load %arg6[%get3A_297] {strides = array<i32>} : memref<4096xi32, #tpu.memory_space<vmem>>, vector<16xi32>,
      %gather3A_299 = tpu.vector_load_idx %arg5[%get3A_298] : memref<100000xf32, #tpu.memory_space<vmem>>[vector<16xi32>], vector<16xf32>,
      %swap3A_300 = arith.constant 832 : index
      %swap3A_301 = tpu.vector_load %arg7[%swap3A_300] {strides = array<i32>} : memref<4096xf32, #tpu.memory_space<vmem>>, vector<16xf32>,
      tpu.vector_store %arg7[%swap3A_300], %gather3A_299 {strides = array<i32>} : memref<4096xf32, #tpu.memory_space<vmem>>, vector<16xf32>,
      %get3A_302 = arith.constant 848 : index
      %get3A_303 = tpu.vector_load %arg6[%get3A_302] {strides = array<i32>} : memref<4096xi32, #tpu.memory_space<vmem>>, vector<16xi32>,
      %gather3A_304 = tpu.vector_load_idx %arg5[%get3A_303] : memref<100000xf32, #tpu.memory_space<vmem>>[vector<16xi32>], vector<16xf32>,
      %swap3A_305 = arith.constant 848 : index
      %swap3A_306 = tpu.vector_load %arg7[%swap3A_305] {strides = array<i32>} : memref<4096xf32, #tpu.memory_space<vmem>>, vector<16xf32>,
      tpu.vector_store %arg7[%swap3A_305], %gather3A_304 {strides = array<i32>} : memref<4096xf32, #tpu.memory_space<vmem>>, vector<16xf32>,
      %get3A_307 = arith.constant 864 : index
      %get3A_308 = tpu.vector_load %arg6[%get3A_307] {strides = array<i32>} : memref<4096xi32, #tpu.memory_space<vmem>>, vector<16xi32>,
      %gather3A_309 = tpu.vector_load_idx %arg5[%get3A_308] : memref<100000xf32, #tpu.memory_space<vmem>>[vector<16xi32>], vector<16xf32>,
      %swap3A_310 = arith.constant 864 : index
      %swap3A_311 = tpu.vector_load %arg7[%swap3A_310] {strides = array<i32>} : memref<4096xf32, #tpu.memory_space<vmem>>, vector<16xf32>,
      tpu.vector_store %arg7[%swap3A_310], %gather3A_309 {strides = array<i32>} : memref<4096xf32, #tpu.memory_space<vmem>>, vector<16xf32>,
      %get3A_312 = arith.constant 880 : index
      %get3A_313 = tpu.vector_load %arg6[%get3A_312] {strides = array<i32>} : memref<4096xi32, #tpu.memory_space<vmem>>, vector<16xi32>,
      %gather3A_314 = tpu.vector_load_idx %arg5[%get3A_313] : memref<100000xf32, #tpu.memory_space<vmem>>[vector<16xi32>], vector<16xf32>,
      %swap3A_315 = arith.constant 880 : index
      %swap3A_316 = tpu.vector_load %arg7[%swap3A_315] {strides = array<i32>} : memref<4096xf32, #tpu.memory_space<vmem>>, vector<16xf32>,
      tpu.vector_store %arg7[%swap3A_315], %gather3A_314 {strides = array<i32>} : memref<4096xf32, #tpu.memory_space<vmem>>, vector<16xf32>,
      %get3A_317 = arith.constant 896 : index
      %get3A_318 = tpu.vector_load %arg6[%get3A_317] {strides = array<i32>} : memref<4096xi32, #tpu.memory_space<vmem>>, vector<16xi32>,
      %gather3A_319 = tpu.vector_load_idx %arg5[%get3A_318] : memref<100000xf32, #tpu.memory_space<vmem>>[vector<16xi32>], vector<16xf32>,
      %swap3A_320 = arith.constant 896 : index
      %swap3A_321 = tpu.vector_load %arg7[%swap3A_320] {strides = array<i32>} : memref<4096xf32, #tpu.memory_space<vmem>>, vector<16xf32>,
      tpu.vector_store %arg7[%swap3A_320], %gather3A_319 {strides = array<i32>} : memref<4096xf32, #tpu.memory_space<vmem>>, vector<16xf32>,
      %get3A_322 = arith.constant 912 : index
      %get3A_323 = tpu.vector_load %arg6[%get3A_322] {strides = array<i32>} : memref<4096xi32, #tpu.memory_space<vmem>>, vector<16xi32>,
      %gather3A_324 = tpu.vector_load_idx %arg5[%get3A_323] : memref<100000xf32, #tpu.memory_space<vmem>>[vector<16xi32>], vector<16xf32>,
      %swap3A_325 = arith.constant 912 : index
      %swap3A_326 = tpu.vector_load %arg7[%swap3A_325] {strides = array<i32>} : memref<4096xf32, #tpu.memory_space<vmem>>, vector<16xf32>,
      tpu.vector_store %arg7[%swap3A_325], %gather3A_324 {strides = array<i32>} : memref<4096xf32, #tpu.memory_space<vmem>>, vector<16xf32>,
      %get3A_327 = arith.constant 928 : index
      %get3A_328 = tpu.vector_load %arg6[%get3A_327] {strides = array<i32>} : memref<4096xi32, #tpu.memory_space<vmem>>, vector<16xi32>,
      %gather3A_329 = tpu.vector_load_idx %arg5[%get3A_328] : memref<100000xf32, #tpu.memory_space<vmem>>[vector<16xi32>], vector<16xf32>,
      %swap3A_330 = arith.constant 928 : index
      %swap3A_331 = tpu.vector_load %arg7[%swap3A_330] {strides = array<i32>} : memref<4096xf32, #tpu.memory_space<vmem>>, vector<16xf32>,
      tpu.vector_store %arg7[%swap3A_330], %gather3A_329 {strides = array<i32>} : memref<4096xf32, #tpu.memory_space<vmem>>, vector<16xf32>,
      %get3A_332 = arith.constant 944 : index
      %get3A_333 = tpu.vector_load %arg6[%get3A_332] {strides = array<i32>} : memref<4096xi32, #tpu.memory_space<vmem>>, vector<16xi32>,
      %gather3A_334 = tpu.vector_load_idx %arg5[%get3A_333] : memref<100000xf32, #tpu.memory_space<vmem>>[vector<16xi32>], vector<16xf32>,
      %swap3A_335 = arith.constant 944 : index
      %swap3A_336 = tpu.vector_load %arg7[%swap3A_335] {strides = array<i32>} : memref<4096xf32, #tpu.memory_space<vmem>>, vector<16xf32>,
      tpu.vector_store %arg7[%swap3A_335], %gather3A_334 {strides = array<i32>} : memref<4096xf32, #tpu.memory_space<vmem>>, vector<16xf32>,
      %get3A_337 = arith.constant 960 : index
      %get3A_338 = tpu.vector_load %arg6[%get3A_337] {strides = array<i32>} : memref<4096xi32, #tpu.memory_space<vmem>>, vector<16xi32>,
      %gather3A_339 = tpu.vector_load_idx %arg5[%get3A_338] : memref<100000xf32, #tpu.memory_space<vmem>>[vector<16xi32>], vector<16xf32>,
      %swap3A_340 = arith.constant 960 : index
      %swap3A_341 = tpu.vector_load %arg7[%swap3A_340] {strides = array<i32>} : memref<4096xf32, #tpu.memory_space<vmem>>, vector<16xf32>,
      tpu.vector_store %arg7[%swap3A_340], %gather3A_339 {strides = array<i32>} : memref<4096xf32, #tpu.memory_space<vmem>>, vector<16xf32>,
      %get3A_342 = arith.constant 976 : index
      %get3A_343 = tpu.vector_load %arg6[%get3A_342] {strides = array<i32>} : memref<4096xi32, #tpu.memory_space<vmem>>, vector<16xi32>,
      %gather3A_344 = tpu.vector_load_idx %arg5[%get3A_343] : memref<100000xf32, #tpu.memory_space<vmem>>[vector<16xi32>], vector<16xf32>,
      %swap3A_345 = arith.constant 976 : index
      %swap3A_346 = tpu.vector_load %arg7[%swap3A_345] {strides = array<i32>} : memref<4096xf32, #tpu.memory_space<vmem>>, vector<16xf32>,
      tpu.vector_store %arg7[%swap3A_345], %gather3A_344 {strides = array<i32>} : memref<4096xf32, #tpu.memory_space<vmem>>, vector<16xf32>,
      %get3A_347 = arith.constant 992 : index
      %get3A_348 = tpu.vector_load %arg6[%get3A_347] {strides = array<i32>} : memref<4096xi32, #tpu.memory_space<vmem>>, vector<16xi32>,
      %gather3A_349 = tpu.vector_load_idx %arg5[%get3A_348] : memref<100000xf32, #tpu.memory_space<vmem>>[vector<16xi32>], vector<16xf32>,
      %swap3A_350 = arith.constant 992 : index
      %swap3A_351 = tpu.vector_load %arg7[%swap3A_350] {strides = array<i32>} : memref<4096xf32, #tpu.memory_space<vmem>>, vector<16xf32>,
      tpu.vector_store %arg7[%swap3A_350], %gather3A_349 {strides = array<i32>} : memref<4096xf32, #tpu.memory_space<vmem>>, vector<16xf32>,
      %get3A_352 = arith.constant 1008 : index
      %get3A_353 = tpu.vector_load %arg6[%get3A_352] {strides = array<i32>} : memref<4096xi32, #tpu.memory_space<vmem>>, vector<16xi32>,
      %gather3A_354 = tpu.vector_load_idx %arg5[%get3A_353] : memref<100000xf32, #tpu.memory_space<vmem>>[vector<16xi32>], vector<16xf32>,
      %swap3A_355 = arith.constant 1008 : index
      %swap3A_356 = tpu.vector_load %arg7[%swap3A_355] {strides = array<i32>} : memref<4096xf32, #tpu.memory_space<vmem>>, vector<16xf32>,
      tpu.vector_store %arg7[%swap3A_355], %gather3A_354 {strides = array<i32>} : memref<4096xf32, #tpu.memory_space<vmem>>, vector<16xf32>,
      %get3A_357 = arith.constant 1024 : index
      %get3A_358 = tpu.vector_load %arg6[%get3A_357] {strides = array<i32>} : memref<4096xi32, #tpu.memory_space<vmem>>, vector<16xi32>,
      %gather3A_359 = tpu.vector_load_idx %arg5[%get3A_358] : memref<100000xf32, #tpu.memory_space<vmem>>[vector<16xi32>], vector<16xf32>,
      %swap3A_360 = arith.constant 1024 : index
      %swap3A_361 = tpu.vector_load %arg7[%swap3A_360] {strides = array<i32>} : memref<4096xf32, #tpu.memory_space<vmem>>, vector<16xf32>,
      tpu.vector_store %arg7[%swap3A_360], %gather3A_359 {strides = array<i32>} : memref<4096xf32, #tpu.memory_space<vmem>>, vector<16xf32>,
      %get3A_362 = arith.constant 1040 : index
      %get3A_363 = tpu.vector_load %arg6[%get3A_362] {strides = array<i32>} : memref<4096xi32, #tpu.memory_space<vmem>>, vector<16xi32>,
      %gather3A_364 = tpu.vector_load_idx %arg5[%get3A_363] : memref<100000xf32, #tpu.memory_space<vmem>>[vector<16xi32>], vector<16xf32>,
      %swap3A_365 = arith.constant 1040 : index
      %swap3A_366 = tpu.vector_load %arg7[%swap3A_365] {strides = array<i32>} : memref<4096xf32, #tpu.memory_space<vmem>>, vector<16xf32>,
      tpu.vector_store %arg7[%swap3A_365], %gather3A_364 {strides = array<i32>} : memref<4096xf32, #tpu.memory_space<vmem>>, vector<16xf32>,
      %get3A_367 = arith.constant 1056 : index
      %get3A_368 = tpu.vector_load %arg6[%get3A_367] {strides = array<i32>} : memref<4096xi32, #tpu.memory_space<vmem>>, vector<16xi32>,
      %gather3A_369 = tpu.vector_load_idx %arg5[%get3A_368] : memref<100000xf32, #tpu.memory_space<vmem>>[vector<16xi32>], vector<16xf32>,
      %swap3A_370 = arith.constant 1056 : index
      %swap3A_371 = tpu.vector_load %arg7[%swap3A_370] {strides = array<i32>} : memref<4096xf32, #tpu.memory_space<vmem>>, vector<16xf32>,
      tpu.vector_store %arg7[%swap3A_370], %gather3A_369 {strides = array<i32>} : memref<4096xf32, #tpu.memory_space<vmem>>, vector<16xf32>,
      %get3A_372 = arith.constant 1072 : index
      %get3A_373 = tpu.vector_load %arg6[%get3A_372] {strides = array<i32>} : memref<4096xi32, #tpu.memory_space<vmem>>, vector<16xi32>,
      %gather3A_374 = tpu.vector_load_idx %arg5[%get3A_373] : memref<100000xf32, #tpu.memory_space<vmem>>[vector<16xi32>], vector<16xf32>,
      %swap3A_375 = arith.constant 1072 : index
      %swap3A_376 = tpu.vector_load %arg7[%swap3A_375] {strides = array<i32>} : memref<4096xf32, #tpu.memory_space<vmem>>, vector<16xf32>,
      tpu.vector_store %arg7[%swap3A_375], %gather3A_374 {strides = array<i32>} : memref<4096xf32, #tpu.memory_space<vmem>>, vector<16xf32>,
      %get3A_377 = arith.constant 1088 : index
      %get3A_378 = tpu.vector_load %arg6[%get3A_377] {strides = array<i32>} : memref<4096xi32, #tpu.memory_space<vmem>>, vector<16xi32>,
      %gather3A_379 = tpu.vector_load_idx %arg5[%get3A_378] : memref<100000xf32, #tpu.memory_space<vmem>>[vector<16xi32>], vector<16xf32>,
      %swap3A_380 = arith.constant 1088 : index
      %swap3A_381 = tpu.vector_load %arg7[%swap3A_380] {strides = array<i32>} : memref<4096xf32, #tpu.memory_space<vmem>>, vector<16xf32>,
      tpu.vector_store %arg7[%swap3A_380], %gather3A_379 {strides = array<i32>} : memref<4096xf32, #tpu.memory_space<vmem>>, vector<16xf32>,
      %get3A_382 = arith.constant 1104 : index
      %get3A_383 = tpu.vector_load %arg6[%get3A_382] {strides = array<i32>} : memref<4096xi32, #tpu.memory_space<vmem>>, vector<16xi32>,
      %gather3A_384 = tpu.vector_load_idx %arg5[%get3A_383] : memref<100000xf32, #tpu.memory_space<vmem>>[vector<16xi32>], vector<16xf32>,
      %swap3A_385 = arith.constant 1104 : index
      %swap3A_386 = tpu.vector_load %arg7[%swap3A_385] {strides = array<i32>} : memref<4096xf32, #tpu.memory_space<vmem>>, vector<16xf32>,
      tpu.vector_store %arg7[%swap3A_385], %gather3A_384 {strides = array<i32>} : memref<4096xf32, #tpu.memory_space<vmem>>, vector<16xf32>,
      %get3A_387 = arith.constant 1120 : index
      %get3A_388 = tpu.vector_load %arg6[%get3A_387] {strides = array<i32>} : memref<4096xi32, #tpu.memory_space<vmem>>, vector<16xi32>,
      %gather3A_389 = tpu.vector_load_idx %arg5[%get3A_388] : memref<100000xf32, #tpu.memory_space<vmem>>[vector<16xi32>], vector<16xf32>,
      %swap3A_390 = arith.constant 1120 : index
      %swap3A_391 = tpu.vector_load %arg7[%swap3A_390] {strides = array<i32>} : memref<4096xf32, #tpu.memory_space<vmem>>, vector<16xf32>,
      tpu.vector_store %arg7[%swap3A_390], %gather3A_389 {strides = array<i32>} : memref<4096xf32, #tpu.memory_space<vmem>>, vector<16xf32>,
      %get3A_392 = arith.constant 1136 : index
      %get3A_393 = tpu.vector_load %arg6[%get3A_392] {strides = array<i32>} : memref<4096xi32, #tpu.memory_space<vmem>>, vector<16xi32>,
      %gather3A_394 = tpu.vector_load_idx %arg5[%get3A_393] : memref<100000xf32, #tpu.memory_space<vmem>>[vector<16xi32>], vector<16xf32>,
      %swap3A_395 = arith.constant 1136 : index
      %swap3A_396 = tpu.vector_load %arg7[%swap3A_395] {strides = array<i32>} : memref<4096xf32, #tpu.memory_space<vmem>>, vector<16xf32>,
      tpu.vector_store %arg7[%swap3A_395], %gather3A_394 {strides = array<i32>} : memref<4096xf32, #tpu.memory_space<vmem>>, vector<16xf32>,
      %get3A_397 = arith.constant 1152 : index
      %get3A_398 = tpu.vector_load %arg6[%get3A_397] {strides = array<i32>} : memref<4096xi32, #tpu.memory_space<vmem>>, vector<16xi32>,
      %gather3A_399 = tpu.vector_load_idx %arg5[%get3A_398] : memref<100000xf32, #tpu.memory_space<vmem>>[vector<16xi32>], vector<16xf32>,
      %swap3A_400 = arith.constant 1152 : index
      %swap3A_401 = tpu.vector_load %arg7[%swap3A_400] {strides = array<i32>} : memref<4096xf32, #tpu.memory_space<vmem>>, vector<16xf32>,
      tpu.vector_store %arg7[%swap3A_400], %gather3A_399 {strides = array<i32>} : memref<4096xf32, #tpu.memory_space<vmem>>, vector<16xf32>,
      %get3A_402 = arith.constant 1168 : index
      %get3A_403 = tpu.vector_load %arg6[%get3A_402] {strides = array<i32>} : memref<4096xi32, #tpu.memory_space<vmem>>, vector<16xi32>,
      %gather3A_404 = tpu.vector_load_idx %arg5[%get3A_403] : memref<100000xf32, #tpu.memory_space<vmem>>[vector<16xi32>], vector<16xf32>,
      %swap3A_405 = arith.constant 1168 : index
      %swap3A_406 = tpu.vector_load %arg7[%swap3A_405] {strides = array<i32>} : memref<4096xf32, #tpu.memory_space<vmem>>, vector<16xf32>,
      tpu.vector_store %arg7[%swap3A_405], %gather3A_404 {strides = array<i32>} : memref<4096xf32, #tpu.memory_space<vmem>>, vector<16xf32>,
      %get3A_407 = arith.constant 1184 : index
      %get3A_408 = tpu.vector_load %arg6[%get3A_407] {strides = array<i32>} : memref<4096xi32, #tpu.memory_space<vmem>>, vector<16xi32>,
      %gather3A_409 = tpu.vector_load_idx %arg5[%get3A_408] : memref<100000xf32, #tpu.memory_space<vmem>>[vector<16xi32>], vector<16xf32>,
      %swap3A_410 = arith.constant 1184 : index
      %swap3A_411 = tpu.vector_load %arg7[%swap3A_410] {strides = array<i32>} : memref<4096xf32, #tpu.memory_space<vmem>>, vector<16xf32>,
      tpu.vector_store %arg7[%swap3A_410], %gather3A_409 {strides = array<i32>} : memref<4096xf32, #tpu.memory_space<vmem>>, vector<16xf32>,
      %get3A_412 = arith.constant 1200 : index
      %get3A_413 = tpu.vector_load %arg6[%get3A_412] {strides = array<i32>} : memref<4096xi32, #tpu.memory_space<vmem>>, vector<16xi32>,
      %gather3A_414 = tpu.vector_load_idx %arg5[%get3A_413] : memref<100000xf32, #tpu.memory_space<vmem>>[vector<16xi32>], vector<16xf32>,
      %swap3A_415 = arith.constant 1200 : index
      %swap3A_416 = tpu.vector_load %arg7[%swap3A_415] {strides = array<i32>} : memref<4096xf32, #tpu.memory_space<vmem>>, vector<16xf32>,
      tpu.vector_store %arg7[%swap3A_415], %gather3A_414 {strides = array<i32>} : memref<4096xf32, #tpu.memory_space<vmem>>, vector<16xf32>,
      %get3A_417 = arith.constant 1216 : index
      %get3A_418 = tpu.vector_load %arg6[%get3A_417] {strides = array<i32>} : memref<4096xi32, #tpu.memory_space<vmem>>, vector<16xi32>,
      %gather3A_419 = tpu.vector_load_idx %arg5[%get3A_418] : memref<100000xf32, #tpu.memory_space<vmem>>[vector<16xi32>], vector<16xf32>,
      %swap3A_420 = arith.constant 1216 : index
      %swap3A_421 = tpu.vector_load %arg7[%swap3A_420] {strides = array<i32>} : memref<4096xf32, #tpu.memory_space<vmem>>, vector<16xf32>,
      tpu.vector_store %arg7[%swap3A_420], %gather3A_419 {strides = array<i32>} : memref<4096xf32, #tpu.memory_space<vmem>>, vector<16xf32>,
      %get3A_422 = arith.constant 1232 : index
      %get3A_423 = tpu.vector_load %arg6[%get3A_422] {strides = array<i32>} : memref<4096xi32, #tpu.memory_space<vmem>>, vector<16xi32>,
      %gather3A_424 = tpu.vector_load_idx %arg5[%get3A_423] : memref<100000xf32, #tpu.memory_space<vmem>>[vector<16xi32>], vector<16xf32>,
      %swap3A_425 = arith.constant 1232 : index
      %swap3A_426 = tpu.vector_load %arg7[%swap3A_425] {strides = array<i32>} : memref<4096xf32, #tpu.memory_space<vmem>>, vector<16xf32>,
      tpu.vector_store %arg7[%swap3A_425], %gather3A_424 {strides = array<i32>} : memref<4096xf32, #tpu.memory_space<vmem>>, vector<16xf32>,
      %get3A_427 = arith.constant 1248 : index
      %get3A_428 = tpu.vector_load %arg6[%get3A_427] {strides = array<i32>} : memref<4096xi32, #tpu.memory_space<vmem>>, vector<16xi32>,
      %gather3A_429 = tpu.vector_load_idx %arg5[%get3A_428] : memref<100000xf32, #tpu.memory_space<vmem>>[vector<16xi32>], vector<16xf32>,
      %swap3A_430 = arith.constant 1248 : index
      %swap3A_431 = tpu.vector_load %arg7[%swap3A_430] {strides = array<i32>} : memref<4096xf32, #tpu.memory_space<vmem>>, vector<16xf32>,
      tpu.vector_store %arg7[%swap3A_430], %gather3A_429 {strides = array<i32>} : memref<4096xf32, #tpu.memory_space<vmem>>, vector<16xf32>,
      %get3A_432 = arith.constant 1264 : index
      %get3A_433 = tpu.vector_load %arg6[%get3A_432] {strides = array<i32>} : memref<4096xi32, #tpu.memory_space<vmem>>, vector<16xi32>,
      %gather3A_434 = tpu.vector_load_idx %arg5[%get3A_433] : memref<100000xf32, #tpu.memory_space<vmem>>[vector<16xi32>], vector<16xf32>,
      %swap3A_435 = arith.constant 1264 : index
      %swap3A_436 = tpu.vector_load %arg7[%swap3A_435] {strides = array<i32>} : memref<4096xf32, #tpu.memory_space<vmem>>, vector<16xf32>,
      tpu.vector_store %arg7[%swap3A_435], %gather3A_434 {strides = array<i32>} : memref<4096xf32, #tpu.memory_space<vmem>>, vector<16xf32>,
      %get3A_437 = arith.constant 1280 : index
      %get3A_438 = tpu.vector_load %arg6[%get3A_437] {strides = array<i32>} : memref<4096xi32, #tpu.memory_space<vmem>>, vector<16xi32>,
      %gather3A_439 = tpu.vector_load_idx %arg5[%get3A_438] : memref<100000xf32, #tpu.memory_space<vmem>>[vector<16xi32>], vector<16xf32>,
      %swap3A_440 = arith.constant 1280 : index
      %swap3A_441 = tpu.vector_load %arg7[%swap3A_440] {strides = array<i32>} : memref<4096xf32, #tpu.memory_space<vmem>>, vector<16xf32>,
      tpu.vector_store %arg7[%swap3A_440], %gather3A_439 {strides = array<i32>} : memref<4096xf32, #tpu.memory_space<vmem>>, vector<16xf32>,
      %get3A_442 = arith.constant 1296 : index
      %get3A_443 = tpu.vector_load %arg6[%get3A_442] {strides = array<i32>} : memref<4096xi32, #tpu.memory_space<vmem>>, vector<16xi32>,
      %gather3A_444 = tpu.vector_load_idx %arg5[%get3A_443] : memref<100000xf32, #tpu.memory_space<vmem>>[vector<16xi32>], vector<16xf32>,
      %swap3A_445 = arith.constant 1296 : index
      %swap3A_446 = tpu.vector_load %arg7[%swap3A_445] {strides = array<i32>} : memref<4096xf32, #tpu.memory_space<vmem>>, vector<16xf32>,
      tpu.vector_store %arg7[%swap3A_445], %gather3A_444 {strides = array<i32>} : memref<4096xf32, #tpu.memory_space<vmem>>, vector<16xf32>,
      %get3A_447 = arith.constant 1312 : index
      %get3A_448 = tpu.vector_load %arg6[%get3A_447] {strides = array<i32>} : memref<4096xi32, #tpu.memory_space<vmem>>, vector<16xi32>,
      %gather3A_449 = tpu.vector_load_idx %arg5[%get3A_448] : memref<100000xf32, #tpu.memory_space<vmem>>[vector<16xi32>], vector<16xf32>,
      %swap3A_450 = arith.constant 1312 : index
      %swap3A_451 = tpu.vector_load %arg7[%swap3A_450] {strides = array<i32>} : memref<4096xf32, #tpu.memory_space<vmem>>, vector<16xf32>,
      tpu.vector_store %arg7[%swap3A_450], %gather3A_449 {strides = array<i32>} : memref<4096xf32, #tpu.memory_space<vmem>>, vector<16xf32>,
      %get3A_452 = arith.constant 1328 : index
      %get3A_453 = tpu.vector_load %arg6[%get3A_452] {strides = array<i32>} : memref<4096xi32, #tpu.memory_space<vmem>>, vector<16xi32>,
      %gather3A_454 = tpu.vector_load_idx %arg5[%get3A_453] : memref<100000xf32, #tpu.memory_space<vmem>>[vector<16xi32>], vector<16xf32>,
      %swap3A_455 = arith.constant 1328 : index
      %swap3A_456 = tpu.vector_load %arg7[%swap3A_455] {strides = array<i32>} : memref<4096xf32, #tpu.memory_space<vmem>>, vector<16xf32>,
      tpu.vector_store %arg7[%swap3A_455], %gather3A_454 {strides = array<i32>} : memref<4096xf32, #tpu.memory_space<vmem>>, vector<16xf32>,
      %get3A_457 = arith.constant 1344 : index
      %get3A_458 = tpu.vector_load %arg6[%get3A_457] {strides = array<i32>} : memref<4096xi32, #tpu.memory_space<vmem>>, vector<16xi32>,
      %gather3A_459 = tpu.vector_load_idx %arg5[%get3A_458] : memref<100000xf32, #tpu.memory_space<vmem>>[vector<16xi32>], vector<16xf32>,
      %swap3A_460 = arith.constant 1344 : index
      %swap3A_461 = tpu.vector_load %arg7[%swap3A_460] {strides = array<i32>} : memref<4096xf32, #tpu.memory_space<vmem>>, vector<16xf32>,
      tpu.vector_store %arg7[%swap3A_460], %gather3A_459 {strides = array<i32>} : memref<4096xf32, #tpu.memory_space<vmem>>, vector<16xf32>,
      %get3A_462 = arith.constant 1360 : index
      %get3A_463 = tpu.vector_load %arg6[%get3A_462] {strides = array<i32>} : memref<4096xi32, #tpu.memory_space<vmem>>, vector<16xi32>,
      %gather3A_464 = tpu.vector_load_idx %arg5[%get3A_463] : memref<100000xf32, #tpu.memory_space<vmem>>[vector<16xi32>], vector<16xf32>,
      %swap3A_465 = arith.constant 1360 : index
      %swap3A_466 = tpu.vector_load %arg7[%swap3A_465] {strides = array<i32>} : memref<4096xf32, #tpu.memory_space<vmem>>, vector<16xf32>,
      tpu.vector_store %arg7[%swap3A_465], %gather3A_464 {strides = array<i32>} : memref<4096xf32, #tpu.memory_space<vmem>>, vector<16xf32>,
      %get3A_467 = arith.constant 1376 : index
      %get3A_468 = tpu.vector_load %arg6[%get3A_467] {strides = array<i32>} : memref<4096xi32, #tpu.memory_space<vmem>>, vector<16xi32>,
      %gather3A_469 = tpu.vector_load_idx %arg5[%get3A_468] : memref<100000xf32, #tpu.memory_space<vmem>>[vector<16xi32>], vector<16xf32>,
      %swap3A_470 = arith.constant 1376 : index
      %swap3A_471 = tpu.vector_load %arg7[%swap3A_470] {strides = array<i32>} : memref<4096xf32, #tpu.memory_space<vmem>>, vector<16xf32>,
      tpu.vector_store %arg7[%swap3A_470], %gather3A_469 {strides = array<i32>} : memref<4096xf32, #tpu.memory_space<vmem>>, vector<16xf32>,
      %get3A_472 = arith.constant 1392 : index
      %get3A_473 = tpu.vector_load %arg6[%get3A_472] {strides = array<i32>} : memref<4096xi32, #tpu.memory_space<vmem>>, vector<16xi32>,
      %gather3A_474 = tpu.vector_load_idx %arg5[%get3A_473] : memref<100000xf32, #tpu.memory_space<vmem>>[vector<16xi32>], vector<16xf32>,
      %swap3A_475 = arith.constant 1392 : index
      %swap3A_476 = tpu.vector_load %arg7[%swap3A_475] {strides = array<i32>} : memref<4096xf32, #tpu.memory_space<vmem>>, vector<16xf32>,
      tpu.vector_store %arg7[%swap3A_475], %gather3A_474 {strides = array<i32>} : memref<4096xf32, #tpu.memory_space<vmem>>, vector<16xf32>,
      %get3A_477 = arith.constant 1408 : index
      %get3A_478 = tpu.vector_load %arg6[%get3A_477] {strides = array<i32>} : memref<4096xi32, #tpu.memory_space<vmem>>, vector<16xi32>,
      %gather3A_479 = tpu.vector_load_idx %arg5[%get3A_478] : memref<100000xf32, #tpu.memory_space<vmem>>[vector<16xi32>], vector<16xf32>,
      %swap3A_480 = arith.constant 1408 : index
      %swap3A_481 = tpu.vector_load %arg7[%swap3A_480] {strides = array<i32>} : memref<4096xf32, #tpu.memory_space<vmem>>, vector<16xf32>,
      tpu.vector_store %arg7[%swap3A_480], %gather3A_479 {strides = array<i32>} : memref<4096xf32, #tpu.memory_space<vmem>>, vector<16xf32>,
      %get3A_482 = arith.constant 1424 : index
      %get3A_483 = tpu.vector_load %arg6[%get3A_482] {strides = array<i32>} : memref<4096xi32, #tpu.memory_space<vmem>>, vector<16xi32>,
      %gather3A_484 = tpu.vector_load_idx %arg5[%get3A_483] : memref<100000xf32, #tpu.memory_space<vmem>>[vector<16xi32>], vector<16xf32>,
      %swap3A_485 = arith.constant 1424 : index
      %swap3A_486 = tpu.vector_load %arg7[%swap3A_485] {strides = array<i32>} : memref<4096xf32, #tpu.memory_space<vmem>>, vector<16xf32>,
      tpu.vector_store %arg7[%swap3A_485], %gather3A_484 {strides = array<i32>} : memref<4096xf32, #tpu.memory_space<vmem>>, vector<16xf32>,
      %get3A_487 = arith.constant 1440 : index
      %get3A_488 = tpu.vector_load %arg6[%get3A_487] {strides = array<i32>} : memref<4096xi32, #tpu.memory_space<vmem>>, vector<16xi32>,
      %gather3A_489 = tpu.vector_load_idx %arg5[%get3A_488] : memref<100000xf32, #tpu.memory_space<vmem>>[vector<16xi32>], vector<16xf32>,
      %swap3A_490 = arith.constant 1440 : index
      %swap3A_491 = tpu.vector_load %arg7[%swap3A_490] {strides = array<i32>} : memref<4096xf32, #tpu.memory_space<vmem>>, vector<16xf32>,
      tpu.vector_store %arg7[%swap3A_490], %gather3A_489 {strides = array<i32>} : memref<4096xf32, #tpu.memory_space<vmem>>, vector<16xf32>,
      %get3A_492 = arith.constant 1456 : index
      %get3A_493 = tpu.vector_load %arg6[%get3A_492] {strides = array<i32>} : memref<4096xi32, #tpu.memory_space<vmem>>, vector<16xi32>,
      %gather3A_494 = tpu.vector_load_idx %arg5[%get3A_493] : memref<100000xf32, #tpu.memory_space<vmem>>[vector<16xi32>], vector<16xf32>,
      %swap3A_495 = arith.constant 1456 : index
      %swap3A_496 = tpu.vector_load %arg7[%swap3A_495] {strides = array<i32>} : memref<4096xf32, #tpu.memory_space<vmem>>, vector<16xf32>,
      tpu.vector_store %arg7[%swap3A_495], %gather3A_494 {strides = array<i32>} : memref<4096xf32, #tpu.memory_space<vmem>>, vector<16xf32>,
      %get3A_497 = arith.constant 1472 : index
      %get3A_498 = tpu.vector_load %arg6[%get3A_497] {strides = array<i32>} : memref<4096xi32, #tpu.memory_space<vmem>>, vector<16xi32>,
      %gather3A_499 = tpu.vector_load_idx %arg5[%get3A_498] : memref<100000xf32, #tpu.memory_space<vmem>>[vector<16xi32>], vector<16xf32>,
      %swap3A_500 = arith.constant 1472 : index
      %swap3A_501 = tpu.vector_load %arg7[%swap3A_500] {strides = array<i32>} : memref<4096xf32, #tpu.memory_space<vmem>>, vector<16xf32>,
      tpu.vector_store %arg7[%swap3A_500], %gather3A_499 {strides = array<i32>} : memref<4096xf32, #tpu.memory_space<vmem>>, vector<16xf32>,
      %get3A_502 = arith.constant 1488 : index
      %get3A_503 = tpu.vector_load %arg6[%get3A_502] {strides = array<i32>} : memref<4096xi32, #tpu.memory_space<vmem>>, vector<16xi32>,
      %gather3A_504 = tpu.vector_load_idx %arg5[%get3A_503] : memref<100000xf32, #tpu.memory_space<vmem>>[vector<16xi32>], vector<16xf32>,
      %swap3A_505 = arith.constant 1488 : index
      %swap3A_506 = tpu.vector_load %arg7[%swap3A_505] {strides = array<i32>} : memref<4096xf32, #tpu.memory_space<vmem>>, vector<16xf32>,
      tpu.vector_store %arg7[%swap3A_505], %gather3A_504 {strides = array<i32>} : memref<4096xf32, #tpu.memory_space<vmem>>, vector<16xf32>,
      %get3A_507 = arith.constant 1504 : index
      %get3A_508 = tpu.vector_load %arg6[%get3A_507] {strides = array<i32>} : memref<4096xi32, #tpu.memory_space<vmem>>, vector<16xi32>,
      %gather3A_509 = tpu.vector_load_idx %arg5[%get3A_508] : memref<100000xf32, #tpu.memory_space<vmem>>[vector<16xi32>], vector<16xf32>,
      %swap3A_510 = arith.constant 1504 : index
      %swap3A_511 = tpu.vector_load %arg7[%swap3A_510] {strides = array<i32>} : memref<4096xf32, #tpu.memory_space<vmem>>, vector<16xf32>,
      tpu.vector_store %arg7[%swap3A_510], %gather3A_509 {strides = array<i32>} : memref<4096xf32, #tpu.memory_space<vmem>>, vector<16xf32>,
      %get3A_512 = arith.constant 1520 : index
      %get3A_513 = tpu.vector_load %arg6[%get3A_512] {strides = array<i32>} : memref<4096xi32, #tpu.memory_space<vmem>>, vector<16xi32>,
      %gather3A_514 = tpu.vector_load_idx %arg5[%get3A_513] : memref<100000xf32, #tpu.memory_space<vmem>>[vector<16xi32>], vector<16xf32>,
      %swap3A_515 = arith.constant 1520 : index
      %swap3A_516 = tpu.vector_load %arg7[%swap3A_515] {strides = array<i32>} : memref<4096xf32, #tpu.memory_space<vmem>>, vector<16xf32>,
      tpu.vector_store %arg7[%swap3A_515], %gather3A_514 {strides = array<i32>} : memref<4096xf32, #tpu.memory_space<vmem>>, vector<16xf32>,
      %get3A_517 = arith.constant 1536 : index
      %get3A_518 = tpu.vector_load %arg6[%get3A_517] {strides = array<i32>} : memref<4096xi32, #tpu.memory_space<vmem>>, vector<16xi32>,
      %gather3A_519 = tpu.vector_load_idx %arg5[%get3A_518] : memref<100000xf32, #tpu.memory_space<vmem>>[vector<16xi32>], vector<16xf32>,
      %swap3A_520 = arith.constant 1536 : index
      %swap3A_521 = tpu.vector_load %arg7[%swap3A_520] {strides = array<i32>} : memref<4096xf32, #tpu.memory_space<vmem>>, vector<16xf32>,
      tpu.vector_store %arg7[%swap3A_520], %gather3A_519 {strides = array<i32>} : memref<4096xf32, #tpu.memory_space<vmem>>, vector<16xf32>,
      %get3A_522 = arith.constant 1552 : index
      %get3A_523 = tpu.vector_load %arg6[%get3A_522] {strides = array<i32>} : memref<4096xi32, #tpu.memory_space<vmem>>, vector<16xi32>,
      %gather3A_524 = tpu.vector_load_idx %arg5[%get3A_523] : memref<100000xf32, #tpu.memory_space<vmem>>[vector<16xi32>], vector<16xf32>,
      %swap3A_525 = arith.constant 1552 : index
      %swap3A_526 = tpu.vector_load %arg7[%swap3A_525] {strides = array<i32>} : memref<4096xf32, #tpu.memory_space<vmem>>, vector<16xf32>,
      tpu.vector_store %arg7[%swap3A_525], %gather3A_524 {strides = array<i32>} : memref<4096xf32, #tpu.memory_space<vmem>>, vector<16xf32>,
      %get3A_527 = arith.constant 1568 : index
      %get3A_528 = tpu.vector_load %arg6[%get3A_527] {strides = array<i32>} : memref<4096xi32, #tpu.memory_space<vmem>>, vector<16xi32>,
      %gather3A_529 = tpu.vector_load_idx %arg5[%get3A_528] : memref<100000xf32, #tpu.memory_space<vmem>>[vector<16xi32>], vector<16xf32>,
      %swap3A_530 = arith.constant 1568 : index
      %swap3A_531 = tpu.vector_load %arg7[%swap3A_530] {strides = array<i32>} : memref<4096xf32, #tpu.memory_space<vmem>>, vector<16xf32>,
      tpu.vector_store %arg7[%swap3A_530], %gather3A_529 {strides = array<i32>} : memref<4096xf32, #tpu.memory_space<vmem>>, vector<16xf32>,
      %get3A_532 = arith.constant 1584 : index
      %get3A_533 = tpu.vector_load %arg6[%get3A_532] {strides = array<i32>} : memref<4096xi32, #tpu.memory_space<vmem>>, vector<16xi32>,
      %gather3A_534 = tpu.vector_load_idx %arg5[%get3A_533] : memref<100000xf32, #tpu.memory_space<vmem>>[vector<16xi32>], vector<16xf32>,
      %swap3A_535 = arith.constant 1584 : index
      %swap3A_536 = tpu.vector_load %arg7[%swap3A_535] {strides = array<i32>} : memref<4096xf32, #tpu.memory_space<vmem>>, vector<16xf32>,
      tpu.vector_store %arg7[%swap3A_535], %gather3A_534 {strides = array<i32>} : memref<4096xf32, #tpu.memory_space<vmem>>, vector<16xf32>,
      %get3A_537 = arith.constant 1600 : index
      %get3A_538 = tpu.vector_load %arg6[%get3A_537] {strides = array<i32>} : memref<4096xi32, #tpu.memory_space<vmem>>, vector<16xi32>,
      %gather3A_539 = tpu.vector_load_idx %arg5[%get3A_538] : memref<100000xf32, #tpu.memory_space<vmem>>[vector<16xi32>], vector<16xf32>,
      %swap3A_540 = arith.constant 1600 : index
      %swap3A_541 = tpu.vector_load %arg7[%swap3A_540] {strides = array<i32>} : memref<4096xf32, #tpu.memory_space<vmem>>, vector<16xf32>,
      tpu.vector_store %arg7[%swap3A_540], %gather3A_539 {strides = array<i32>} : memref<4096xf32, #tpu.memory_space<vmem>>, vector<16xf32>,
      %get3A_542 = arith.constant 1616 : index
      %get3A_543 = tpu.vector_load %arg6[%get3A_542] {strides = array<i32>} : memref<4096xi32, #tpu.memory_space<vmem>>, vector<16xi32>,
      %gather3A_544 = tpu.vector_load_idx %arg5[%get3A_543] : memref<100000xf32, #tpu.memory_space<vmem>>[vector<16xi32>], vector<16xf32>,
      %swap3A_545 = arith.constant 1616 : index
      %swap3A_546 = tpu.vector_load %arg7[%swap3A_545] {strides = array<i32>} : memref<4096xf32, #tpu.memory_space<vmem>>, vector<16xf32>,
      tpu.vector_store %arg7[%swap3A_545], %gather3A_544 {strides = array<i32>} : memref<4096xf32, #tpu.memory_space<vmem>>, vector<16xf32>,
      %get3A_547 = arith.constant 1632 : index
      %get3A_548 = tpu.vector_load %arg6[%get3A_547] {strides = array<i32>} : memref<4096xi32, #tpu.memory_space<vmem>>, vector<16xi32>,
      %gather3A_549 = tpu.vector_load_idx %arg5[%get3A_548] : memref<100000xf32, #tpu.memory_space<vmem>>[vector<16xi32>], vector<16xf32>,
      %swap3A_550 = arith.constant 1632 : index
      %swap3A_551 = tpu.vector_load %arg7[%swap3A_550] {strides = array<i32>} : memref<4096xf32, #tpu.memory_space<vmem>>, vector<16xf32>,
      tpu.vector_store %arg7[%swap3A_550], %gather3A_549 {strides = array<i32>} : memref<4096xf32, #tpu.memory_space<vmem>>, vector<16xf32>,
      %get3A_552 = arith.constant 1648 : index
      %get3A_553 = tpu.vector_load %arg6[%get3A_552] {strides = array<i32>} : memref<4096xi32, #tpu.memory_space<vmem>>, vector<16xi32>,
      %gather3A_554 = tpu.vector_load_idx %arg5[%get3A_553] : memref<100000xf32, #tpu.memory_space<vmem>>[vector<16xi32>], vector<16xf32>,
      %swap3A_555 = arith.constant 1648 : index
      %swap3A_556 = tpu.vector_load %arg7[%swap3A_555] {strides = array<i32>} : memref<4096xf32, #tpu.memory_space<vmem>>, vector<16xf32>,
      tpu.vector_store %arg7[%swap3A_555], %gather3A_554 {strides = array<i32>} : memref<4096xf32, #tpu.memory_space<vmem>>, vector<16xf32>,
      %get3A_557 = arith.constant 1664 : index
      %get3A_558 = tpu.vector_load %arg6[%get3A_557] {strides = array<i32>} : memref<4096xi32, #tpu.memory_space<vmem>>, vector<16xi32>,
      %gather3A_559 = tpu.vector_load_idx %arg5[%get3A_558] : memref<100000xf32, #tpu.memory_space<vmem>>[vector<16xi32>], vector<16xf32>,
      %swap3A_560 = arith.constant 1664 : index
      %swap3A_561 = tpu.vector_load %arg7[%swap3A_560] {strides = array<i32>} : memref<4096xf32, #tpu.memory_space<vmem>>, vector<16xf32>,
      tpu.vector_store %arg7[%swap3A_560], %gather3A_559 {strides = array<i32>} : memref<4096xf32, #tpu.memory_space<vmem>>, vector<16xf32>,
      %get3A_562 = arith.constant 1680 : index
      %get3A_563 = tpu.vector_load %arg6[%get3A_562] {strides = array<i32>} : memref<4096xi32, #tpu.memory_space<vmem>>, vector<16xi32>,
      %gather3A_564 = tpu.vector_load_idx %arg5[%get3A_563] : memref<100000xf32, #tpu.memory_space<vmem>>[vector<16xi32>], vector<16xf32>,
      %swap3A_565 = arith.constant 1680 : index
      %swap3A_566 = tpu.vector_load %arg7[%swap3A_565] {strides = array<i32>} : memref<4096xf32, #tpu.memory_space<vmem>>, vector<16xf32>,
      tpu.vector_store %arg7[%swap3A_565], %gather3A_564 {strides = array<i32>} : memref<4096xf32, #tpu.memory_space<vmem>>, vector<16xf32>,
      %get3A_567 = arith.constant 1696 : index
      %get3A_568 = tpu.vector_load %arg6[%get3A_567] {strides = array<i32>} : memref<4096xi32, #tpu.memory_space<vmem>>, vector<16xi32>,
      %gather3A_569 = tpu.vector_load_idx %arg5[%get3A_568] : memref<100000xf32, #tpu.memory_space<vmem>>[vector<16xi32>], vector<16xf32>,
      %swap3A_570 = arith.constant 1696 : index
      %swap3A_571 = tpu.vector_load %arg7[%swap3A_570] {strides = array<i32>} : memref<4096xf32, #tpu.memory_space<vmem>>, vector<16xf32>,
      tpu.vector_store %arg7[%swap3A_570], %gather3A_569 {strides = array<i32>} : memref<4096xf32, #tpu.memory_space<vmem>>, vector<16xf32>,
      %get3A_572 = arith.constant 1712 : index
      %get3A_573 = tpu.vector_load %arg6[%get3A_572] {strides = array<i32>} : memref<4096xi32, #tpu.memory_space<vmem>>, vector<16xi32>,
      %gather3A_574 = tpu.vector_load_idx %arg5[%get3A_573] : memref<100000xf32, #tpu.memory_space<vmem>>[vector<16xi32>], vector<16xf32>,
      %swap3A_575 = arith.constant 1712 : index
      %swap3A_576 = tpu.vector_load %arg7[%swap3A_575] {strides = array<i32>} : memref<4096xf32, #tpu.memory_space<vmem>>, vector<16xf32>,
      tpu.vector_store %arg7[%swap3A_575], %gather3A_574 {strides = array<i32>} : memref<4096xf32, #tpu.memory_space<vmem>>, vector<16xf32>,
      %get3A_577 = arith.constant 1728 : index
      %get3A_578 = tpu.vector_load %arg6[%get3A_577] {strides = array<i32>} : memref<4096xi32, #tpu.memory_space<vmem>>, vector<16xi32>,
      %gather3A_579 = tpu.vector_load_idx %arg5[%get3A_578] : memref<100000xf32, #tpu.memory_space<vmem>>[vector<16xi32>], vector<16xf32>,
      %swap3A_580 = arith.constant 1728 : index
      %swap3A_581 = tpu.vector_load %arg7[%swap3A_580] {strides = array<i32>} : memref<4096xf32, #tpu.memory_space<vmem>>, vector<16xf32>,
      tpu.vector_store %arg7[%swap3A_580], %gather3A_579 {strides = array<i32>} : memref<4096xf32, #tpu.memory_space<vmem>>, vector<16xf32>,
      %get3A_582 = arith.constant 1744 : index
      %get3A_583 = tpu.vector_load %arg6[%get3A_582] {strides = array<i32>} : memref<4096xi32, #tpu.memory_space<vmem>>, vector<16xi32>,
      %gather3A_584 = tpu.vector_load_idx %arg5[%get3A_583] : memref<100000xf32, #tpu.memory_space<vmem>>[vector<16xi32>], vector<16xf32>,
      %swap3A_585 = arith.constant 1744 : index
      %swap3A_586 = tpu.vector_load %arg7[%swap3A_585] {strides = array<i32>} : memref<4096xf32, #tpu.memory_space<vmem>>, vector<16xf32>,
      tpu.vector_store %arg7[%swap3A_585], %gather3A_584 {strides = array<i32>} : memref<4096xf32, #tpu.memory_space<vmem>>, vector<16xf32>,
      %get3A_587 = arith.constant 1760 : index
      %get3A_588 = tpu.vector_load %arg6[%get3A_587] {strides = array<i32>} : memref<4096xi32, #tpu.memory_space<vmem>>, vector<16xi32>,
      %gather3A_589 = tpu.vector_load_idx %arg5[%get3A_588] : memref<100000xf32, #tpu.memory_space<vmem>>[vector<16xi32>], vector<16xf32>,
      %swap3A_590 = arith.constant 1760 : index
      %swap3A_591 = tpu.vector_load %arg7[%swap3A_590] {strides = array<i32>} : memref<4096xf32, #tpu.memory_space<vmem>>, vector<16xf32>,
      tpu.vector_store %arg7[%swap3A_590], %gather3A_589 {strides = array<i32>} : memref<4096xf32, #tpu.memory_space<vmem>>, vector<16xf32>,
      %get3A_592 = arith.constant 1776 : index
      %get3A_593 = tpu.vector_load %arg6[%get3A_592] {strides = array<i32>} : memref<4096xi32, #tpu.memory_space<vmem>>, vector<16xi32>,
      %gather3A_594 = tpu.vector_load_idx %arg5[%get3A_593] : memref<100000xf32, #tpu.memory_space<vmem>>[vector<16xi32>], vector<16xf32>,
      %swap3A_595 = arith.constant 1776 : index
      %swap3A_596 = tpu.vector_load %arg7[%swap3A_595] {strides = array<i32>} : memref<4096xf32, #tpu.memory_space<vmem>>, vector<16xf32>,
      tpu.vector_store %arg7[%swap3A_595], %gather3A_594 {strides = array<i32>} : memref<4096xf32, #tpu.memory_space<vmem>>, vector<16xf32>,
      %get3A_597 = arith.constant 1792 : index
      %get3A_598 = tpu.vector_load %arg6[%get3A_597] {strides = array<i32>} : memref<4096xi32, #tpu.memory_space<vmem>>, vector<16xi32>,
      %gather3A_599 = tpu.vector_load_idx %arg5[%get3A_598] : memref<100000xf32, #tpu.memory_space<vmem>>[vector<16xi32>], vector<16xf32>,
      %swap3A_600 = arith.constant 1792 : index
      %swap3A_601 = tpu.vector_load %arg7[%swap3A_600] {strides = array<i32>} : memref<4096xf32, #tpu.memory_space<vmem>>, vector<16xf32>,
      tpu.vector_store %arg7[%swap3A_600], %gather3A_599 {strides = array<i32>} : memref<4096xf32, #tpu.memory_space<vmem>>, vector<16xf32>,
      %get3A_602 = arith.constant 1808 : index
      %get3A_603 = tpu.vector_load %arg6[%get3A_602] {strides = array<i32>} : memref<4096xi32, #tpu.memory_space<vmem>>, vector<16xi32>,
      %gather3A_604 = tpu.vector_load_idx %arg5[%get3A_603] : memref<100000xf32, #tpu.memory_space<vmem>>[vector<16xi32>], vector<16xf32>,
      %swap3A_605 = arith.constant 1808 : index
      %swap3A_606 = tpu.vector_load %arg7[%swap3A_605] {strides = array<i32>} : memref<4096xf32, #tpu.memory_space<vmem>>, vector<16xf32>,
      tpu.vector_store %arg7[%swap3A_605], %gather3A_604 {strides = array<i32>} : memref<4096xf32, #tpu.memory_space<vmem>>, vector<16xf32>,
      %get3A_607 = arith.constant 1824 : index
      %get3A_608 = tpu.vector_load %arg6[%get3A_607] {strides = array<i32>} : memref<4096xi32, #tpu.memory_space<vmem>>, vector<16xi32>,
      %gather3A_609 = tpu.vector_load_idx %arg5[%get3A_608] : memref<100000xf32, #tpu.memory_space<vmem>>[vector<16xi32>], vector<16xf32>,
      %swap3A_610 = arith.constant 1824 : index
      %swap3A_611 = tpu.vector_load %arg7[%swap3A_610] {strides = array<i32>} : memref<4096xf32, #tpu.memory_space<vmem>>, vector<16xf32>,
      tpu.vector_store %arg7[%swap3A_610], %gather3A_609 {strides = array<i32>} : memref<4096xf32, #tpu.memory_space<vmem>>, vector<16xf32>,
      %get3A_612 = arith.constant 1840 : index
      %get3A_613 = tpu.vector_load %arg6[%get3A_612] {strides = array<i32>} : memref<4096xi32, #tpu.memory_space<vmem>>, vector<16xi32>,
      %gather3A_614 = tpu.vector_load_idx %arg5[%get3A_613] : memref<100000xf32, #tpu.memory_space<vmem>>[vector<16xi32>], vector<16xf32>,
      %swap3A_615 = arith.constant 1840 : index
      %swap3A_616 = tpu.vector_load %arg7[%swap3A_615] {strides = array<i32>} : memref<4096xf32, #tpu.memory_space<vmem>>, vector<16xf32>,
      tpu.vector_store %arg7[%swap3A_615], %gather3A_614 {strides = array<i32>} : memref<4096xf32, #tpu.memory_space<vmem>>, vector<16xf32>,
      %get3A_617 = arith.constant 1856 : index
      %get3A_618 = tpu.vector_load %arg6[%get3A_617] {strides = array<i32>} : memref<4096xi32, #tpu.memory_space<vmem>>, vector<16xi32>,
      %gather3A_619 = tpu.vector_load_idx %arg5[%get3A_618] : memref<100000xf32, #tpu.memory_space<vmem>>[vector<16xi32>], vector<16xf32>,
      %swap3A_620 = arith.constant 1856 : index
      %swap3A_621 = tpu.vector_load %arg7[%swap3A_620] {strides = array<i32>} : memref<4096xf32, #tpu.memory_space<vmem>>, vector<16xf32>,
      tpu.vector_store %arg7[%swap3A_620], %gather3A_619 {strides = array<i32>} : memref<4096xf32, #tpu.memory_space<vmem>>, vector<16xf32>,
      %get3A_622 = arith.constant 1872 : index
      %get3A_623 = tpu.vector_load %arg6[%get3A_622] {strides = array<i32>} : memref<4096xi32, #tpu.memory_space<vmem>>, vector<16xi32>,
      %gather3A_624 = tpu.vector_load_idx %arg5[%get3A_623] : memref<100000xf32, #tpu.memory_space<vmem>>[vector<16xi32>], vector<16xf32>,
      %swap3A_625 = arith.constant 1872 : index
      %swap3A_626 = tpu.vector_load %arg7[%swap3A_625] {strides = array<i32>} : memref<4096xf32, #tpu.memory_space<vmem>>, vector<16xf32>,
      tpu.vector_store %arg7[%swap3A_625], %gather3A_624 {strides = array<i32>} : memref<4096xf32, #tpu.memory_space<vmem>>, vector<16xf32>,
      %get3A_627 = arith.constant 1888 : index
      %get3A_628 = tpu.vector_load %arg6[%get3A_627] {strides = array<i32>} : memref<4096xi32, #tpu.memory_space<vmem>>, vector<16xi32>,
      %gather3A_629 = tpu.vector_load_idx %arg5[%get3A_628] : memref<100000xf32, #tpu.memory_space<vmem>>[vector<16xi32>], vector<16xf32>,
      %swap3A_630 = arith.constant 1888 : index
      %swap3A_631 = tpu.vector_load %arg7[%swap3A_630] {strides = array<i32>} : memref<4096xf32, #tpu.memory_space<vmem>>, vector<16xf32>,
      tpu.vector_store %arg7[%swap3A_630], %gather3A_629 {strides = array<i32>} : memref<4096xf32, #tpu.memory_space<vmem>>, vector<16xf32>,
      %get3A_632 = arith.constant 1904 : index
      %get3A_633 = tpu.vector_load %arg6[%get3A_632] {strides = array<i32>} : memref<4096xi32, #tpu.memory_space<vmem>>, vector<16xi32>,
      %gather3A_634 = tpu.vector_load_idx %arg5[%get3A_633] : memref<100000xf32, #tpu.memory_space<vmem>>[vector<16xi32>], vector<16xf32>,
      %swap3A_635 = arith.constant 1904 : index
      %swap3A_636 = tpu.vector_load %arg7[%swap3A_635] {strides = array<i32>} : memref<4096xf32, #tpu.memory_space<vmem>>, vector<16xf32>,
      tpu.vector_store %arg7[%swap3A_635], %gather3A_634 {strides = array<i32>} : memref<4096xf32, #tpu.memory_space<vmem>>, vector<16xf32>,
      %get3A_637 = arith.constant 1920 : index
      %get3A_638 = tpu.vector_load %arg6[%get3A_637] {strides = array<i32>} : memref<4096xi32, #tpu.memory_space<vmem>>, vector<16xi32>,
      %gather3A_639 = tpu.vector_load_idx %arg5[%get3A_638] : memref<100000xf32, #tpu.memory_space<vmem>>[vector<16xi32>], vector<16xf32>,
      %swap3A_640 = arith.constant 1920 : index
      %swap3A_641 = tpu.vector_load %arg7[%swap3A_640] {strides = array<i32>} : memref<4096xf32, #tpu.memory_space<vmem>>, vector<16xf32>,
      tpu.vector_store %arg7[%swap3A_640], %gather3A_639 {strides = array<i32>} : memref<4096xf32, #tpu.memory_space<vmem>>, vector<16xf32>,
      %get3A_642 = arith.constant 1936 : index
      %get3A_643 = tpu.vector_load %arg6[%get3A_642] {strides = array<i32>} : memref<4096xi32, #tpu.memory_space<vmem>>, vector<16xi32>,
      %gather3A_644 = tpu.vector_load_idx %arg5[%get3A_643] : memref<100000xf32, #tpu.memory_space<vmem>>[vector<16xi32>], vector<16xf32>,
      %swap3A_645 = arith.constant 1936 : index
      %swap3A_646 = tpu.vector_load %arg7[%swap3A_645] {strides = array<i32>} : memref<4096xf32, #tpu.memory_space<vmem>>, vector<16xf32>,
      tpu.vector_store %arg7[%swap3A_645], %gather3A_644 {strides = array<i32>} : memref<4096xf32, #tpu.memory_space<vmem>>, vector<16xf32>,
      %get3A_647 = arith.constant 1952 : index
      %get3A_648 = tpu.vector_load %arg6[%get3A_647] {strides = array<i32>} : memref<4096xi32, #tpu.memory_space<vmem>>, vector<16xi32>,
      %gather3A_649 = tpu.vector_load_idx %arg5[%get3A_648] : memref<100000xf32, #tpu.memory_space<vmem>>[vector<16xi32>], vector<16xf32>,
      %swap3A_650 = arith.constant 1952 : index
      %swap3A_651 = tpu.vector_load %arg7[%swap3A_650] {strides = array<i32>} : memref<4096xf32, #tpu.memory_space<vmem>>, vector<16xf32>,
      tpu.vector_store %arg7[%swap3A_650], %gather3A_649 {strides = array<i32>} : memref<4096xf32, #tpu.memory_space<vmem>>, vector<16xf32>,
      %get3A_652 = arith.constant 1968 : index
      %get3A_653 = tpu.vector_load %arg6[%get3A_652] {strides = array<i32>} : memref<4096xi32, #tpu.memory_space<vmem>>, vector<16xi32>,
      %gather3A_654 = tpu.vector_load_idx %arg5[%get3A_653] : memref<100000xf32, #tpu.memory_space<vmem>>[vector<16xi32>], vector<16xf32>,
      %swap3A_655 = arith.constant 1968 : index
      %swap3A_656 = tpu.vector_load %arg7[%swap3A_655] {strides = array<i32>} : memref<4096xf32, #tpu.memory_space<vmem>>, vector<16xf32>,
      tpu.vector_store %arg7[%swap3A_655], %gather3A_654 {strides = array<i32>} : memref<4096xf32, #tpu.memory_space<vmem>>, vector<16xf32>,
      %get3A_657 = arith.constant 1984 : index
      %get3A_658 = tpu.vector_load %arg6[%get3A_657] {strides = array<i32>} : memref<4096xi32, #tpu.memory_space<vmem>>, vector<16xi32>,
      %gather3A_659 = tpu.vector_load_idx %arg5[%get3A_658] : memref<100000xf32, #tpu.memory_space<vmem>>[vector<16xi32>], vector<16xf32>,
      %swap3A_660 = arith.constant 1984 : index
      %swap3A_661 = tpu.vector_load %arg7[%swap3A_660] {strides = array<i32>} : memref<4096xf32, #tpu.memory_space<vmem>>, vector<16xf32>,
      tpu.vector_store %arg7[%swap3A_660], %gather3A_659 {strides = array<i32>} : memref<4096xf32, #tpu.memory_space<vmem>>, vector<16xf32>,
      %get3A_662 = arith.constant 2000 : index
      %get3A_663 = tpu.vector_load %arg6[%get3A_662] {strides = array<i32>} : memref<4096xi32, #tpu.memory_space<vmem>>, vector<16xi32>,
      %gather3A_664 = tpu.vector_load_idx %arg5[%get3A_663] : memref<100000xf32, #tpu.memory_space<vmem>>[vector<16xi32>], vector<16xf32>,
      %swap3A_665 = arith.constant 2000 : index
      %swap3A_666 = tpu.vector_load %arg7[%swap3A_665] {strides = array<i32>} : memref<4096xf32, #tpu.memory_space<vmem>>, vector<16xf32>,
      tpu.vector_store %arg7[%swap3A_665], %gather3A_664 {strides = array<i32>} : memref<4096xf32, #tpu.memory_space<vmem>>, vector<16xf32>,
      %get3A_667 = arith.constant 2016 : index
      %get3A_668 = tpu.vector_load %arg6[%get3A_667] {strides = array<i32>} : memref<4096xi32, #tpu.memory_space<vmem>>, vector<16xi32>,
      %gather3A_669 = tpu.vector_load_idx %arg5[%get3A_668] : memref<100000xf32, #tpu.memory_space<vmem>>[vector<16xi32>], vector<16xf32>,
      %swap3A_670 = arith.constant 2016 : index
      %swap3A_671 = tpu.vector_load %arg7[%swap3A_670] {strides = array<i32>} : memref<4096xf32, #tpu.memory_space<vmem>>, vector<16xf32>,
      tpu.vector_store %arg7[%swap3A_670], %gather3A_669 {strides = array<i32>} : memref<4096xf32, #tpu.memory_space<vmem>>, vector<16xf32>,
      %get3A_672 = arith.constant 2032 : index
      %get3A_673 = tpu.vector_load %arg6[%get3A_672] {strides = array<i32>} : memref<4096xi32, #tpu.memory_space<vmem>>, vector<16xi32>,
      %gather3A_674 = tpu.vector_load_idx %arg5[%get3A_673] : memref<100000xf32, #tpu.memory_space<vmem>>[vector<16xi32>], vector<16xf32>,
      %swap3A_675 = arith.constant 2032 : index
      %swap3A_676 = tpu.vector_load %arg7[%swap3A_675] {strides = array<i32>} : memref<4096xf32, #tpu.memory_space<vmem>>, vector<16xf32>,
      tpu.vector_store %arg7[%swap3A_675], %gather3A_674 {strides = array<i32>} : memref<4096xf32, #tpu.memory_space<vmem>>, vector<16xf32>,
      %get3A_677 = arith.constant 2048 : index
      %get3A_678 = tpu.vector_load %arg6[%get3A_677] {strides = array<i32>} : memref<4096xi32, #tpu.memory_space<vmem>>, vector<16xi32>,
      %gather3A_679 = tpu.vector_load_idx %arg5[%get3A_678] : memref<100000xf32, #tpu.memory_space<vmem>>[vector<16xi32>], vector<16xf32>,
      %swap3A_680 = arith.constant 2048 : index
      %swap3A_681 = tpu.vector_load %arg7[%swap3A_680] {strides = array<i32>} : memref<4096xf32, #tpu.memory_space<vmem>>, vector<16xf32>,
      tpu.vector_store %arg7[%swap3A_680], %gather3A_679 {strides = array<i32>} : memref<4096xf32, #tpu.memory_space<vmem>>, vector<16xf32>,
      %get3A_682 = arith.constant 2064 : index
      %get3A_683 = tpu.vector_load %arg6[%get3A_682] {strides = array<i32>} : memref<4096xi32, #tpu.memory_space<vmem>>, vector<16xi32>,
      %gather3A_684 = tpu.vector_load_idx %arg5[%get3A_683] : memref<100000xf32, #tpu.memory_space<vmem>>[vector<16xi32>], vector<16xf32>,
      %swap3A_685 = arith.constant 2064 : index
      %swap3A_686 = tpu.vector_load %arg7[%swap3A_685] {strides = array<i32>} : memref<4096xf32, #tpu.memory_space<vmem>>, vector<16xf32>,
      tpu.vector_store %arg7[%swap3A_685], %gather3A_684 {strides = array<i32>} : memref<4096xf32, #tpu.memory_space<vmem>>, vector<16xf32>,
      %get3A_687 = arith.constant 2080 : index
      %get3A_688 = tpu.vector_load %arg6[%get3A_687] {strides = array<i32>} : memref<4096xi32, #tpu.memory_space<vmem>>, vector<16xi32>,
      %gather3A_689 = tpu.vector_load_idx %arg5[%get3A_688] : memref<100000xf32, #tpu.memory_space<vmem>>[vector<16xi32>], vector<16xf32>,
      %swap3A_690 = arith.constant 2080 : index
      %swap3A_691 = tpu.vector_load %arg7[%swap3A_690] {strides = array<i32>} : memref<4096xf32, #tpu.memory_space<vmem>>, vector<16xf32>,
      tpu.vector_store %arg7[%swap3A_690], %gather3A_689 {strides = array<i32>} : memref<4096xf32, #tpu.memory_space<vmem>>, vector<16xf32>,
      %get3A_692 = arith.constant 2096 : index
      %get3A_693 = tpu.vector_load %arg6[%get3A_692] {strides = array<i32>} : memref<4096xi32, #tpu.memory_space<vmem>>, vector<16xi32>,
      %gather3A_694 = tpu.vector_load_idx %arg5[%get3A_693] : memref<100000xf32, #tpu.memory_space<vmem>>[vector<16xi32>], vector<16xf32>,
      %swap3A_695 = arith.constant 2096 : index
      %swap3A_696 = tpu.vector_load %arg7[%swap3A_695] {strides = array<i32>} : memref<4096xf32, #tpu.memory_space<vmem>>, vector<16xf32>,
      tpu.vector_store %arg7[%swap3A_695], %gather3A_694 {strides = array<i32>} : memref<4096xf32, #tpu.memory_space<vmem>>, vector<16xf32>,
      %get3A_697 = arith.constant 2112 : index
      %get3A_698 = tpu.vector_load %arg6[%get3A_697] {strides = array<i32>} : memref<4096xi32, #tpu.memory_space<vmem>>, vector<16xi32>,
      %gather3A_699 = tpu.vector_load_idx %arg5[%get3A_698] : memref<100000xf32, #tpu.memory_space<vmem>>[vector<16xi32>], vector<16xf32>,
      %swap3A_700 = arith.constant 2112 : index
      %swap3A_701 = tpu.vector_load %arg7[%swap3A_700] {strides = array<i32>} : memref<4096xf32, #tpu.memory_space<vmem>>, vector<16xf32>,
      tpu.vector_store %arg7[%swap3A_700], %gather3A_699 {strides = array<i32>} : memref<4096xf32, #tpu.memory_space<vmem>>, vector<16xf32>,
      %get3A_702 = arith.constant 2128 : index
      %get3A_703 = tpu.vector_load %arg6[%get3A_702] {strides = array<i32>} : memref<4096xi32, #tpu.memory_space<vmem>>, vector<16xi32>,
      %gather3A_704 = tpu.vector_load_idx %arg5[%get3A_703] : memref<100000xf32, #tpu.memory_space<vmem>>[vector<16xi32>], vector<16xf32>,
      %swap3A_705 = arith.constant 2128 : index
      %swap3A_706 = tpu.vector_load %arg7[%swap3A_705] {strides = array<i32>} : memref<4096xf32, #tpu.memory_space<vmem>>, vector<16xf32>,
      tpu.vector_store %arg7[%swap3A_705], %gather3A_704 {strides = array<i32>} : memref<4096xf32, #tpu.memory_space<vmem>>, vector<16xf32>,
      %get3A_707 = arith.constant 2144 : index
      %get3A_708 = tpu.vector_load %arg6[%get3A_707] {strides = array<i32>} : memref<4096xi32, #tpu.memory_space<vmem>>, vector<16xi32>,
      %gather3A_709 = tpu.vector_load_idx %arg5[%get3A_708] : memref<100000xf32, #tpu.memory_space<vmem>>[vector<16xi32>], vector<16xf32>,
      %swap3A_710 = arith.constant 2144 : index
      %swap3A_711 = tpu.vector_load %arg7[%swap3A_710] {strides = array<i32>} : memref<4096xf32, #tpu.memory_space<vmem>>, vector<16xf32>,
      tpu.vector_store %arg7[%swap3A_710], %gather3A_709 {strides = array<i32>} : memref<4096xf32, #tpu.memory_space<vmem>>, vector<16xf32>,
      %get3A_712 = arith.constant 2160 : index
      %get3A_713 = tpu.vector_load %arg6[%get3A_712] {strides = array<i32>} : memref<4096xi32, #tpu.memory_space<vmem>>, vector<16xi32>,
      %gather3A_714 = tpu.vector_load_idx %arg5[%get3A_713] : memref<100000xf32, #tpu.memory_space<vmem>>[vector<16xi32>], vector<16xf32>,
      %swap3A_715 = arith.constant 2160 : index
      %swap3A_716 = tpu.vector_load %arg7[%swap3A_715] {strides = array<i32>} : memref<4096xf32, #tpu.memory_space<vmem>>, vector<16xf32>,
      tpu.vector_store %arg7[%swap3A_715], %gather3A_714 {strides = array<i32>} : memref<4096xf32, #tpu.memory_space<vmem>>, vector<16xf32>,
      %get3A_717 = arith.constant 2176 : index
      %get3A_718 = tpu.vector_load %arg6[%get3A_717] {strides = array<i32>} : memref<4096xi32, #tpu.memory_space<vmem>>, vector<16xi32>,
      %gather3A_719 = tpu.vector_load_idx %arg5[%get3A_718] : memref<100000xf32, #tpu.memory_space<vmem>>[vector<16xi32>], vector<16xf32>,
      %swap3A_720 = arith.constant 2176 : index
      %swap3A_721 = tpu.vector_load %arg7[%swap3A_720] {strides = array<i32>} : memref<4096xf32, #tpu.memory_space<vmem>>, vector<16xf32>,
      tpu.vector_store %arg7[%swap3A_720], %gather3A_719 {strides = array<i32>} : memref<4096xf32, #tpu.memory_space<vmem>>, vector<16xf32>,
      %get3A_722 = arith.constant 2192 : index
      %get3A_723 = tpu.vector_load %arg6[%get3A_722] {strides = array<i32>} : memref<4096xi32, #tpu.memory_space<vmem>>, vector<16xi32>,
      %gather3A_724 = tpu.vector_load_idx %arg5[%get3A_723] : memref<100000xf32, #tpu.memory_space<vmem>>[vector<16xi32>], vector<16xf32>,
      %swap3A_725 = arith.constant 2192 : index
      %swap3A_726 = tpu.vector_load %arg7[%swap3A_725] {strides = array<i32>} : memref<4096xf32, #tpu.memory_space<vmem>>, vector<16xf32>,
      tpu.vector_store %arg7[%swap3A_725], %gather3A_724 {strides = array<i32>} : memref<4096xf32, #tpu.memory_space<vmem>>, vector<16xf32>,
      %get3A_727 = arith.constant 2208 : index
      %get3A_728 = tpu.vector_load %arg6[%get3A_727] {strides = array<i32>} : memref<4096xi32, #tpu.memory_space<vmem>>, vector<16xi32>,
      %gather3A_729 = tpu.vector_load_idx %arg5[%get3A_728] : memref<100000xf32, #tpu.memory_space<vmem>>[vector<16xi32>], vector<16xf32>,
      %swap3A_730 = arith.constant 2208 : index
      %swap3A_731 = tpu.vector_load %arg7[%swap3A_730] {strides = array<i32>} : memref<4096xf32, #tpu.memory_space<vmem>>, vector<16xf32>,
      tpu.vector_store %arg7[%swap3A_730], %gather3A_729 {strides = array<i32>} : memref<4096xf32, #tpu.memory_space<vmem>>, vector<16xf32>,
      %get3A_732 = arith.constant 2224 : index
      %get3A_733 = tpu.vector_load %arg6[%get3A_732] {strides = array<i32>} : memref<4096xi32, #tpu.memory_space<vmem>>, vector<16xi32>,
      %gather3A_734 = tpu.vector_load_idx %arg5[%get3A_733] : memref<100000xf32, #tpu.memory_space<vmem>>[vector<16xi32>], vector<16xf32>,
      %swap3A_735 = arith.constant 2224 : index
      %swap3A_736 = tpu.vector_load %arg7[%swap3A_735] {strides = array<i32>} : memref<4096xf32, #tpu.memory_space<vmem>>, vector<16xf32>,
      tpu.vector_store %arg7[%swap3A_735], %gather3A_734 {strides = array<i32>} : memref<4096xf32, #tpu.memory_space<vmem>>, vector<16xf32>,
      %get3A_737 = arith.constant 2240 : index
      %get3A_738 = tpu.vector_load %arg6[%get3A_737] {strides = array<i32>} : memref<4096xi32, #tpu.memory_space<vmem>>, vector<16xi32>,
      %gather3A_739 = tpu.vector_load_idx %arg5[%get3A_738] : memref<100000xf32, #tpu.memory_space<vmem>>[vector<16xi32>], vector<16xf32>,
      %swap3A_740 = arith.constant 2240 : index
      %swap3A_741 = tpu.vector_load %arg7[%swap3A_740] {strides = array<i32>} : memref<4096xf32, #tpu.memory_space<vmem>>, vector<16xf32>,
      tpu.vector_store %arg7[%swap3A_740], %gather3A_739 {strides = array<i32>} : memref<4096xf32, #tpu.memory_space<vmem>>, vector<16xf32>,
      %get3A_742 = arith.constant 2256 : index
      %get3A_743 = tpu.vector_load %arg6[%get3A_742] {strides = array<i32>} : memref<4096xi32, #tpu.memory_space<vmem>>, vector<16xi32>,
      %gather3A_744 = tpu.vector_load_idx %arg5[%get3A_743] : memref<100000xf32, #tpu.memory_space<vmem>>[vector<16xi32>], vector<16xf32>,
      %swap3A_745 = arith.constant 2256 : index
      %swap3A_746 = tpu.vector_load %arg7[%swap3A_745] {strides = array<i32>} : memref<4096xf32, #tpu.memory_space<vmem>>, vector<16xf32>,
      tpu.vector_store %arg7[%swap3A_745], %gather3A_744 {strides = array<i32>} : memref<4096xf32, #tpu.memory_space<vmem>>, vector<16xf32>,
      %get3A_747 = arith.constant 2272 : index
      %get3A_748 = tpu.vector_load %arg6[%get3A_747] {strides = array<i32>} : memref<4096xi32, #tpu.memory_space<vmem>>, vector<16xi32>,
      %gather3A_749 = tpu.vector_load_idx %arg5[%get3A_748] : memref<100000xf32, #tpu.memory_space<vmem>>[vector<16xi32>], vector<16xf32>,
      %swap3A_750 = arith.constant 2272 : index
      %swap3A_751 = tpu.vector_load %arg7[%swap3A_750] {strides = array<i32>} : memref<4096xf32, #tpu.memory_space<vmem>>, vector<16xf32>,
      tpu.vector_store %arg7[%swap3A_750], %gather3A_749 {strides = array<i32>} : memref<4096xf32, #tpu.memory_space<vmem>>, vector<16xf32>,
      %get3A_752 = arith.constant 2288 : index
      %get3A_753 = tpu.vector_load %arg6[%get3A_752] {strides = array<i32>} : memref<4096xi32, #tpu.memory_space<vmem>>, vector<16xi32>,
      %gather3A_754 = tpu.vector_load_idx %arg5[%get3A_753] : memref<100000xf32, #tpu.memory_space<vmem>>[vector<16xi32>], vector<16xf32>,
      %swap3A_755 = arith.constant 2288 : index
      %swap3A_756 = tpu.vector_load %arg7[%swap3A_755] {strides = array<i32>} : memref<4096xf32, #tpu.memory_space<vmem>>, vector<16xf32>,
      tpu.vector_store %arg7[%swap3A_755], %gather3A_754 {strides = array<i32>} : memref<4096xf32, #tpu.memory_space<vmem>>, vector<16xf32>,
      %get3A_757 = arith.constant 2304 : index
      %get3A_758 = tpu.vector_load %arg6[%get3A_757] {strides = array<i32>} : memref<4096xi32, #tpu.memory_space<vmem>>, vector<16xi32>,
      %gather3A_759 = tpu.vector_load_idx %arg5[%get3A_758] : memref<100000xf32, #tpu.memory_space<vmem>>[vector<16xi32>], vector<16xf32>,
      %swap3A_760 = arith.constant 2304 : index
      %swap3A_761 = tpu.vector_load %arg7[%swap3A_760] {strides = array<i32>} : memref<4096xf32, #tpu.memory_space<vmem>>, vector<16xf32>,
      tpu.vector_store %arg7[%swap3A_760], %gather3A_759 {strides = array<i32>} : memref<4096xf32, #tpu.memory_space<vmem>>, vector<16xf32>,
      %get3A_762 = arith.constant 2320 : index
      %get3A_763 = tpu.vector_load %arg6[%get3A_762] {strides = array<i32>} : memref<4096xi32, #tpu.memory_space<vmem>>, vector<16xi32>,
      %gather3A_764 = tpu.vector_load_idx %arg5[%get3A_763] : memref<100000xf32, #tpu.memory_space<vmem>>[vector<16xi32>], vector<16xf32>,
      %swap3A_765 = arith.constant 2320 : index
      %swap3A_766 = tpu.vector_load %arg7[%swap3A_765] {strides = array<i32>} : memref<4096xf32, #tpu.memory_space<vmem>>, vector<16xf32>,
      tpu.vector_store %arg7[%swap3A_765], %gather3A_764 {strides = array<i32>} : memref<4096xf32, #tpu.memory_space<vmem>>, vector<16xf32>,
      %get3A_767 = arith.constant 2336 : index
      %get3A_768 = tpu.vector_load %arg6[%get3A_767] {strides = array<i32>} : memref<4096xi32, #tpu.memory_space<vmem>>, vector<16xi32>,
      %gather3A_769 = tpu.vector_load_idx %arg5[%get3A_768] : memref<100000xf32, #tpu.memory_space<vmem>>[vector<16xi32>], vector<16xf32>,
      %swap3A_770 = arith.constant 2336 : index
      %swap3A_771 = tpu.vector_load %arg7[%swap3A_770] {strides = array<i32>} : memref<4096xf32, #tpu.memory_space<vmem>>, vector<16xf32>,
      tpu.vector_store %arg7[%swap3A_770], %gather3A_769 {strides = array<i32>} : memref<4096xf32, #tpu.memory_space<vmem>>, vector<16xf32>,
      %get3A_772 = arith.constant 2352 : index
      %get3A_773 = tpu.vector_load %arg6[%get3A_772] {strides = array<i32>} : memref<4096xi32, #tpu.memory_space<vmem>>, vector<16xi32>,
      %gather3A_774 = tpu.vector_load_idx %arg5[%get3A_773] : memref<100000xf32, #tpu.memory_space<vmem>>[vector<16xi32>], vector<16xf32>,
      %swap3A_775 = arith.constant 2352 : index
      %swap3A_776 = tpu.vector_load %arg7[%swap3A_775] {strides = array<i32>} : memref<4096xf32, #tpu.memory_space<vmem>>, vector<16xf32>,
      tpu.vector_store %arg7[%swap3A_775], %gather3A_774 {strides = array<i32>} : memref<4096xf32, #tpu.memory_space<vmem>>, vector<16xf32>,
      %get3A_777 = arith.constant 2368 : index
      %get3A_778 = tpu.vector_load %arg6[%get3A_777] {strides = array<i32>} : memref<4096xi32, #tpu.memory_space<vmem>>, vector<16xi32>,
      %gather3A_779 = tpu.vector_load_idx %arg5[%get3A_778] : memref<100000xf32, #tpu.memory_space<vmem>>[vector<16xi32>], vector<16xf32>,
      %swap3A_780 = arith.constant 2368 : index
      %swap3A_781 = tpu.vector_load %arg7[%swap3A_780] {strides = array<i32>} : memref<4096xf32, #tpu.memory_space<vmem>>, vector<16xf32>,
      tpu.vector_store %arg7[%swap3A_780], %gather3A_779 {strides = array<i32>} : memref<4096xf32, #tpu.memory_space<vmem>>, vector<16xf32>,
      %get3A_782 = arith.constant 2384 : index
      %get3A_783 = tpu.vector_load %arg6[%get3A_782] {strides = array<i32>} : memref<4096xi32, #tpu.memory_space<vmem>>, vector<16xi32>,
      %gather3A_784 = tpu.vector_load_idx %arg5[%get3A_783] : memref<100000xf32, #tpu.memory_space<vmem>>[vector<16xi32>], vector<16xf32>,
      %swap3A_785 = arith.constant 2384 : index
      %swap3A_786 = tpu.vector_load %arg7[%swap3A_785] {strides = array<i32>} : memref<4096xf32, #tpu.memory_space<vmem>>, vector<16xf32>,
      tpu.vector_store %arg7[%swap3A_785], %gather3A_784 {strides = array<i32>} : memref<4096xf32, #tpu.memory_space<vmem>>, vector<16xf32>,
      %get3A_787 = arith.constant 2400 : index
      %get3A_788 = tpu.vector_load %arg6[%get3A_787] {strides = array<i32>} : memref<4096xi32, #tpu.memory_space<vmem>>, vector<16xi32>,
      %gather3A_789 = tpu.vector_load_idx %arg5[%get3A_788] : memref<100000xf32, #tpu.memory_space<vmem>>[vector<16xi32>], vector<16xf32>,
      %swap3A_790 = arith.constant 2400 : index
      %swap3A_791 = tpu.vector_load %arg7[%swap3A_790] {strides = array<i32>} : memref<4096xf32, #tpu.memory_space<vmem>>, vector<16xf32>,
      tpu.vector_store %arg7[%swap3A_790], %gather3A_789 {strides = array<i32>} : memref<4096xf32, #tpu.memory_space<vmem>>, vector<16xf32>,
      %get3A_792 = arith.constant 2416 : index
      %get3A_793 = tpu.vector_load %arg6[%get3A_792] {strides = array<i32>} : memref<4096xi32, #tpu.memory_space<vmem>>, vector<16xi32>,
      %gather3A_794 = tpu.vector_load_idx %arg5[%get3A_793] : memref<100000xf32, #tpu.memory_space<vmem>>[vector<16xi32>], vector<16xf32>,
      %swap3A_795 = arith.constant 2416 : index
      %swap3A_796 = tpu.vector_load %arg7[%swap3A_795] {strides = array<i32>} : memref<4096xf32, #tpu.memory_space<vmem>>, vector<16xf32>,
      tpu.vector_store %arg7[%swap3A_795], %gather3A_794 {strides = array<i32>} : memref<4096xf32, #tpu.memory_space<vmem>>, vector<16xf32>,
      %get3A_797 = arith.constant 2432 : index
      %get3A_798 = tpu.vector_load %arg6[%get3A_797] {strides = array<i32>} : memref<4096xi32, #tpu.memory_space<vmem>>, vector<16xi32>,
      %gather3A_799 = tpu.vector_load_idx %arg5[%get3A_798] : memref<100000xf32, #tpu.memory_space<vmem>>[vector<16xi32>], vector<16xf32>,
      %swap3A_800 = arith.constant 2432 : index
      %swap3A_801 = tpu.vector_load %arg7[%swap3A_800] {strides = array<i32>} : memref<4096xf32, #tpu.memory_space<vmem>>, vector<16xf32>,
      tpu.vector_store %arg7[%swap3A_800], %gather3A_799 {strides = array<i32>} : memref<4096xf32, #tpu.memory_space<vmem>>, vector<16xf32>,
      %get3A_802 = arith.constant 2448 : index
      %get3A_803 = tpu.vector_load %arg6[%get3A_802] {strides = array<i32>} : memref<4096xi32, #tpu.memory_space<vmem>>, vector<16xi32>,
      %gather3A_804 = tpu.vector_load_idx %arg5[%get3A_803] : memref<100000xf32, #tpu.memory_space<vmem>>[vector<16xi32>], vector<16xf32>,
      %swap3A_805 = arith.constant 2448 : index
      %swap3A_806 = tpu.vector_load %arg7[%swap3A_805] {strides = array<i32>} : memref<4096xf32, #tpu.memory_space<vmem>>, vector<16xf32>,
      tpu.vector_store %arg7[%swap3A_805], %gather3A_804 {strides = array<i32>} : memref<4096xf32, #tpu.memory_space<vmem>>, vector<16xf32>,
      %get3A_807 = arith.constant 2464 : index
      %get3A_808 = tpu.vector_load %arg6[%get3A_807] {strides = array<i32>} : memref<4096xi32, #tpu.memory_space<vmem>>, vector<16xi32>,
      %gather3A_809 = tpu.vector_load_idx %arg5[%get3A_808] : memref<100000xf32, #tpu.memory_space<vmem>>[vector<16xi32>], vector<16xf32>,
      %swap3A_810 = arith.constant 2464 : index
      %swap3A_811 = tpu.vector_load %arg7[%swap3A_810] {strides = array<i32>} : memref<4096xf32, #tpu.memory_space<vmem>>, vector<16xf32>,
      tpu.vector_store %arg7[%swap3A_810], %gather3A_809 {strides = array<i32>} : memref<4096xf32, #tpu.memory_space<vmem>>, vector<16xf32>,
      %get3A_812 = arith.constant 2480 : index
      %get3A_813 = tpu.vector_load %arg6[%get3A_812] {strides = array<i32>} : memref<4096xi32, #tpu.memory_space<vmem>>, vector<16xi32>,
      %gather3A_814 = tpu.vector_load_idx %arg5[%get3A_813] : memref<100000xf32, #tpu.memory_space<vmem>>[vector<16xi32>], vector<16xf32>,
      %swap3A_815 = arith.constant 2480 : index
      %swap3A_816 = tpu.vector_load %arg7[%swap3A_815] {strides = array<i32>} : memref<4096xf32, #tpu.memory_space<vmem>>, vector<16xf32>,
      tpu.vector_store %arg7[%swap3A_815], %gather3A_814 {strides = array<i32>} : memref<4096xf32, #tpu.memory_space<vmem>>, vector<16xf32>,
      %get3A_817 = arith.constant 2496 : index
      %get3A_818 = tpu.vector_load %arg6[%get3A_817] {strides = array<i32>} : memref<4096xi32, #tpu.memory_space<vmem>>, vector<16xi32>,
      %gather3A_819 = tpu.vector_load_idx %arg5[%get3A_818] : memref<100000xf32, #tpu.memory_space<vmem>>[vector<16xi32>], vector<16xf32>,
      %swap3A_820 = arith.constant 2496 : index
      %swap3A_821 = tpu.vector_load %arg7[%swap3A_820] {strides = array<i32>} : memref<4096xf32, #tpu.memory_space<vmem>>, vector<16xf32>,
      tpu.vector_store %arg7[%swap3A_820], %gather3A_819 {strides = array<i32>} : memref<4096xf32, #tpu.memory_space<vmem>>, vector<16xf32>,
      %get3A_822 = arith.constant 2512 : index
      %get3A_823 = tpu.vector_load %arg6[%get3A_822] {strides = array<i32>} : memref<4096xi32, #tpu.memory_space<vmem>>, vector<16xi32>,
      %gather3A_824 = tpu.vector_load_idx %arg5[%get3A_823] : memref<100000xf32, #tpu.memory_space<vmem>>[vector<16xi32>], vector<16xf32>,
      %swap3A_825 = arith.constant 2512 : index
      %swap3A_826 = tpu.vector_load %arg7[%swap3A_825] {strides = array<i32>} : memref<4096xf32, #tpu.memory_space<vmem>>, vector<16xf32>,
      tpu.vector_store %arg7[%swap3A_825], %gather3A_824 {strides = array<i32>} : memref<4096xf32, #tpu.memory_space<vmem>>, vector<16xf32>,
      %get3A_827 = arith.constant 2528 : index
      %get3A_828 = tpu.vector_load %arg6[%get3A_827] {strides = array<i32>} : memref<4096xi32, #tpu.memory_space<vmem>>, vector<16xi32>,
      %gather3A_829 = tpu.vector_load_idx %arg5[%get3A_828] : memref<100000xf32, #tpu.memory_space<vmem>>[vector<16xi32>], vector<16xf32>,
      %swap3A_830 = arith.constant 2528 : index
      %swap3A_831 = tpu.vector_load %arg7[%swap3A_830] {strides = array<i32>} : memref<4096xf32, #tpu.memory_space<vmem>>, vector<16xf32>,
      tpu.vector_store %arg7[%swap3A_830], %gather3A_829 {strides = array<i32>} : memref<4096xf32, #tpu.memory_space<vmem>>, vector<16xf32>,
      %get3A_832 = arith.constant 2544 : index
      %get3A_833 = tpu.vector_load %arg6[%get3A_832] {strides = array<i32>} : memref<4096xi32, #tpu.memory_space<vmem>>, vector<16xi32>,
      %gather3A_834 = tpu.vector_load_idx %arg5[%get3A_833] : memref<100000xf32, #tpu.memory_space<vmem>>[vector<16xi32>], vector<16xf32>,
      %swap3A_835 = arith.constant 2544 : index
      %swap3A_836 = tpu.vector_load %arg7[%swap3A_835] {strides = array<i32>} : memref<4096xf32, #tpu.memory_space<vmem>>, vector<16xf32>,
      tpu.vector_store %arg7[%swap3A_835], %gather3A_834 {strides = array<i32>} : memref<4096xf32, #tpu.memory_space<vmem>>, vector<16xf32>,
      %get3A_837 = arith.constant 2560 : index
      %get3A_838 = tpu.vector_load %arg6[%get3A_837] {strides = array<i32>} : memref<4096xi32, #tpu.memory_space<vmem>>, vector<16xi32>,
      %gather3A_839 = tpu.vector_load_idx %arg5[%get3A_838] : memref<100000xf32, #tpu.memory_space<vmem>>[vector<16xi32>], vector<16xf32>,
      %swap3A_840 = arith.constant 2560 : index
      %swap3A_841 = tpu.vector_load %arg7[%swap3A_840] {strides = array<i32>} : memref<4096xf32, #tpu.memory_space<vmem>>, vector<16xf32>,
      tpu.vector_store %arg7[%swap3A_840], %gather3A_839 {strides = array<i32>} : memref<4096xf32, #tpu.memory_space<vmem>>, vector<16xf32>,
      %get3A_842 = arith.constant 2576 : index
      %get3A_843 = tpu.vector_load %arg6[%get3A_842] {strides = array<i32>} : memref<4096xi32, #tpu.memory_space<vmem>>, vector<16xi32>,
      %gather3A_844 = tpu.vector_load_idx %arg5[%get3A_843] : memref<100000xf32, #tpu.memory_space<vmem>>[vector<16xi32>], vector<16xf32>,
      %swap3A_845 = arith.constant 2576 : index
      %swap3A_846 = tpu.vector_load %arg7[%swap3A_845] {strides = array<i32>} : memref<4096xf32, #tpu.memory_space<vmem>>, vector<16xf32>,
      tpu.vector_store %arg7[%swap3A_845], %gather3A_844 {strides = array<i32>} : memref<4096xf32, #tpu.memory_space<vmem>>, vector<16xf32>,
      %get3A_847 = arith.constant 2592 : index
      %get3A_848 = tpu.vector_load %arg6[%get3A_847] {strides = array<i32>} : memref<4096xi32, #tpu.memory_space<vmem>>, vector<16xi32>,
      %gather3A_849 = tpu.vector_load_idx %arg5[%get3A_848] : memref<100000xf32, #tpu.memory_space<vmem>>[vector<16xi32>], vector<16xf32>,
      %swap3A_850 = arith.constant 2592 : index
      %swap3A_851 = tpu.vector_load %arg7[%swap3A_850] {strides = array<i32>} : memref<4096xf32, #tpu.memory_space<vmem>>, vector<16xf32>,
      tpu.vector_store %arg7[%swap3A_850], %gather3A_849 {strides = array<i32>} : memref<4096xf32, #tpu.memory_space<vmem>>, vector<16xf32>,
      %get3A_852 = arith.constant 2608 : index
      %get3A_853 = tpu.vector_load %arg6[%get3A_852] {strides = array<i32>} : memref<4096xi32, #tpu.memory_space<vmem>>, vector<16xi32>,
      %gather3A_854 = tpu.vector_load_idx %arg5[%get3A_853] : memref<100000xf32, #tpu.memory_space<vmem>>[vector<16xi32>], vector<16xf32>,
      %swap3A_855 = arith.constant 2608 : index
      %swap3A_856 = tpu.vector_load %arg7[%swap3A_855] {strides = array<i32>} : memref<4096xf32, #tpu.memory_space<vmem>>, vector<16xf32>,
      tpu.vector_store %arg7[%swap3A_855], %gather3A_854 {strides = array<i32>} : memref<4096xf32, #tpu.memory_space<vmem>>, vector<16xf32>,
      %get3A_857 = arith.constant 2624 : index
      %get3A_858 = tpu.vector_load %arg6[%get3A_857] {strides = array<i32>} : memref<4096xi32, #tpu.memory_space<vmem>>, vector<16xi32>,
      %gather3A_859 = tpu.vector_load_idx %arg5[%get3A_858] : memref<100000xf32, #tpu.memory_space<vmem>>[vector<16xi32>], vector<16xf32>,
      %swap3A_860 = arith.constant 2624 : index
      %swap3A_861 = tpu.vector_load %arg7[%swap3A_860] {strides = array<i32>} : memref<4096xf32, #tpu.memory_space<vmem>>, vector<16xf32>,
      tpu.vector_store %arg7[%swap3A_860], %gather3A_859 {strides = array<i32>} : memref<4096xf32, #tpu.memory_space<vmem>>, vector<16xf32>,
      %get3A_862 = arith.constant 2640 : index
      %get3A_863 = tpu.vector_load %arg6[%get3A_862] {strides = array<i32>} : memref<4096xi32, #tpu.memory_space<vmem>>, vector<16xi32>,
      %gather3A_864 = tpu.vector_load_idx %arg5[%get3A_863] : memref<100000xf32, #tpu.memory_space<vmem>>[vector<16xi32>], vector<16xf32>,
      %swap3A_865 = arith.constant 2640 : index
      %swap3A_866 = tpu.vector_load %arg7[%swap3A_865] {strides = array<i32>} : memref<4096xf32, #tpu.memory_space<vmem>>, vector<16xf32>,
      tpu.vector_store %arg7[%swap3A_865], %gather3A_864 {strides = array<i32>} : memref<4096xf32, #tpu.memory_space<vmem>>, vector<16xf32>,
      %get3A_867 = arith.constant 2656 : index
      %get3A_868 = tpu.vector_load %arg6[%get3A_867] {strides = array<i32>} : memref<4096xi32, #tpu.memory_space<vmem>>, vector<16xi32>,
      %gather3A_869 = tpu.vector_load_idx %arg5[%get3A_868] : memref<100000xf32, #tpu.memory_space<vmem>>[vector<16xi32>], vector<16xf32>,
      %swap3A_870 = arith.constant 2656 : index
      %swap3A_871 = tpu.vector_load %arg7[%swap3A_870] {strides = array<i32>} : memref<4096xf32, #tpu.memory_space<vmem>>, vector<16xf32>,
      tpu.vector_store %arg7[%swap3A_870], %gather3A_869 {strides = array<i32>} : memref<4096xf32, #tpu.memory_space<vmem>>, vector<16xf32>,
      %get3A_872 = arith.constant 2672 : index
      %get3A_873 = tpu.vector_load %arg6[%get3A_872] {strides = array<i32>} : memref<4096xi32, #tpu.memory_space<vmem>>, vector<16xi32>,
      %gather3A_874 = tpu.vector_load_idx %arg5[%get3A_873] : memref<100000xf32, #tpu.memory_space<vmem>>[vector<16xi32>], vector<16xf32>,
      %swap3A_875 = arith.constant 2672 : index
      %swap3A_876 = tpu.vector_load %arg7[%swap3A_875] {strides = array<i32>} : memref<4096xf32, #tpu.memory_space<vmem>>, vector<16xf32>,
      tpu.vector_store %arg7[%swap3A_875], %gather3A_874 {strides = array<i32>} : memref<4096xf32, #tpu.memory_space<vmem>>, vector<16xf32>,
      %get3A_877 = arith.constant 2688 : index
      %get3A_878 = tpu.vector_load %arg6[%get3A_877] {strides = array<i32>} : memref<4096xi32, #tpu.memory_space<vmem>>, vector<16xi32>,
      %gather3A_879 = tpu.vector_load_idx %arg5[%get3A_878] : memref<100000xf32, #tpu.memory_space<vmem>>[vector<16xi32>], vector<16xf32>,
      %swap3A_880 = arith.constant 2688 : index
      %swap3A_881 = tpu.vector_load %arg7[%swap3A_880] {strides = array<i32>} : memref<4096xf32, #tpu.memory_space<vmem>>, vector<16xf32>,
      tpu.vector_store %arg7[%swap3A_880], %gather3A_879 {strides = array<i32>} : memref<4096xf32, #tpu.memory_space<vmem>>, vector<16xf32>,
      %get3A_882 = arith.constant 2704 : index
      %get3A_883 = tpu.vector_load %arg6[%get3A_882] {strides = array<i32>} : memref<4096xi32, #tpu.memory_space<vmem>>, vector<16xi32>,
      %gather3A_884 = tpu.vector_load_idx %arg5[%get3A_883] : memref<100000xf32, #tpu.memory_space<vmem>>[vector<16xi32>], vector<16xf32>,
      %swap3A_885 = arith.constant 2704 : index
      %swap3A_886 = tpu.vector_load %arg7[%swap3A_885] {strides = array<i32>} : memref<4096xf32, #tpu.memory_space<vmem>>, vector<16xf32>,
      tpu.vector_store %arg7[%swap3A_885], %gather3A_884 {strides = array<i32>} : memref<4096xf32, #tpu.memory_space<vmem>>, vector<16xf32>,
      %get3A_887 = arith.constant 2720 : index
      %get3A_888 = tpu.vector_load %arg6[%get3A_887] {strides = array<i32>} : memref<4096xi32, #tpu.memory_space<vmem>>, vector<16xi32>,
      %gather3A_889 = tpu.vector_load_idx %arg5[%get3A_888] : memref<100000xf32, #tpu.memory_space<vmem>>[vector<16xi32>], vector<16xf32>,
      %swap3A_890 = arith.constant 2720 : index
      %swap3A_891 = tpu.vector_load %arg7[%swap3A_890] {strides = array<i32>} : memref<4096xf32, #tpu.memory_space<vmem>>, vector<16xf32>,
      tpu.vector_store %arg7[%swap3A_890], %gather3A_889 {strides = array<i32>} : memref<4096xf32, #tpu.memory_space<vmem>>, vector<16xf32>,
      %get3A_892 = arith.constant 2736 : index
      %get3A_893 = tpu.vector_load %arg6[%get3A_892] {strides = array<i32>} : memref<4096xi32, #tpu.memory_space<vmem>>, vector<16xi32>,
      %gather3A_894 = tpu.vector_load_idx %arg5[%get3A_893] : memref<100000xf32, #tpu.memory_space<vmem>>[vector<16xi32>], vector<16xf32>,
      %swap3A_895 = arith.constant 2736 : index
      %swap3A_896 = tpu.vector_load %arg7[%swap3A_895] {strides = array<i32>} : memref<4096xf32, #tpu.memory_space<vmem>>, vector<16xf32>,
      tpu.vector_store %arg7[%swap3A_895], %gather3A_894 {strides = array<i32>} : memref<4096xf32, #tpu.memory_space<vmem>>, vector<16xf32>,
      %get3A_897 = arith.constant 2752 : index
      %get3A_898 = tpu.vector_load %arg6[%get3A_897] {strides = array<i32>} : memref<4096xi32, #tpu.memory_space<vmem>>, vector<16xi32>,
      %gather3A_899 = tpu.vector_load_idx %arg5[%get3A_898] : memref<100000xf32, #tpu.memory_space<vmem>>[vector<16xi32>], vector<16xf32>,
      %swap3A_900 = arith.constant 2752 : index
      %swap3A_901 = tpu.vector_load %arg7[%swap3A_900] {strides = array<i32>} : memref<4096xf32, #tpu.memory_space<vmem>>, vector<16xf32>,
      tpu.vector_store %arg7[%swap3A_900], %gather3A_899 {strides = array<i32>} : memref<4096xf32, #tpu.memory_space<vmem>>, vector<16xf32>,
      %get3A_902 = arith.constant 2768 : index
      %get3A_903 = tpu.vector_load %arg6[%get3A_902] {strides = array<i32>} : memref<4096xi32, #tpu.memory_space<vmem>>, vector<16xi32>,
      %gather3A_904 = tpu.vector_load_idx %arg5[%get3A_903] : memref<100000xf32, #tpu.memory_space<vmem>>[vector<16xi32>], vector<16xf32>,
      %swap3A_905 = arith.constant 2768 : index
      %swap3A_906 = tpu.vector_load %arg7[%swap3A_905] {strides = array<i32>} : memref<4096xf32, #tpu.memory_space<vmem>>, vector<16xf32>,
      tpu.vector_store %arg7[%swap3A_905], %gather3A_904 {strides = array<i32>} : memref<4096xf32, #tpu.memory_space<vmem>>, vector<16xf32>,
      %get3A_907 = arith.constant 2784 : index
      %get3A_908 = tpu.vector_load %arg6[%get3A_907] {strides = array<i32>} : memref<4096xi32, #tpu.memory_space<vmem>>, vector<16xi32>,
      %gather3A_909 = tpu.vector_load_idx %arg5[%get3A_908] : memref<100000xf32, #tpu.memory_space<vmem>>[vector<16xi32>], vector<16xf32>,
      %swap3A_910 = arith.constant 2784 : index
      %swap3A_911 = tpu.vector_load %arg7[%swap3A_910] {strides = array<i32>} : memref<4096xf32, #tpu.memory_space<vmem>>, vector<16xf32>,
      tpu.vector_store %arg7[%swap3A_910], %gather3A_909 {strides = array<i32>} : memref<4096xf32, #tpu.memory_space<vmem>>, vector<16xf32>,
      %get3A_912 = arith.constant 2800 : index
      %get3A_913 = tpu.vector_load %arg6[%get3A_912] {strides = array<i32>} : memref<4096xi32, #tpu.memory_space<vmem>>, vector<16xi32>,
      %gather3A_914 = tpu.vector_load_idx %arg5[%get3A_913] : memref<100000xf32, #tpu.memory_space<vmem>>[vector<16xi32>], vector<16xf32>,
      %swap3A_915 = arith.constant 2800 : index
      %swap3A_916 = tpu.vector_load %arg7[%swap3A_915] {strides = array<i32>} : memref<4096xf32, #tpu.memory_space<vmem>>, vector<16xf32>,
      tpu.vector_store %arg7[%swap3A_915], %gather3A_914 {strides = array<i32>} : memref<4096xf32, #tpu.memory_space<vmem>>, vector<16xf32>,
      %get3A_917 = arith.constant 2816 : index
      %get3A_918 = tpu.vector_load %arg6[%get3A_917] {strides = array<i32>} : memref<4096xi32, #tpu.memory_space<vmem>>, vector<16xi32>,
      %gather3A_919 = tpu.vector_load_idx %arg5[%get3A_918] : memref<100000xf32, #tpu.memory_space<vmem>>[vector<16xi32>], vector<16xf32>,
      %swap3A_920 = arith.constant 2816 : index
      %swap3A_921 = tpu.vector_load %arg7[%swap3A_920] {strides = array<i32>} : memref<4096xf32, #tpu.memory_space<vmem>>, vector<16xf32>,
      tpu.vector_store %arg7[%swap3A_920], %gather3A_919 {strides = array<i32>} : memref<4096xf32, #tpu.memory_space<vmem>>, vector<16xf32>,
      %get3A_922 = arith.constant 2832 : index
      %get3A_923 = tpu.vector_load %arg6[%get3A_922] {strides = array<i32>} : memref<4096xi32, #tpu.memory_space<vmem>>, vector<16xi32>,
      %gather3A_924 = tpu.vector_load_idx %arg5[%get3A_923] : memref<100000xf32, #tpu.memory_space<vmem>>[vector<16xi32>], vector<16xf32>,
      %swap3A_925 = arith.constant 2832 : index
      %swap3A_926 = tpu.vector_load %arg7[%swap3A_925] {strides = array<i32>} : memref<4096xf32, #tpu.memory_space<vmem>>, vector<16xf32>,
      tpu.vector_store %arg7[%swap3A_925], %gather3A_924 {strides = array<i32>} : memref<4096xf32, #tpu.memory_space<vmem>>, vector<16xf32>,
      %get3A_927 = arith.constant 2848 : index
      %get3A_928 = tpu.vector_load %arg6[%get3A_927] {strides = array<i32>} : memref<4096xi32, #tpu.memory_space<vmem>>, vector<16xi32>,
      %gather3A_929 = tpu.vector_load_idx %arg5[%get3A_928] : memref<100000xf32, #tpu.memory_space<vmem>>[vector<16xi32>], vector<16xf32>,
      %swap3A_930 = arith.constant 2848 : index
      %swap3A_931 = tpu.vector_load %arg7[%swap3A_930] {strides = array<i32>} : memref<4096xf32, #tpu.memory_space<vmem>>, vector<16xf32>,
      tpu.vector_store %arg7[%swap3A_930], %gather3A_929 {strides = array<i32>} : memref<4096xf32, #tpu.memory_space<vmem>>, vector<16xf32>,
      %get3A_932 = arith.constant 2864 : index
      %get3A_933 = tpu.vector_load %arg6[%get3A_932] {strides = array<i32>} : memref<4096xi32, #tpu.memory_space<vmem>>, vector<16xi32>,
      %gather3A_934 = tpu.vector_load_idx %arg5[%get3A_933] : memref<100000xf32, #tpu.memory_space<vmem>>[vector<16xi32>], vector<16xf32>,
      %swap3A_935 = arith.constant 2864 : index
      %swap3A_936 = tpu.vector_load %arg7[%swap3A_935] {strides = array<i32>} : memref<4096xf32, #tpu.memory_space<vmem>>, vector<16xf32>,
      tpu.vector_store %arg7[%swap3A_935], %gather3A_934 {strides = array<i32>} : memref<4096xf32, #tpu.memory_space<vmem>>, vector<16xf32>,
      %get3A_937 = arith.constant 2880 : index
      %get3A_938 = tpu.vector_load %arg6[%get3A_937] {strides = array<i32>} : memref<4096xi32, #tpu.memory_space<vmem>>, vector<16xi32>,
      %gather3A_939 = tpu.vector_load_idx %arg5[%get3A_938] : memref<100000xf32, #tpu.memory_space<vmem>>[vector<16xi32>], vector<16xf32>,
      %swap3A_940 = arith.constant 2880 : index
      %swap3A_941 = tpu.vector_load %arg7[%swap3A_940] {strides = array<i32>} : memref<4096xf32, #tpu.memory_space<vmem>>, vector<16xf32>,
      tpu.vector_store %arg7[%swap3A_940], %gather3A_939 {strides = array<i32>} : memref<4096xf32, #tpu.memory_space<vmem>>, vector<16xf32>,
      %get3A_942 = arith.constant 2896 : index
      %get3A_943 = tpu.vector_load %arg6[%get3A_942] {strides = array<i32>} : memref<4096xi32, #tpu.memory_space<vmem>>, vector<16xi32>,
      %gather3A_944 = tpu.vector_load_idx %arg5[%get3A_943] : memref<100000xf32, #tpu.memory_space<vmem>>[vector<16xi32>], vector<16xf32>,
      %swap3A_945 = arith.constant 2896 : index
      %swap3A_946 = tpu.vector_load %arg7[%swap3A_945] {strides = array<i32>} : memref<4096xf32, #tpu.memory_space<vmem>>, vector<16xf32>,
      tpu.vector_store %arg7[%swap3A_945], %gather3A_944 {strides = array<i32>} : memref<4096xf32, #tpu.memory_space<vmem>>, vector<16xf32>,
      %get3A_947 = arith.constant 2912 : index
      %get3A_948 = tpu.vector_load %arg6[%get3A_947] {strides = array<i32>} : memref<4096xi32, #tpu.memory_space<vmem>>, vector<16xi32>,
      %gather3A_949 = tpu.vector_load_idx %arg5[%get3A_948] : memref<100000xf32, #tpu.memory_space<vmem>>[vector<16xi32>], vector<16xf32>,
      %swap3A_950 = arith.constant 2912 : index
      %swap3A_951 = tpu.vector_load %arg7[%swap3A_950] {strides = array<i32>} : memref<4096xf32, #tpu.memory_space<vmem>>, vector<16xf32>,
      tpu.vector_store %arg7[%swap3A_950], %gather3A_949 {strides = array<i32>} : memref<4096xf32, #tpu.memory_space<vmem>>, vector<16xf32>,
      %get3A_952 = arith.constant 2928 : index
      %get3A_953 = tpu.vector_load %arg6[%get3A_952] {strides = array<i32>} : memref<4096xi32, #tpu.memory_space<vmem>>, vector<16xi32>,
      %gather3A_954 = tpu.vector_load_idx %arg5[%get3A_953] : memref<100000xf32, #tpu.memory_space<vmem>>[vector<16xi32>], vector<16xf32>,
      %swap3A_955 = arith.constant 2928 : index
      %swap3A_956 = tpu.vector_load %arg7[%swap3A_955] {strides = array<i32>} : memref<4096xf32, #tpu.memory_space<vmem>>, vector<16xf32>,
      tpu.vector_store %arg7[%swap3A_955], %gather3A_954 {strides = array<i32>} : memref<4096xf32, #tpu.memory_space<vmem>>, vector<16xf32>,
      %get3A_957 = arith.constant 2944 : index
      %get3A_958 = tpu.vector_load %arg6[%get3A_957] {strides = array<i32>} : memref<4096xi32, #tpu.memory_space<vmem>>, vector<16xi32>,
      %gather3A_959 = tpu.vector_load_idx %arg5[%get3A_958] : memref<100000xf32, #tpu.memory_space<vmem>>[vector<16xi32>], vector<16xf32>,
      %swap3A_960 = arith.constant 2944 : index
      %swap3A_961 = tpu.vector_load %arg7[%swap3A_960] {strides = array<i32>} : memref<4096xf32, #tpu.memory_space<vmem>>, vector<16xf32>,
      tpu.vector_store %arg7[%swap3A_960], %gather3A_959 {strides = array<i32>} : memref<4096xf32, #tpu.memory_space<vmem>>, vector<16xf32>,
      %get3A_962 = arith.constant 2960 : index
      %get3A_963 = tpu.vector_load %arg6[%get3A_962] {strides = array<i32>} : memref<4096xi32, #tpu.memory_space<vmem>>, vector<16xi32>,
      %gather3A_964 = tpu.vector_load_idx %arg5[%get3A_963] : memref<100000xf32, #tpu.memory_space<vmem>>[vector<16xi32>], vector<16xf32>,
      %swap3A_965 = arith.constant 2960 : index
      %swap3A_966 = tpu.vector_load %arg7[%swap3A_965] {strides = array<i32>} : memref<4096xf32, #tpu.memory_space<vmem>>, vector<16xf32>,
      tpu.vector_store %arg7[%swap3A_965], %gather3A_964 {strides = array<i32>} : memref<4096xf32, #tpu.memory_space<vmem>>, vector<16xf32>,
      %get3A_967 = arith.constant 2976 : index
      %get3A_968 = tpu.vector_load %arg6[%get3A_967] {strides = array<i32>} : memref<4096xi32, #tpu.memory_space<vmem>>, vector<16xi32>,
      %gather3A_969 = tpu.vector_load_idx %arg5[%get3A_968] : memref<100000xf32, #tpu.memory_space<vmem>>[vector<16xi32>], vector<16xf32>,
      %swap3A_970 = arith.constant 2976 : index
      %swap3A_971 = tpu.vector_load %arg7[%swap3A_970] {strides = array<i32>} : memref<4096xf32, #tpu.memory_space<vmem>>, vector<16xf32>,
      tpu.vector_store %arg7[%swap3A_970], %gather3A_969 {strides = array<i32>} : memref<4096xf32, #tpu.memory_space<vmem>>, vector<16xf32>,
      %get3A_972 = arith.constant 2992 : index
      %get3A_973 = tpu.vector_load %arg6[%get3A_972] {strides = array<i32>} : memref<4096xi32, #tpu.memory_space<vmem>>, vector<16xi32>,
      %gather3A_974 = tpu.vector_load_idx %arg5[%get3A_973] : memref<100000xf32, #tpu.memory_space<vmem>>[vector<16xi32>], vector<16xf32>,
      %swap3A_975 = arith.constant 2992 : index
      %swap3A_976 = tpu.vector_load %arg7[%swap3A_975] {strides = array<i32>} : memref<4096xf32, #tpu.memory_space<vmem>>, vector<16xf32>,
      tpu.vector_store %arg7[%swap3A_975], %gather3A_974 {strides = array<i32>} : memref<4096xf32, #tpu.memory_space<vmem>>, vector<16xf32>,
      %get3A_977 = arith.constant 3008 : index
      %get3A_978 = tpu.vector_load %arg6[%get3A_977] {strides = array<i32>} : memref<4096xi32, #tpu.memory_space<vmem>>, vector<16xi32>,
      %gather3A_979 = tpu.vector_load_idx %arg5[%get3A_978] : memref<100000xf32, #tpu.memory_space<vmem>>[vector<16xi32>], vector<16xf32>,
      %swap3A_980 = arith.constant 3008 : index
      %swap3A_981 = tpu.vector_load %arg7[%swap3A_980] {strides = array<i32>} : memref<4096xf32, #tpu.memory_space<vmem>>, vector<16xf32>,
      tpu.vector_store %arg7[%swap3A_980], %gather3A_979 {strides = array<i32>} : memref<4096xf32, #tpu.memory_space<vmem>>, vector<16xf32>,
      %get3A_982 = arith.constant 3024 : index
      %get3A_983 = tpu.vector_load %arg6[%get3A_982] {strides = array<i32>} : memref<4096xi32, #tpu.memory_space<vmem>>, vector<16xi32>,
      %gather3A_984 = tpu.vector_load_idx %arg5[%get3A_983] : memref<100000xf32, #tpu.memory_space<vmem>>[vector<16xi32>], vector<16xf32>,
      %swap3A_985 = arith.constant 3024 : index
      %swap3A_986 = tpu.vector_load %arg7[%swap3A_985] {strides = array<i32>} : memref<4096xf32, #tpu.memory_space<vmem>>, vector<16xf32>,
      tpu.vector_store %arg7[%swap3A_985], %gather3A_984 {strides = array<i32>} : memref<4096xf32, #tpu.memory_space<vmem>>, vector<16xf32>,
      %get3A_987 = arith.constant 3040 : index
      %get3A_988 = tpu.vector_load %arg6[%get3A_987] {strides = array<i32>} : memref<4096xi32, #tpu.memory_space<vmem>>, vector<16xi32>,
      %gather3A_989 = tpu.vector_load_idx %arg5[%get3A_988] : memref<100000xf32, #tpu.memory_space<vmem>>[vector<16xi32>], vector<16xf32>,
      %swap3A_990 = arith.constant 3040 : index
      %swap3A_991 = tpu.vector_load %arg7[%swap3A_990] {strides = array<i32>} : memref<4096xf32, #tpu.memory_space<vmem>>, vector<16xf32>,
      tpu.vector_store %arg7[%swap3A_990], %gather3A_989 {strides = array<i32>} : memref<4096xf32, #tpu.memory_space<vmem>>, vector<16xf32>,
      %get3A_992 = arith.constant 3056 : index
      %get3A_993 = tpu.vector_load %arg6[%get3A_992] {strides = array<i32>} : memref<4096xi32, #tpu.memory_space<vmem>>, vector<16xi32>,
      %gather3A_994 = tpu.vector_load_idx %arg5[%get3A_993] : memref<100000xf32, #tpu.memory_space<vmem>>[vector<16xi32>], vector<16xf32>,
      %swap3A_995 = arith.constant 3056 : index
      %swap3A_996 = tpu.vector_load %arg7[%swap3A_995] {strides = array<i32>} : memref<4096xf32, #tpu.memory_space<vmem>>, vector<16xf32>,
      tpu.vector_store %arg7[%swap3A_995], %gather3A_994 {strides = array<i32>} : memref<4096xf32, #tpu.memory_space<vmem>>, vector<16xf32>,
      %get3A_997 = arith.constant 3072 : index
      %get3A_998 = tpu.vector_load %arg6[%get3A_997] {strides = array<i32>} : memref<4096xi32, #tpu.memory_space<vmem>>, vector<16xi32>,
      %gather3A_999 = tpu.vector_load_idx %arg5[%get3A_998] : memref<100000xf32, #tpu.memory_space<vmem>>[vector<16xi32>], vector<16xf32>,
      %swap3A_1000 = arith.constant 3072 : index
      %swap3A_1001 = tpu.vector_load %arg7[%swap3A_1000] {strides = array<i32>} : memref<4096xf32, #tpu.memory_space<vmem>>, vector<16xf32>,
      tpu.vector_store %arg7[%swap3A_1000], %gather3A_999 {strides = array<i32>} : memref<4096xf32, #tpu.memory_space<vmem>>, vector<16xf32>,
      %get3A_1002 = arith.constant 3088 : index
      %get3A_1003 = tpu.vector_load %arg6[%get3A_1002] {strides = array<i32>} : memref<4096xi32, #tpu.memory_space<vmem>>, vector<16xi32>,
      %gather3A_1004 = tpu.vector_load_idx %arg5[%get3A_1003] : memref<100000xf32, #tpu.memory_space<vmem>>[vector<16xi32>], vector<16xf32>,
      %swap3A_1005 = arith.constant 3088 : index
      %swap3A_1006 = tpu.vector_load %arg7[%swap3A_1005] {strides = array<i32>} : memref<4096xf32, #tpu.memory_space<vmem>>, vector<16xf32>,
      tpu.vector_store %arg7[%swap3A_1005], %gather3A_1004 {strides = array<i32>} : memref<4096xf32, #tpu.memory_space<vmem>>, vector<16xf32>,
      %get3A_1007 = arith.constant 3104 : index
      %get3A_1008 = tpu.vector_load %arg6[%get3A_1007] {strides = array<i32>} : memref<4096xi32, #tpu.memory_space<vmem>>, vector<16xi32>,
      %gather3A_1009 = tpu.vector_load_idx %arg5[%get3A_1008] : memref<100000xf32, #tpu.memory_space<vmem>>[vector<16xi32>], vector<16xf32>,
      %swap3A_1010 = arith.constant 3104 : index
      %swap3A_1011 = tpu.vector_load %arg7[%swap3A_1010] {strides = array<i32>} : memref<4096xf32, #tpu.memory_space<vmem>>, vector<16xf32>,
      tpu.vector_store %arg7[%swap3A_1010], %gather3A_1009 {strides = array<i32>} : memref<4096xf32, #tpu.memory_space<vmem>>, vector<16xf32>,
      %get3A_1012 = arith.constant 3120 : index
      %get3A_1013 = tpu.vector_load %arg6[%get3A_1012] {strides = array<i32>} : memref<4096xi32, #tpu.memory_space<vmem>>, vector<16xi32>,
      %gather3A_1014 = tpu.vector_load_idx %arg5[%get3A_1013] : memref<100000xf32, #tpu.memory_space<vmem>>[vector<16xi32>], vector<16xf32>,
      %swap3A_1015 = arith.constant 3120 : index
      %swap3A_1016 = tpu.vector_load %arg7[%swap3A_1015] {strides = array<i32>} : memref<4096xf32, #tpu.memory_space<vmem>>, vector<16xf32>,
      tpu.vector_store %arg7[%swap3A_1015], %gather3A_1014 {strides = array<i32>} : memref<4096xf32, #tpu.memory_space<vmem>>, vector<16xf32>,
      %get3A_1017 = arith.constant 3136 : index
      %get3A_1018 = tpu.vector_load %arg6[%get3A_1017] {strides = array<i32>} : memref<4096xi32, #tpu.memory_space<vmem>>, vector<16xi32>,
      %gather3A_1019 = tpu.vector_load_idx %arg5[%get3A_1018] : memref<100000xf32, #tpu.memory_space<vmem>>[vector<16xi32>], vector<16xf32>,
      %swap3A_1020 = arith.constant 3136 : index
      %swap3A_1021 = tpu.vector_load %arg7[%swap3A_1020] {strides = array<i32>} : memref<4096xf32, #tpu.memory_space<vmem>>, vector<16xf32>,
      tpu.vector_store %arg7[%swap3A_1020], %gather3A_1019 {strides = array<i32>} : memref<4096xf32, #tpu.memory_space<vmem>>, vector<16xf32>,
      %get3A_1022 = arith.constant 3152 : index
      %get3A_1023 = tpu.vector_load %arg6[%get3A_1022] {strides = array<i32>} : memref<4096xi32, #tpu.memory_space<vmem>>, vector<16xi32>,
      %gather3A_1024 = tpu.vector_load_idx %arg5[%get3A_1023] : memref<100000xf32, #tpu.memory_space<vmem>>[vector<16xi32>], vector<16xf32>,
      %swap3A_1025 = arith.constant 3152 : index
      %swap3A_1026 = tpu.vector_load %arg7[%swap3A_1025] {strides = array<i32>} : memref<4096xf32, #tpu.memory_space<vmem>>, vector<16xf32>,
      tpu.vector_store %arg7[%swap3A_1025], %gather3A_1024 {strides = array<i32>} : memref<4096xf32, #tpu.memory_space<vmem>>, vector<16xf32>,
      %get3A_1027 = arith.constant 3168 : index
      %get3A_1028 = tpu.vector_load %arg6[%get3A_1027] {strides = array<i32>} : memref<4096xi32, #tpu.memory_space<vmem>>, vector<16xi32>,
      %gather3A_1029 = tpu.vector_load_idx %arg5[%get3A_1028] : memref<100000xf32, #tpu.memory_space<vmem>>[vector<16xi32>], vector<16xf32>,
      %swap3A_1030 = arith.constant 3168 : index
      %swap3A_1031 = tpu.vector_load %arg7[%swap3A_1030] {strides = array<i32>} : memref<4096xf32, #tpu.memory_space<vmem>>, vector<16xf32>,
      tpu.vector_store %arg7[%swap3A_1030], %gather3A_1029 {strides = array<i32>} : memref<4096xf32, #tpu.memory_space<vmem>>, vector<16xf32>,
      %get3A_1032 = arith.constant 3184 : index
      %get3A_1033 = tpu.vector_load %arg6[%get3A_1032] {strides = array<i32>} : memref<4096xi32, #tpu.memory_space<vmem>>, vector<16xi32>,
      %gather3A_1034 = tpu.vector_load_idx %arg5[%get3A_1033] : memref<100000xf32, #tpu.memory_space<vmem>>[vector<16xi32>], vector<16xf32>,
      %swap3A_1035 = arith.constant 3184 : index
      %swap3A_1036 = tpu.vector_load %arg7[%swap3A_1035] {strides = array<i32>} : memref<4096xf32, #tpu.memory_space<vmem>>, vector<16xf32>,
      tpu.vector_store %arg7[%swap3A_1035], %gather3A_1034 {strides = array<i32>} : memref<4096xf32, #tpu.memory_space<vmem>>, vector<16xf32>,
      %get3A_1037 = arith.constant 3200 : index
      %get3A_1038 = tpu.vector_load %arg6[%get3A_1037] {strides = array<i32>} : memref<4096xi32, #tpu.memory_space<vmem>>, vector<16xi32>,
      %gather3A_1039 = tpu.vector_load_idx %arg5[%get3A_1038] : memref<100000xf32, #tpu.memory_space<vmem>>[vector<16xi32>], vector<16xf32>,
      %swap3A_1040 = arith.constant 3200 : index
      %swap3A_1041 = tpu.vector_load %arg7[%swap3A_1040] {strides = array<i32>} : memref<4096xf32, #tpu.memory_space<vmem>>, vector<16xf32>,
      tpu.vector_store %arg7[%swap3A_1040], %gather3A_1039 {strides = array<i32>} : memref<4096xf32, #tpu.memory_space<vmem>>, vector<16xf32>,
      %get3A_1042 = arith.constant 3216 : index
      %get3A_1043 = tpu.vector_load %arg6[%get3A_1042] {strides = array<i32>} : memref<4096xi32, #tpu.memory_space<vmem>>, vector<16xi32>,
      %gather3A_1044 = tpu.vector_load_idx %arg5[%get3A_1043] : memref<100000xf32, #tpu.memory_space<vmem>>[vector<16xi32>], vector<16xf32>,
      %swap3A_1045 = arith.constant 3216 : index
      %swap3A_1046 = tpu.vector_load %arg7[%swap3A_1045] {strides = array<i32>} : memref<4096xf32, #tpu.memory_space<vmem>>, vector<16xf32>,
      tpu.vector_store %arg7[%swap3A_1045], %gather3A_1044 {strides = array<i32>} : memref<4096xf32, #tpu.memory_space<vmem>>, vector<16xf32>,
      %get3A_1047 = arith.constant 3232 : index
      %get3A_1048 = tpu.vector_load %arg6[%get3A_1047] {strides = array<i32>} : memref<4096xi32, #tpu.memory_space<vmem>>, vector<16xi32>,
      %gather3A_1049 = tpu.vector_load_idx %arg5[%get3A_1048] : memref<100000xf32, #tpu.memory_space<vmem>>[vector<16xi32>], vector<16xf32>,
      %swap3A_1050 = arith.constant 3232 : index
      %swap3A_1051 = tpu.vector_load %arg7[%swap3A_1050] {strides = array<i32>} : memref<4096xf32, #tpu.memory_space<vmem>>, vector<16xf32>,
      tpu.vector_store %arg7[%swap3A_1050], %gather3A_1049 {strides = array<i32>} : memref<4096xf32, #tpu.memory_space<vmem>>, vector<16xf32>,
      %get3A_1052 = arith.constant 3248 : index
      %get3A_1053 = tpu.vector_load %arg6[%get3A_1052] {strides = array<i32>} : memref<4096xi32, #tpu.memory_space<vmem>>, vector<16xi32>,
      %gather3A_1054 = tpu.vector_load_idx %arg5[%get3A_1053] : memref<100000xf32, #tpu.memory_space<vmem>>[vector<16xi32>], vector<16xf32>,
      %swap3A_1055 = arith.constant 3248 : index
      %swap3A_1056 = tpu.vector_load %arg7[%swap3A_1055] {strides = array<i32>} : memref<4096xf32, #tpu.memory_space<vmem>>, vector<16xf32>,
      tpu.vector_store %arg7[%swap3A_1055], %gather3A_1054 {strides = array<i32>} : memref<4096xf32, #tpu.memory_space<vmem>>, vector<16xf32>,
      %get3A_1057 = arith.constant 3264 : index
      %get3A_1058 = tpu.vector_load %arg6[%get3A_1057] {strides = array<i32>} : memref<4096xi32, #tpu.memory_space<vmem>>, vector<16xi32>,
      %gather3A_1059 = tpu.vector_load_idx %arg5[%get3A_1058] : memref<100000xf32, #tpu.memory_space<vmem>>[vector<16xi32>], vector<16xf32>,
      %swap3A_1060 = arith.constant 3264 : index
      %swap3A_1061 = tpu.vector_load %arg7[%swap3A_1060] {strides = array<i32>} : memref<4096xf32, #tpu.memory_space<vmem>>, vector<16xf32>,
      tpu.vector_store %arg7[%swap3A_1060], %gather3A_1059 {strides = array<i32>} : memref<4096xf32, #tpu.memory_space<vmem>>, vector<16xf32>,
      %get3A_1062 = arith.constant 3280 : index
      %get3A_1063 = tpu.vector_load %arg6[%get3A_1062] {strides = array<i32>} : memref<4096xi32, #tpu.memory_space<vmem>>, vector<16xi32>,
      %gather3A_1064 = tpu.vector_load_idx %arg5[%get3A_1063] : memref<100000xf32, #tpu.memory_space<vmem>>[vector<16xi32>], vector<16xf32>,
      %swap3A_1065 = arith.constant 3280 : index
      %swap3A_1066 = tpu.vector_load %arg7[%swap3A_1065] {strides = array<i32>} : memref<4096xf32, #tpu.memory_space<vmem>>, vector<16xf32>,
      tpu.vector_store %arg7[%swap3A_1065], %gather3A_1064 {strides = array<i32>} : memref<4096xf32, #tpu.memory_space<vmem>>, vector<16xf32>,
      %get3A_1067 = arith.constant 3296 : index
      %get3A_1068 = tpu.vector_load %arg6[%get3A_1067] {strides = array<i32>} : memref<4096xi32, #tpu.memory_space<vmem>>, vector<16xi32>,
      %gather3A_1069 = tpu.vector_load_idx %arg5[%get3A_1068] : memref<100000xf32, #tpu.memory_space<vmem>>[vector<16xi32>], vector<16xf32>,
      %swap3A_1070 = arith.constant 3296 : index
      %swap3A_1071 = tpu.vector_load %arg7[%swap3A_1070] {strides = array<i32>} : memref<4096xf32, #tpu.memory_space<vmem>>, vector<16xf32>,
      tpu.vector_store %arg7[%swap3A_1070], %gather3A_1069 {strides = array<i32>} : memref<4096xf32, #tpu.memory_space<vmem>>, vector<16xf32>,
      %get3A_1072 = arith.constant 3312 : index
      %get3A_1073 = tpu.vector_load %arg6[%get3A_1072] {strides = array<i32>} : memref<4096xi32, #tpu.memory_space<vmem>>, vector<16xi32>,
      %gather3A_1074 = tpu.vector_load_idx %arg5[%get3A_1073] : memref<100000xf32, #tpu.memory_space<vmem>>[vector<16xi32>], vector<16xf32>,
      %swap3A_1075 = arith.constant 3312 : index
      %swap3A_1076 = tpu.vector_load %arg7[%swap3A_1075] {strides = array<i32>} : memref<4096xf32, #tpu.memory_space<vmem>>, vector<16xf32>,
      tpu.vector_store %arg7[%swap3A_1075], %gather3A_1074 {strides = array<i32>} : memref<4096xf32, #tpu.memory_space<vmem>>, vector<16xf32>,
      %get3A_1077 = arith.constant 3328 : index
      %get3A_1078 = tpu.vector_load %arg6[%get3A_1077] {strides = array<i32>} : memref<4096xi32, #tpu.memory_space<vmem>>, vector<16xi32>,
      %gather3A_1079 = tpu.vector_load_idx %arg5[%get3A_1078] : memref<100000xf32, #tpu.memory_space<vmem>>[vector<16xi32>], vector<16xf32>,
      %swap3A_1080 = arith.constant 3328 : index
      %swap3A_1081 = tpu.vector_load %arg7[%swap3A_1080] {strides = array<i32>} : memref<4096xf32, #tpu.memory_space<vmem>>, vector<16xf32>,
      tpu.vector_store %arg7[%swap3A_1080], %gather3A_1079 {strides = array<i32>} : memref<4096xf32, #tpu.memory_space<vmem>>, vector<16xf32>,
      %get3A_1082 = arith.constant 3344 : index
      %get3A_1083 = tpu.vector_load %arg6[%get3A_1082] {strides = array<i32>} : memref<4096xi32, #tpu.memory_space<vmem>>, vector<16xi32>,
      %gather3A_1084 = tpu.vector_load_idx %arg5[%get3A_1083] : memref<100000xf32, #tpu.memory_space<vmem>>[vector<16xi32>], vector<16xf32>,
      %swap3A_1085 = arith.constant 3344 : index
      %swap3A_1086 = tpu.vector_load %arg7[%swap3A_1085] {strides = array<i32>} : memref<4096xf32, #tpu.memory_space<vmem>>, vector<16xf32>,
      tpu.vector_store %arg7[%swap3A_1085], %gather3A_1084 {strides = array<i32>} : memref<4096xf32, #tpu.memory_space<vmem>>, vector<16xf32>,
      %get3A_1087 = arith.constant 3360 : index
      %get3A_1088 = tpu.vector_load %arg6[%get3A_1087] {strides = array<i32>} : memref<4096xi32, #tpu.memory_space<vmem>>, vector<16xi32>,
      %gather3A_1089 = tpu.vector_load_idx %arg5[%get3A_1088] : memref<100000xf32, #tpu.memory_space<vmem>>[vector<16xi32>], vector<16xf32>,
      %swap3A_1090 = arith.constant 3360 : index
      %swap3A_1091 = tpu.vector_load %arg7[%swap3A_1090] {strides = array<i32>} : memref<4096xf32, #tpu.memory_space<vmem>>, vector<16xf32>,
      tpu.vector_store %arg7[%swap3A_1090], %gather3A_1089 {strides = array<i32>} : memref<4096xf32, #tpu.memory_space<vmem>>, vector<16xf32>,
      %get3A_1092 = arith.constant 3376 : index
      %get3A_1093 = tpu.vector_load %arg6[%get3A_1092] {strides = array<i32>} : memref<4096xi32, #tpu.memory_space<vmem>>, vector<16xi32>,
      %gather3A_1094 = tpu.vector_load_idx %arg5[%get3A_1093] : memref<100000xf32, #tpu.memory_space<vmem>>[vector<16xi32>], vector<16xf32>,
      %swap3A_1095 = arith.constant 3376 : index
      %swap3A_1096 = tpu.vector_load %arg7[%swap3A_1095] {strides = array<i32>} : memref<4096xf32, #tpu.memory_space<vmem>>, vector<16xf32>,
      tpu.vector_store %arg7[%swap3A_1095], %gather3A_1094 {strides = array<i32>} : memref<4096xf32, #tpu.memory_space<vmem>>, vector<16xf32>,
      %get3A_1097 = arith.constant 3392 : index
      %get3A_1098 = tpu.vector_load %arg6[%get3A_1097] {strides = array<i32>} : memref<4096xi32, #tpu.memory_space<vmem>>, vector<16xi32>,
      %gather3A_1099 = tpu.vector_load_idx %arg5[%get3A_1098] : memref<100000xf32, #tpu.memory_space<vmem>>[vector<16xi32>], vector<16xf32>,
      %swap3A_1100 = arith.constant 3392 : index
      %swap3A_1101 = tpu.vector_load %arg7[%swap3A_1100] {strides = array<i32>} : memref<4096xf32, #tpu.memory_space<vmem>>, vector<16xf32>,
      tpu.vector_store %arg7[%swap3A_1100], %gather3A_1099 {strides = array<i32>} : memref<4096xf32, #tpu.memory_space<vmem>>, vector<16xf32>,
      %get3A_1102 = arith.constant 3408 : index
      %get3A_1103 = tpu.vector_load %arg6[%get3A_1102] {strides = array<i32>} : memref<4096xi32, #tpu.memory_space<vmem>>, vector<16xi32>,
      %gather3A_1104 = tpu.vector_load_idx %arg5[%get3A_1103] : memref<100000xf32, #tpu.memory_space<vmem>>[vector<16xi32>], vector<16xf32>,
      %swap3A_1105 = arith.constant 3408 : index
      %swap3A_1106 = tpu.vector_load %arg7[%swap3A_1105] {strides = array<i32>} : memref<4096xf32, #tpu.memory_space<vmem>>, vector<16xf32>,
      tpu.vector_store %arg7[%swap3A_1105], %gather3A_1104 {strides = array<i32>} : memref<4096xf32, #tpu.memory_space<vmem>>, vector<16xf32>,
      %get3A_1107 = arith.constant 3424 : index
      %get3A_1108 = tpu.vector_load %arg6[%get3A_1107] {strides = array<i32>} : memref<4096xi32, #tpu.memory_space<vmem>>, vector<16xi32>,
      %gather3A_1109 = tpu.vector_load_idx %arg5[%get3A_1108] : memref<100000xf32, #tpu.memory_space<vmem>>[vector<16xi32>], vector<16xf32>,
      %swap3A_1110 = arith.constant 3424 : index
      %swap3A_1111 = tpu.vector_load %arg7[%swap3A_1110] {strides = array<i32>} : memref<4096xf32, #tpu.memory_space<vmem>>, vector<16xf32>,
      tpu.vector_store %arg7[%swap3A_1110], %gather3A_1109 {strides = array<i32>} : memref<4096xf32, #tpu.memory_space<vmem>>, vector<16xf32>,
      %get3A_1112 = arith.constant 3440 : index
      %get3A_1113 = tpu.vector_load %arg6[%get3A_1112] {strides = array<i32>} : memref<4096xi32, #tpu.memory_space<vmem>>, vector<16xi32>,
      %gather3A_1114 = tpu.vector_load_idx %arg5[%get3A_1113] : memref<100000xf32, #tpu.memory_space<vmem>>[vector<16xi32>], vector<16xf32>,
      %swap3A_1115 = arith.constant 3440 : index
      %swap3A_1116 = tpu.vector_load %arg7[%swap3A_1115] {strides = array<i32>} : memref<4096xf32, #tpu.memory_space<vmem>>, vector<16xf32>,
      tpu.vector_store %arg7[%swap3A_1115], %gather3A_1114 {strides = array<i32>} : memref<4096xf32, #tpu.memory_space<vmem>>, vector<16xf32>,
      %get3A_1117 = arith.constant 3456 : index
      %get3A_1118 = tpu.vector_load %arg6[%get3A_1117] {strides = array<i32>} : memref<4096xi32, #tpu.memory_space<vmem>>, vector<16xi32>,
      %gather3A_1119 = tpu.vector_load_idx %arg5[%get3A_1118] : memref<100000xf32, #tpu.memory_space<vmem>>[vector<16xi32>], vector<16xf32>,
      %swap3A_1120 = arith.constant 3456 : index
      %swap3A_1121 = tpu.vector_load %arg7[%swap3A_1120] {strides = array<i32>} : memref<4096xf32, #tpu.memory_space<vmem>>, vector<16xf32>,
      tpu.vector_store %arg7[%swap3A_1120], %gather3A_1119 {strides = array<i32>} : memref<4096xf32, #tpu.memory_space<vmem>>, vector<16xf32>,
      %get3A_1122 = arith.constant 3472 : index
      %get3A_1123 = tpu.vector_load %arg6[%get3A_1122] {strides = array<i32>} : memref<4096xi32, #tpu.memory_space<vmem>>, vector<16xi32>,
      %gather3A_1124 = tpu.vector_load_idx %arg5[%get3A_1123] : memref<100000xf32, #tpu.memory_space<vmem>>[vector<16xi32>], vector<16xf32>,
      %swap3A_1125 = arith.constant 3472 : index
      %swap3A_1126 = tpu.vector_load %arg7[%swap3A_1125] {strides = array<i32>} : memref<4096xf32, #tpu.memory_space<vmem>>, vector<16xf32>,
      tpu.vector_store %arg7[%swap3A_1125], %gather3A_1124 {strides = array<i32>} : memref<4096xf32, #tpu.memory_space<vmem>>, vector<16xf32>,
      %get3A_1127 = arith.constant 3488 : index
      %get3A_1128 = tpu.vector_load %arg6[%get3A_1127] {strides = array<i32>} : memref<4096xi32, #tpu.memory_space<vmem>>, vector<16xi32>,
      %gather3A_1129 = tpu.vector_load_idx %arg5[%get3A_1128] : memref<100000xf32, #tpu.memory_space<vmem>>[vector<16xi32>], vector<16xf32>,
      %swap3A_1130 = arith.constant 3488 : index
      %swap3A_1131 = tpu.vector_load %arg7[%swap3A_1130] {strides = array<i32>} : memref<4096xf32, #tpu.memory_space<vmem>>, vector<16xf32>,
      tpu.vector_store %arg7[%swap3A_1130], %gather3A_1129 {strides = array<i32>} : memref<4096xf32, #tpu.memory_space<vmem>>, vector<16xf32>,
      %get3A_1132 = arith.constant 3504 : index
      %get3A_1133 = tpu.vector_load %arg6[%get3A_1132] {strides = array<i32>} : memref<4096xi32, #tpu.memory_space<vmem>>, vector<16xi32>,
      %gather3A_1134 = tpu.vector_load_idx %arg5[%get3A_1133] : memref<100000xf32, #tpu.memory_space<vmem>>[vector<16xi32>], vector<16xf32>,
      %swap3A_1135 = arith.constant 3504 : index
      %swap3A_1136 = tpu.vector_load %arg7[%swap3A_1135] {strides = array<i32>} : memref<4096xf32, #tpu.memory_space<vmem>>, vector<16xf32>,
      tpu.vector_store %arg7[%swap3A_1135], %gather3A_1134 {strides = array<i32>} : memref<4096xf32, #tpu.memory_space<vmem>>, vector<16xf32>,
      %get3A_1137 = arith.constant 3520 : index
      %get3A_1138 = tpu.vector_load %arg6[%get3A_1137] {strides = array<i32>} : memref<4096xi32, #tpu.memory_space<vmem>>, vector<16xi32>,
      %gather3A_1139 = tpu.vector_load_idx %arg5[%get3A_1138] : memref<100000xf32, #tpu.memory_space<vmem>>[vector<16xi32>], vector<16xf32>,
      %swap3A_1140 = arith.constant 3520 : index
      %swap3A_1141 = tpu.vector_load %arg7[%swap3A_1140] {strides = array<i32>} : memref<4096xf32, #tpu.memory_space<vmem>>, vector<16xf32>,
      tpu.vector_store %arg7[%swap3A_1140], %gather3A_1139 {strides = array<i32>} : memref<4096xf32, #tpu.memory_space<vmem>>, vector<16xf32>,
      %get3A_1142 = arith.constant 3536 : index
      %get3A_1143 = tpu.vector_load %arg6[%get3A_1142] {strides = array<i32>} : memref<4096xi32, #tpu.memory_space<vmem>>, vector<16xi32>,
      %gather3A_1144 = tpu.vector_load_idx %arg5[%get3A_1143] : memref<100000xf32, #tpu.memory_space<vmem>>[vector<16xi32>], vector<16xf32>,
      %swap3A_1145 = arith.constant 3536 : index
      %swap3A_1146 = tpu.vector_load %arg7[%swap3A_1145] {strides = array<i32>} : memref<4096xf32, #tpu.memory_space<vmem>>, vector<16xf32>,
      tpu.vector_store %arg7[%swap3A_1145], %gather3A_1144 {strides = array<i32>} : memref<4096xf32, #tpu.memory_space<vmem>>, vector<16xf32>,
      %get3A_1147 = arith.constant 3552 : index
      %get3A_1148 = tpu.vector_load %arg6[%get3A_1147] {strides = array<i32>} : memref<4096xi32, #tpu.memory_space<vmem>>, vector<16xi32>,
      %gather3A_1149 = tpu.vector_load_idx %arg5[%get3A_1148] : memref<100000xf32, #tpu.memory_space<vmem>>[vector<16xi32>], vector<16xf32>,
      %swap3A_1150 = arith.constant 3552 : index
      %swap3A_1151 = tpu.vector_load %arg7[%swap3A_1150] {strides = array<i32>} : memref<4096xf32, #tpu.memory_space<vmem>>, vector<16xf32>,
      tpu.vector_store %arg7[%swap3A_1150], %gather3A_1149 {strides = array<i32>} : memref<4096xf32, #tpu.memory_space<vmem>>, vector<16xf32>,
      %get3A_1152 = arith.constant 3568 : index
      %get3A_1153 = tpu.vector_load %arg6[%get3A_1152] {strides = array<i32>} : memref<4096xi32, #tpu.memory_space<vmem>>, vector<16xi32>,
      %gather3A_1154 = tpu.vector_load_idx %arg5[%get3A_1153] : memref<100000xf32, #tpu.memory_space<vmem>>[vector<16xi32>], vector<16xf32>,
      %swap3A_1155 = arith.constant 3568 : index
      %swap3A_1156 = tpu.vector_load %arg7[%swap3A_1155] {strides = array<i32>} : memref<4096xf32, #tpu.memory_space<vmem>>, vector<16xf32>,
      tpu.vector_store %arg7[%swap3A_1155], %gather3A_1154 {strides = array<i32>} : memref<4096xf32, #tpu.memory_space<vmem>>, vector<16xf32>,
      %get3A_1157 = arith.constant 3584 : index
      %get3A_1158 = tpu.vector_load %arg6[%get3A_1157] {strides = array<i32>} : memref<4096xi32, #tpu.memory_space<vmem>>, vector<16xi32>,
      %gather3A_1159 = tpu.vector_load_idx %arg5[%get3A_1158] : memref<100000xf32, #tpu.memory_space<vmem>>[vector<16xi32>], vector<16xf32>,
      %swap3A_1160 = arith.constant 3584 : index
      %swap3A_1161 = tpu.vector_load %arg7[%swap3A_1160] {strides = array<i32>} : memref<4096xf32, #tpu.memory_space<vmem>>, vector<16xf32>,
      tpu.vector_store %arg7[%swap3A_1160], %gather3A_1159 {strides = array<i32>} : memref<4096xf32, #tpu.memory_space<vmem>>, vector<16xf32>,
      %get3A_1162 = arith.constant 3600 : index
      %get3A_1163 = tpu.vector_load %arg6[%get3A_1162] {strides = array<i32>} : memref<4096xi32, #tpu.memory_space<vmem>>, vector<16xi32>,
      %gather3A_1164 = tpu.vector_load_idx %arg5[%get3A_1163] : memref<100000xf32, #tpu.memory_space<vmem>>[vector<16xi32>], vector<16xf32>,
      %swap3A_1165 = arith.constant 3600 : index
      %swap3A_1166 = tpu.vector_load %arg7[%swap3A_1165] {strides = array<i32>} : memref<4096xf32, #tpu.memory_space<vmem>>, vector<16xf32>,
      tpu.vector_store %arg7[%swap3A_1165], %gather3A_1164 {strides = array<i32>} : memref<4096xf32, #tpu.memory_space<vmem>>, vector<16xf32>,
      %get3A_1167 = arith.constant 3616 : index
      %get3A_1168 = tpu.vector_load %arg6[%get3A_1167] {strides = array<i32>} : memref<4096xi32, #tpu.memory_space<vmem>>, vector<16xi32>,
      %gather3A_1169 = tpu.vector_load_idx %arg5[%get3A_1168] : memref<100000xf32, #tpu.memory_space<vmem>>[vector<16xi32>], vector<16xf32>,
      %swap3A_1170 = arith.constant 3616 : index
      %swap3A_1171 = tpu.vector_load %arg7[%swap3A_1170] {strides = array<i32>} : memref<4096xf32, #tpu.memory_space<vmem>>, vector<16xf32>,
      tpu.vector_store %arg7[%swap3A_1170], %gather3A_1169 {strides = array<i32>} : memref<4096xf32, #tpu.memory_space<vmem>>, vector<16xf32>,
      %get3A_1172 = arith.constant 3632 : index
      %get3A_1173 = tpu.vector_load %arg6[%get3A_1172] {strides = array<i32>} : memref<4096xi32, #tpu.memory_space<vmem>>, vector<16xi32>,
      %gather3A_1174 = tpu.vector_load_idx %arg5[%get3A_1173] : memref<100000xf32, #tpu.memory_space<vmem>>[vector<16xi32>], vector<16xf32>,
      %swap3A_1175 = arith.constant 3632 : index
      %swap3A_1176 = tpu.vector_load %arg7[%swap3A_1175] {strides = array<i32>} : memref<4096xf32, #tpu.memory_space<vmem>>, vector<16xf32>,
      tpu.vector_store %arg7[%swap3A_1175], %gather3A_1174 {strides = array<i32>} : memref<4096xf32, #tpu.memory_space<vmem>>, vector<16xf32>,
      %get3A_1177 = arith.constant 3648 : index
      %get3A_1178 = tpu.vector_load %arg6[%get3A_1177] {strides = array<i32>} : memref<4096xi32, #tpu.memory_space<vmem>>, vector<16xi32>,
      %gather3A_1179 = tpu.vector_load_idx %arg5[%get3A_1178] : memref<100000xf32, #tpu.memory_space<vmem>>[vector<16xi32>], vector<16xf32>,
      %swap3A_1180 = arith.constant 3648 : index
      %swap3A_1181 = tpu.vector_load %arg7[%swap3A_1180] {strides = array<i32>} : memref<4096xf32, #tpu.memory_space<vmem>>, vector<16xf32>,
      tpu.vector_store %arg7[%swap3A_1180], %gather3A_1179 {strides = array<i32>} : memref<4096xf32, #tpu.memory_space<vmem>>, vector<16xf32>,
      %get3A_1182 = arith.constant 3664 : index
      %get3A_1183 = tpu.vector_load %arg6[%get3A_1182] {strides = array<i32>} : memref<4096xi32, #tpu.memory_space<vmem>>, vector<16xi32>,
      %gather3A_1184 = tpu.vector_load_idx %arg5[%get3A_1183] : memref<100000xf32, #tpu.memory_space<vmem>>[vector<16xi32>], vector<16xf32>,
      %swap3A_1185 = arith.constant 3664 : index
      %swap3A_1186 = tpu.vector_load %arg7[%swap3A_1185] {strides = array<i32>} : memref<4096xf32, #tpu.memory_space<vmem>>, vector<16xf32>,
      tpu.vector_store %arg7[%swap3A_1185], %gather3A_1184 {strides = array<i32>} : memref<4096xf32, #tpu.memory_space<vmem>>, vector<16xf32>,
      %get3A_1187 = arith.constant 3680 : index
      %get3A_1188 = tpu.vector_load %arg6[%get3A_1187] {strides = array<i32>} : memref<4096xi32, #tpu.memory_space<vmem>>, vector<16xi32>,
      %gather3A_1189 = tpu.vector_load_idx %arg5[%get3A_1188] : memref<100000xf32, #tpu.memory_space<vmem>>[vector<16xi32>], vector<16xf32>,
      %swap3A_1190 = arith.constant 3680 : index
      %swap3A_1191 = tpu.vector_load %arg7[%swap3A_1190] {strides = array<i32>} : memref<4096xf32, #tpu.memory_space<vmem>>, vector<16xf32>,
      tpu.vector_store %arg7[%swap3A_1190], %gather3A_1189 {strides = array<i32>} : memref<4096xf32, #tpu.memory_space<vmem>>, vector<16xf32>,
      %get3A_1192 = arith.constant 3696 : index
      %get3A_1193 = tpu.vector_load %arg6[%get3A_1192] {strides = array<i32>} : memref<4096xi32, #tpu.memory_space<vmem>>, vector<16xi32>,
      %gather3A_1194 = tpu.vector_load_idx %arg5[%get3A_1193] : memref<100000xf32, #tpu.memory_space<vmem>>[vector<16xi32>], vector<16xf32>,
      %swap3A_1195 = arith.constant 3696 : index
      %swap3A_1196 = tpu.vector_load %arg7[%swap3A_1195] {strides = array<i32>} : memref<4096xf32, #tpu.memory_space<vmem>>, vector<16xf32>,
      tpu.vector_store %arg7[%swap3A_1195], %gather3A_1194 {strides = array<i32>} : memref<4096xf32, #tpu.memory_space<vmem>>, vector<16xf32>,
      %get3A_1197 = arith.constant 3712 : index
      %get3A_1198 = tpu.vector_load %arg6[%get3A_1197] {strides = array<i32>} : memref<4096xi32, #tpu.memory_space<vmem>>, vector<16xi32>,
      %gather3A_1199 = tpu.vector_load_idx %arg5[%get3A_1198] : memref<100000xf32, #tpu.memory_space<vmem>>[vector<16xi32>], vector<16xf32>,
      %swap3A_1200 = arith.constant 3712 : index
      %swap3A_1201 = tpu.vector_load %arg7[%swap3A_1200] {strides = array<i32>} : memref<4096xf32, #tpu.memory_space<vmem>>, vector<16xf32>,
      tpu.vector_store %arg7[%swap3A_1200], %gather3A_1199 {strides = array<i32>} : memref<4096xf32, #tpu.memory_space<vmem>>, vector<16xf32>,
      %get3A_1202 = arith.constant 3728 : index
      %get3A_1203 = tpu.vector_load %arg6[%get3A_1202] {strides = array<i32>} : memref<4096xi32, #tpu.memory_space<vmem>>, vector<16xi32>,
      %gather3A_1204 = tpu.vector_load_idx %arg5[%get3A_1203] : memref<100000xf32, #tpu.memory_space<vmem>>[vector<16xi32>], vector<16xf32>,
      %swap3A_1205 = arith.constant 3728 : index
      %swap3A_1206 = tpu.vector_load %arg7[%swap3A_1205] {strides = array<i32>} : memref<4096xf32, #tpu.memory_space<vmem>>, vector<16xf32>,
      tpu.vector_store %arg7[%swap3A_1205], %gather3A_1204 {strides = array<i32>} : memref<4096xf32, #tpu.memory_space<vmem>>, vector<16xf32>,
      %get3A_1207 = arith.constant 3744 : index
      %get3A_1208 = tpu.vector_load %arg6[%get3A_1207] {strides = array<i32>} : memref<4096xi32, #tpu.memory_space<vmem>>, vector<16xi32>,
      %gather3A_1209 = tpu.vector_load_idx %arg5[%get3A_1208] : memref<100000xf32, #tpu.memory_space<vmem>>[vector<16xi32>], vector<16xf32>,
      %swap3A_1210 = arith.constant 3744 : index
      %swap3A_1211 = tpu.vector_load %arg7[%swap3A_1210] {strides = array<i32>} : memref<4096xf32, #tpu.memory_space<vmem>>, vector<16xf32>,
      tpu.vector_store %arg7[%swap3A_1210], %gather3A_1209 {strides = array<i32>} : memref<4096xf32, #tpu.memory_space<vmem>>, vector<16xf32>,
      %get3A_1212 = arith.constant 3760 : index
      %get3A_1213 = tpu.vector_load %arg6[%get3A_1212] {strides = array<i32>} : memref<4096xi32, #tpu.memory_space<vmem>>, vector<16xi32>,
      %gather3A_1214 = tpu.vector_load_idx %arg5[%get3A_1213] : memref<100000xf32, #tpu.memory_space<vmem>>[vector<16xi32>], vector<16xf32>,
      %swap3A_1215 = arith.constant 3760 : index
      %swap3A_1216 = tpu.vector_load %arg7[%swap3A_1215] {strides = array<i32>} : memref<4096xf32, #tpu.memory_space<vmem>>, vector<16xf32>,
      tpu.vector_store %arg7[%swap3A_1215], %gather3A_1214 {strides = array<i32>} : memref<4096xf32, #tpu.memory_space<vmem>>, vector<16xf32>,
      %get3A_1217 = arith.constant 3776 : index
      %get3A_1218 = tpu.vector_load %arg6[%get3A_1217] {strides = array<i32>} : memref<4096xi32, #tpu.memory_space<vmem>>, vector<16xi32>,
      %gather3A_1219 = tpu.vector_load_idx %arg5[%get3A_1218] : memref<100000xf32, #tpu.memory_space<vmem>>[vector<16xi32>], vector<16xf32>,
      %swap3A_1220 = arith.constant 3776 : index
      %swap3A_1221 = tpu.vector_load %arg7[%swap3A_1220] {strides = array<i32>} : memref<4096xf32, #tpu.memory_space<vmem>>, vector<16xf32>,
      tpu.vector_store %arg7[%swap3A_1220], %gather3A_1219 {strides = array<i32>} : memref<4096xf32, #tpu.memory_space<vmem>>, vector<16xf32>,
      %get3A_1222 = arith.constant 3792 : index
      %get3A_1223 = tpu.vector_load %arg6[%get3A_1222] {strides = array<i32>} : memref<4096xi32, #tpu.memory_space<vmem>>, vector<16xi32>,
      %gather3A_1224 = tpu.vector_load_idx %arg5[%get3A_1223] : memref<100000xf32, #tpu.memory_space<vmem>>[vector<16xi32>], vector<16xf32>,
      %swap3A_1225 = arith.constant 3792 : index
      %swap3A_1226 = tpu.vector_load %arg7[%swap3A_1225] {strides = array<i32>} : memref<4096xf32, #tpu.memory_space<vmem>>, vector<16xf32>,
      tpu.vector_store %arg7[%swap3A_1225], %gather3A_1224 {strides = array<i32>} : memref<4096xf32, #tpu.memory_space<vmem>>, vector<16xf32>,
      %get3A_1227 = arith.constant 3808 : index
      %get3A_1228 = tpu.vector_load %arg6[%get3A_1227] {strides = array<i32>} : memref<4096xi32, #tpu.memory_space<vmem>>, vector<16xi32>,
      %gather3A_1229 = tpu.vector_load_idx %arg5[%get3A_1228] : memref<100000xf32, #tpu.memory_space<vmem>>[vector<16xi32>], vector<16xf32>,
      %swap3A_1230 = arith.constant 3808 : index
      %swap3A_1231 = tpu.vector_load %arg7[%swap3A_1230] {strides = array<i32>} : memref<4096xf32, #tpu.memory_space<vmem>>, vector<16xf32>,
      tpu.vector_store %arg7[%swap3A_1230], %gather3A_1229 {strides = array<i32>} : memref<4096xf32, #tpu.memory_space<vmem>>, vector<16xf32>,
      %get3A_1232 = arith.constant 3824 : index
      %get3A_1233 = tpu.vector_load %arg6[%get3A_1232] {strides = array<i32>} : memref<4096xi32, #tpu.memory_space<vmem>>, vector<16xi32>,
      %gather3A_1234 = tpu.vector_load_idx %arg5[%get3A_1233] : memref<100000xf32, #tpu.memory_space<vmem>>[vector<16xi32>], vector<16xf32>,
      %swap3A_1235 = arith.constant 3824 : index
      %swap3A_1236 = tpu.vector_load %arg7[%swap3A_1235] {strides = array<i32>} : memref<4096xf32, #tpu.memory_space<vmem>>, vector<16xf32>,
      tpu.vector_store %arg7[%swap3A_1235], %gather3A_1234 {strides = array<i32>} : memref<4096xf32, #tpu.memory_space<vmem>>, vector<16xf32>,
      %get3A_1237 = arith.constant 3840 : index
      %get3A_1238 = tpu.vector_load %arg6[%get3A_1237] {strides = array<i32>} : memref<4096xi32, #tpu.memory_space<vmem>>, vector<16xi32>,
      %gather3A_1239 = tpu.vector_load_idx %arg5[%get3A_1238] : memref<100000xf32, #tpu.memory_space<vmem>>[vector<16xi32>], vector<16xf32>,
      %swap3A_1240 = arith.constant 3840 : index
      %swap3A_1241 = tpu.vector_load %arg7[%swap3A_1240] {strides = array<i32>} : memref<4096xf32, #tpu.memory_space<vmem>>, vector<16xf32>,
      tpu.vector_store %arg7[%swap3A_1240], %gather3A_1239 {strides = array<i32>} : memref<4096xf32, #tpu.memory_space<vmem>>, vector<16xf32>,
      %get3A_1242 = arith.constant 3856 : index
      %get3A_1243 = tpu.vector_load %arg6[%get3A_1242] {strides = array<i32>} : memref<4096xi32, #tpu.memory_space<vmem>>, vector<16xi32>,
      %gather3A_1244 = tpu.vector_load_idx %arg5[%get3A_1243] : memref<100000xf32, #tpu.memory_space<vmem>>[vector<16xi32>], vector<16xf32>,
      %swap3A_1245 = arith.constant 3856 : index
      %swap3A_1246 = tpu.vector_load %arg7[%swap3A_1245] {strides = array<i32>} : memref<4096xf32, #tpu.memory_space<vmem>>, vector<16xf32>,
      tpu.vector_store %arg7[%swap3A_1245], %gather3A_1244 {strides = array<i32>} : memref<4096xf32, #tpu.memory_space<vmem>>, vector<16xf32>,
      %get3A_1247 = arith.constant 3872 : index
      %get3A_1248 = tpu.vector_load %arg6[%get3A_1247] {strides = array<i32>} : memref<4096xi32, #tpu.memory_space<vmem>>, vector<16xi32>,
      %gather3A_1249 = tpu.vector_load_idx %arg5[%get3A_1248] : memref<100000xf32, #tpu.memory_space<vmem>>[vector<16xi32>], vector<16xf32>,
      %swap3A_1250 = arith.constant 3872 : index
      %swap3A_1251 = tpu.vector_load %arg7[%swap3A_1250] {strides = array<i32>} : memref<4096xf32, #tpu.memory_space<vmem>>, vector<16xf32>,
      tpu.vector_store %arg7[%swap3A_1250], %gather3A_1249 {strides = array<i32>} : memref<4096xf32, #tpu.memory_space<vmem>>, vector<16xf32>,
      %get3A_1252 = arith.constant 3888 : index
      %get3A_1253 = tpu.vector_load %arg6[%get3A_1252] {strides = array<i32>} : memref<4096xi32, #tpu.memory_space<vmem>>, vector<16xi32>,
      %gather3A_1254 = tpu.vector_load_idx %arg5[%get3A_1253] : memref<100000xf32, #tpu.memory_space<vmem>>[vector<16xi32>], vector<16xf32>,
      %swap3A_1255 = arith.constant 3888 : index
      %swap3A_1256 = tpu.vector_load %arg7[%swap3A_1255] {strides = array<i32>} : memref<4096xf32, #tpu.memory_space<vmem>>, vector<16xf32>,
      tpu.vector_store %arg7[%swap3A_1255], %gather3A_1254 {strides = array<i32>} : memref<4096xf32, #tpu.memory_space<vmem>>, vector<16xf32>,
      %get3A_1257 = arith.constant 3904 : index
      %get3A_1258 = tpu.vector_load %arg6[%get3A_1257] {strides = array<i32>} : memref<4096xi32, #tpu.memory_space<vmem>>, vector<16xi32>,
      %gather3A_1259 = tpu.vector_load_idx %arg5[%get3A_1258] : memref<100000xf32, #tpu.memory_space<vmem>>[vector<16xi32>], vector<16xf32>,
      %swap3A_1260 = arith.constant 3904 : index
      %swap3A_1261 = tpu.vector_load %arg7[%swap3A_1260] {strides = array<i32>} : memref<4096xf32, #tpu.memory_space<vmem>>, vector<16xf32>,
      tpu.vector_store %arg7[%swap3A_1260], %gather3A_1259 {strides = array<i32>} : memref<4096xf32, #tpu.memory_space<vmem>>, vector<16xf32>,
      %get3A_1262 = arith.constant 3920 : index
      %get3A_1263 = tpu.vector_load %arg6[%get3A_1262] {strides = array<i32>} : memref<4096xi32, #tpu.memory_space<vmem>>, vector<16xi32>,
      %gather3A_1264 = tpu.vector_load_idx %arg5[%get3A_1263] : memref<100000xf32, #tpu.memory_space<vmem>>[vector<16xi32>], vector<16xf32>,
      %swap3A_1265 = arith.constant 3920 : index
      %swap3A_1266 = tpu.vector_load %arg7[%swap3A_1265] {strides = array<i32>} : memref<4096xf32, #tpu.memory_space<vmem>>, vector<16xf32>,
      tpu.vector_store %arg7[%swap3A_1265], %gather3A_1264 {strides = array<i32>} : memref<4096xf32, #tpu.memory_space<vmem>>, vector<16xf32>,
      %get3A_1267 = arith.constant 3936 : index
      %get3A_1268 = tpu.vector_load %arg6[%get3A_1267] {strides = array<i32>} : memref<4096xi32, #tpu.memory_space<vmem>>, vector<16xi32>,
      %gather3A_1269 = tpu.vector_load_idx %arg5[%get3A_1268] : memref<100000xf32, #tpu.memory_space<vmem>>[vector<16xi32>], vector<16xf32>,
      %swap3A_1270 = arith.constant 3936 : index
      %swap3A_1271 = tpu.vector_load %arg7[%swap3A_1270] {strides = array<i32>} : memref<4096xf32, #tpu.memory_space<vmem>>, vector<16xf32>,
      tpu.vector_store %arg7[%swap3A_1270], %gather3A_1269 {strides = array<i32>} : memref<4096xf32, #tpu.memory_space<vmem>>, vector<16xf32>,
      %get3A_1272 = arith.constant 3952 : index
      %get3A_1273 = tpu.vector_load %arg6[%get3A_1272] {strides = array<i32>} : memref<4096xi32, #tpu.memory_space<vmem>>, vector<16xi32>,
      %gather3A_1274 = tpu.vector_load_idx %arg5[%get3A_1273] : memref<100000xf32, #tpu.memory_space<vmem>>[vector<16xi32>], vector<16xf32>,
      %swap3A_1275 = arith.constant 3952 : index
      %swap3A_1276 = tpu.vector_load %arg7[%swap3A_1275] {strides = array<i32>} : memref<4096xf32, #tpu.memory_space<vmem>>, vector<16xf32>,
      tpu.vector_store %arg7[%swap3A_1275], %gather3A_1274 {strides = array<i32>} : memref<4096xf32, #tpu.memory_space<vmem>>, vector<16xf32>,
      %get3A_1277 = arith.constant 3968 : index
      %get3A_1278 = tpu.vector_load %arg6[%get3A_1277] {strides = array<i32>} : memref<4096xi32, #tpu.memory_space<vmem>>, vector<16xi32>,
      %gather3A_1279 = tpu.vector_load_idx %arg5[%get3A_1278] : memref<100000xf32, #tpu.memory_space<vmem>>[vector<16xi32>], vector<16xf32>,
      %swap3A_1280 = arith.constant 3968 : index
      %swap3A_1281 = tpu.vector_load %arg7[%swap3A_1280] {strides = array<i32>} : memref<4096xf32, #tpu.memory_space<vmem>>, vector<16xf32>,
      tpu.vector_store %arg7[%swap3A_1280], %gather3A_1279 {strides = array<i32>} : memref<4096xf32, #tpu.memory_space<vmem>>, vector<16xf32>,
      %get3A_1282 = arith.constant 3984 : index
      %get3A_1283 = tpu.vector_load %arg6[%get3A_1282] {strides = array<i32>} : memref<4096xi32, #tpu.memory_space<vmem>>, vector<16xi32>,
      %gather3A_1284 = tpu.vector_load_idx %arg5[%get3A_1283] : memref<100000xf32, #tpu.memory_space<vmem>>[vector<16xi32>], vector<16xf32>,
      %swap3A_1285 = arith.constant 3984 : index
      %swap3A_1286 = tpu.vector_load %arg7[%swap3A_1285] {strides = array<i32>} : memref<4096xf32, #tpu.memory_space<vmem>>, vector<16xf32>,
      tpu.vector_store %arg7[%swap3A_1285], %gather3A_1284 {strides = array<i32>} : memref<4096xf32, #tpu.memory_space<vmem>>, vector<16xf32>,
      %get3A_1287 = arith.constant 4000 : index
      %get3A_1288 = tpu.vector_load %arg6[%get3A_1287] {strides = array<i32>} : memref<4096xi32, #tpu.memory_space<vmem>>, vector<16xi32>,
      %gather3A_1289 = tpu.vector_load_idx %arg5[%get3A_1288] : memref<100000xf32, #tpu.memory_space<vmem>>[vector<16xi32>], vector<16xf32>,
      %swap3A_1290 = arith.constant 4000 : index
      %swap3A_1291 = tpu.vector_load %arg7[%swap3A_1290] {strides = array<i32>} : memref<4096xf32, #tpu.memory_space<vmem>>, vector<16xf32>,
      tpu.vector_store %arg7[%swap3A_1290], %gather3A_1289 {strides = array<i32>} : memref<4096xf32, #tpu.memory_space<vmem>>, vector<16xf32>,
      %get3A_1292 = arith.constant 4016 : index
      %get3A_1293 = tpu.vector_load %arg6[%get3A_1292] {strides = array<i32>} : memref<4096xi32, #tpu.memory_space<vmem>>, vector<16xi32>,
      %gather3A_1294 = tpu.vector_load_idx %arg5[%get3A_1293] : memref<100000xf32, #tpu.memory_space<vmem>>[vector<16xi32>], vector<16xf32>,
      %swap3A_1295 = arith.constant 4016 : index
      %swap3A_1296 = tpu.vector_load %arg7[%swap3A_1295] {strides = array<i32>} : memref<4096xf32, #tpu.memory_space<vmem>>, vector<16xf32>,
      tpu.vector_store %arg7[%swap3A_1295], %gather3A_1294 {strides = array<i32>} : memref<4096xf32, #tpu.memory_space<vmem>>, vector<16xf32>,
      %get3A_1297 = arith.constant 4032 : index
      %get3A_1298 = tpu.vector_load %arg6[%get3A_1297] {strides = array<i32>} : memref<4096xi32, #tpu.memory_space<vmem>>, vector<16xi32>,
      %gather3A_1299 = tpu.vector_load_idx %arg5[%get3A_1298] : memref<100000xf32, #tpu.memory_space<vmem>>[vector<16xi32>], vector<16xf32>,
      %swap3A_1300 = arith.constant 4032 : index
      %swap3A_1301 = tpu.vector_load %arg7[%swap3A_1300] {strides = array<i32>} : memref<4096xf32, #tpu.memory_space<vmem>>, vector<16xf32>,
      tpu.vector_store %arg7[%swap3A_1300], %gather3A_1299 {strides = array<i32>} : memref<4096xf32, #tpu.memory_space<vmem>>, vector<16xf32>,
      %get3A_1302 = arith.constant 4048 : index
      %get3A_1303 = tpu.vector_load %arg6[%get3A_1302] {strides = array<i32>} : memref<4096xi32, #tpu.memory_space<vmem>>, vector<16xi32>,
      %gather3A_1304 = tpu.vector_load_idx %arg5[%get3A_1303] : memref<100000xf32, #tpu.memory_space<vmem>>[vector<16xi32>], vector<16xf32>,
      %swap3A_1305 = arith.constant 4048 : index
      %swap3A_1306 = tpu.vector_load %arg7[%swap3A_1305] {strides = array<i32>} : memref<4096xf32, #tpu.memory_space<vmem>>, vector<16xf32>,
      tpu.vector_store %arg7[%swap3A_1305], %gather3A_1304 {strides = array<i32>} : memref<4096xf32, #tpu.memory_space<vmem>>, vector<16xf32>,
      %get3A_1307 = arith.constant 4064 : index
      %get3A_1308 = tpu.vector_load %arg6[%get3A_1307] {strides = array<i32>} : memref<4096xi32, #tpu.memory_space<vmem>>, vector<16xi32>,
      %gather3A_1309 = tpu.vector_load_idx %arg5[%get3A_1308] : memref<100000xf32, #tpu.memory_space<vmem>>[vector<16xi32>], vector<16xf32>,
      %swap3A_1310 = arith.constant 4064 : index
      %swap3A_1311 = tpu.vector_load %arg7[%swap3A_1310] {strides = array<i32>} : memref<4096xf32, #tpu.memory_space<vmem>>, vector<16xf32>,
      tpu.vector_store %arg7[%swap3A_1310], %gather3A_1309 {strides = array<i32>} : memref<4096xf32, #tpu.memory_space<vmem>>, vector<16xf32>,
      %get3A_1312 = arith.constant 4080 : index
      %get3A_1313 = tpu.vector_load %arg6[%get3A_1312] {strides = array<i32>} : memref<4096xi32, #tpu.memory_space<vmem>>, vector<16xi32>,
      %gather3A_1314 = tpu.vector_load_idx %arg5[%get3A_1313] : memref<100000xf32, #tpu.memory_space<vmem>>[vector<16xi32>], vector<16xf32>,
      %swap3A_1315 = arith.constant 4080 : index
      %swap3A_1316 = tpu.vector_load %arg7[%swap3A_1315] {strides = array<i32>} : memref<4096xf32, #tpu.memory_space<vmem>>, vector<16xf32>,
      tpu.vector_store %arg7[%swap3A_1315], %gather3A_1314 {strides = array<i32>} : memref<4096xf32, #tpu.memory_space<vmem>>, vector<16xf32>,
      %dma_start3A = arith.constant 0 : i32
      %dma_start3A_1317 = tpu.memref_slice %arg4[%add3A_16, %dma_start3A] : memref<1664x4096xf32, #tpu.memory_space<hbm>> -> memref<1x4096xf32, #tpu.memory_space<hbm>>
      %dma_start3A_1318 = tpu.memref_squeeze %dma_start3A_1317 : memref<1x4096xf32, #tpu.memory_space<hbm>> -> memref<4096xf32, #tpu.memory_space<hbm>>
      %dma_start3A_1319 = arith.constant 0 : i32
      %dma_start3A_1320 = tpu.memref_slice %arg4[%add3A_16, %dma_start3A_1319] : memref<1664x4096xf32, #tpu.memory_space<hbm>> -> memref<1x4096xf32, #tpu.memory_space<hbm>>
      %dma_start3A_1321 = tpu.memref_squeeze %dma_start3A_1320 : memref<1x4096xf32, #tpu.memory_space<hbm>> -> memref<4096xf32, #tpu.memory_space<hbm>>
      tpu.enqueue_dma source(%arg7 : memref<4096xf32, #tpu.memory_space<vmem>>) target(%dma_start3A_1321 : memref<4096xf32, #tpu.memory_space<hbm>>) target_semaphore(%arg8 : memref<!tpu.dma_semaphore, #tpu.memory_space<semaphore_mem>>)
      scf.yield %select_n3A : i32
    }
    %scan3A_8 = arith.constant 52 : i32
    %dma_wait3A = arith.constant 0 : i32
    %dma_wait3A_9 = tpu.memref_slice %arg4[%mul3A_2, %dma_wait3A] : memref<1664x4096xf32, #tpu.memory_space<hbm>> -> memref<1x4096xf32, #tpu.memory_space<hbm>>
    %dma_wait3A_10 = tpu.memref_squeeze %dma_wait3A_9 : memref<1x4096xf32, #tpu.memory_space<hbm>> -> memref<4096xf32, #tpu.memory_space<hbm>>
    %dma_wait3A_11 = arith.constant 0 : i32
    %dma_wait3A_12 = tpu.memref_slice %arg4[%mul3A_2, %dma_wait3A_11] : memref<1664x4096xf32, #tpu.memory_space<hbm>> -> memref<1x4096xf32, #tpu.memory_space<hbm>>
    %dma_wait3A_13 = tpu.memref_squeeze %dma_wait3A_12 : memref<1x4096xf32, #tpu.memory_space<hbm>> -> memref<4096xf32, #tpu.memory_space<hbm>>
    tpu.wait_dma2 semaphore(%arg8 : memref<!tpu.dma_semaphore, #tpu.memory_space<semaphore_mem>>) src(%dma_wait3A_13 : memref<4096xf32, #tpu.memory_space<hbm>>) dst(%arg7 : memref<4096xf32, #tpu.memory_space<vmem>>)
    return
  }
}

module attributes {stable_mosaic.version = 14 : i64} {
  func.func @_tc_body(%arg0: i32, %arg1: memref<512x13xf32, #tpu.memory_space<vmem>>, %arg2: memref<512x26x64xf32, #tpu.memory_space<vmem>>, %arg3: memref<512x13xf32, #tpu.memory_space<vmem>>, %arg4: memref<1x512xf32, #tpu.memory_space<vmem>>, %arg5: memref<256x512xf32, #tpu.memory_space<vmem>>, %arg6: memref<1x256xf32, #tpu.memory_space<vmem>>, %arg7: memref<64x256xf32, #tpu.memory_space<vmem>>, %arg8: memref<1x64xf32, #tpu.memory_space<vmem>>, %arg9: memref<512x64xf32, #tpu.memory_space<vmem>>, %arg10: memref<512x729xf32, #tpu.memory_space<vmem>>, %arg11: memref<1x512xf32, #tpu.memory_space<vmem>>, %arg12: memref<256x512xf32, #tpu.memory_space<vmem>>, %arg13: memref<1x256xf32, #tpu.memory_space<vmem>>, %arg14: memref<128x256xf32, #tpu.memory_space<vmem>>, %arg15: memref<1x128xf32, #tpu.memory_space<vmem>>, %arg16: memref<512x1xf32, #tpu.memory_space<vmem>>) attributes {dimension_semantics = [#tpu.dimension_semantics<arbitrary>], iteration_bounds = array<i64: 8>, scalar_prefetch = 0 : i64, scratch_operands = 0 : i64, tpu.core_type = #tpu.core_type<tc>, window_params = [{transform_indices = @transform_0, window_bounds = array<i64: 512, 13>}, {transform_indices = @transform_1, window_bounds = array<i64: 512, 26, 64>}, {pipeline_mode = #tpu.pipeline_mode<synchronous>, transform_indices = @transform_2, window_bounds = array<i64: 512, 13>}, {pipeline_mode = #tpu.pipeline_mode<synchronous>, transform_indices = @transform_3, window_bounds = array<i64: 1, 512>}, {pipeline_mode = #tpu.pipeline_mode<synchronous>, transform_indices = @transform_4, window_bounds = array<i64: 256, 512>}, {pipeline_mode = #tpu.pipeline_mode<synchronous>, transform_indices = @transform_5, window_bounds = array<i64: 1, 256>}, {pipeline_mode = #tpu.pipeline_mode<synchronous>, transform_indices = @transform_6, window_bounds = array<i64: 64, 256>}, {pipeline_mode = #tpu.pipeline_mode<synchronous>, transform_indices = @transform_7, window_bounds = array<i64: 1, 64>}, {pipeline_mode = #tpu.pipeline_mode<synchronous>, transform_indices = @transform_8, window_bounds = array<i64: 512, 64>}, {pipeline_mode = #tpu.pipeline_mode<synchronous>, transform_indices = @transform_9, window_bounds = array<i64: 512, 729>}, {pipeline_mode = #tpu.pipeline_mode<synchronous>, transform_indices = @transform_10, window_bounds = array<i64: 1, 512>}, {pipeline_mode = #tpu.pipeline_mode<synchronous>, transform_indices = @transform_11, window_bounds = array<i64: 256, 512>}, {pipeline_mode = #tpu.pipeline_mode<synchronous>, transform_indices = @transform_12, window_bounds = array<i64: 1, 256>}, {pipeline_mode = #tpu.pipeline_mode<synchronous>, transform_indices = @transform_13, window_bounds = array<i64: 128, 256>}, {pipeline_mode = #tpu.pipeline_mode<synchronous>, transform_indices = @transform_14, window_bounds = array<i64: 1, 128>}, {transform_indices = @transform_15, window_bounds = array<i64: 512, 1>}]} {
    %get3A = arith.constant 0 : index
    %get3A_0 = arith.constant 0 : index
    %get3A_1 = vector.load %arg1[%get3A, %get3A_0] : memref<512x13xf32, #tpu.memory_space<vmem>>, vector<512x13xf32>
    %get3A_2 = arith.constant 0 : index
    %get3A_3 = arith.constant 0 : index
    %get3A_4 = vector.load %arg3[%get3A_2, %get3A_3] : memref<512x13xf32, #tpu.memory_space<vmem>>, vector<512x13xf32>
    %dot_general3A = arith.constant dense<0.000000e+00> : vector<512x512xf32>
    %dot_general3A_5 = tpu.matmul %get3A_1, %get3A_4, %dot_general3A {dimension_numbers = #tpu.dot_dimension_numbers<[1], [1], [0], [0], [0, 0, 1, 0], [], []>, transpose_lhs_hint = false} : vector<512x13xf32>, vector<512x13xf32>, vector<512x512xf32> -> vector<512x512xf32>
    %get3A_6 = arith.constant 0 : index
    %get3A_7 = arith.constant 0 : index
    %get3A_8 = vector.load %arg4[%get3A_6, %get3A_7] : memref<1x512xf32, #tpu.memory_space<vmem>>, vector<1x512xf32>
    %add3A = vector.broadcast %get3A_8 : vector<1x512xf32> to vector<512x512xf32>
    %add3A_9 = arith.addf %dot_general3A_5, %add3A : vector<512x512xf32>
    %max3A = arith.constant 0.000000e+00 : f32
    %max3A_10 = vector.broadcast %max3A : f32 to vector<512x512xf32>
    %max3A_11 = arith.maximumf %add3A_9, %max3A_10 : vector<512x512xf32>
    %get3A_12 = arith.constant 0 : index
    %get3A_13 = arith.constant 0 : index
    %get3A_14 = vector.load %arg5[%get3A_12, %get3A_13] : memref<256x512xf32, #tpu.memory_space<vmem>>, vector<256x512xf32>
    %dot_general3A_15 = arith.constant dense<0.000000e+00> : vector<512x256xf32>
    %dot_general3A_16 = tpu.matmul %max3A_11, %get3A_14, %dot_general3A_15 {dimension_numbers = #tpu.dot_dimension_numbers<[1], [1], [0], [0], [0, 0, 1, 0], [], []>, transpose_lhs_hint = false} : vector<512x512xf32>, vector<256x512xf32>, vector<512x256xf32> -> vector<512x256xf32>
    %get3A_17 = arith.constant 0 : index
    %get3A_18 = arith.constant 0 : index
    %get3A_19 = vector.load %arg6[%get3A_17, %get3A_18] : memref<1x256xf32, #tpu.memory_space<vmem>>, vector<1x256xf32>
    %add3A_20 = vector.broadcast %get3A_19 : vector<1x256xf32> to vector<512x256xf32>
    %add3A_21 = arith.addf %dot_general3A_16, %add3A_20 : vector<512x256xf32>
    %max3A_22 = arith.constant 0.000000e+00 : f32
    %max3A_23 = vector.broadcast %max3A_22 : f32 to vector<512x256xf32>
    %max3A_24 = arith.maximumf %add3A_21, %max3A_23 : vector<512x256xf32>
    %get3A_25 = arith.constant 0 : index
    %get3A_26 = arith.constant 0 : index
    %get3A_27 = vector.load %arg7[%get3A_25, %get3A_26] : memref<64x256xf32, #tpu.memory_space<vmem>>, vector<64x256xf32>
    %dot_general3A_28 = arith.constant dense<0.000000e+00> : vector<512x64xf32>
    %dot_general3A_29 = tpu.matmul %max3A_24, %get3A_27, %dot_general3A_28 {dimension_numbers = #tpu.dot_dimension_numbers<[1], [1], [0], [0], [0, 0, 1, 0], [], []>, transpose_lhs_hint = false} : vector<512x256xf32>, vector<64x256xf32>, vector<512x64xf32> -> vector<512x64xf32>
    %get3A_30 = arith.constant 0 : index
    %get3A_31 = arith.constant 0 : index
    %get3A_32 = vector.load %arg8[%get3A_30, %get3A_31] : memref<1x64xf32, #tpu.memory_space<vmem>>, vector<1x64xf32>
    %add3A_33 = vector.broadcast %get3A_32 : vector<1x64xf32> to vector<512x64xf32>
    %add3A_34 = arith.addf %dot_general3A_29, %add3A_33 : vector<512x64xf32>
    %max3A_35 = arith.constant 0.000000e+00 : f32
    %max3A_36 = vector.broadcast %max3A_35 : f32 to vector<512x64xf32>
    %max3A_37 = arith.maximumf %add3A_34, %max3A_36 : vector<512x64xf32>
    %broadcast_in_dim3A = vector.shape_cast %max3A_37 : vector<512x64xf32> to vector<512x1x64xf32>
    %get3A_38 = arith.constant 0 : index
    %get3A_39 = arith.constant 0 : index
    %get3A_40 = arith.constant 0 : index
    %get3A_41 = vector.load %arg2[%get3A_38, %get3A_39, %get3A_40] : memref<512x26x64xf32, #tpu.memory_space<vmem>>, vector<512x26x64xf32>
    %concatenate3A = tpu.concatenate %broadcast_in_dim3A, %get3A_41 in 1 : vector<512x1x64xf32>, vector<512x26x64xf32> -> vector<512x27x64xf32>
    %dot_general3A_42 = arith.constant dense<0.000000e+00> : vector<512x27x27xf32>
    %dot_general3A_43 = tpu.matmul %concatenate3A, %concatenate3A, %dot_general3A_42 {dimension_numbers = #tpu.dot_dimension_numbers<[2], [2], [1], [1], [0, 0, 0, 1, 1, 1], [0], [0]>, transpose_lhs_hint = false} : vector<512x27x64xf32>, vector<512x27x64xf32>, vector<512x27x27xf32> -> vector<512x27x27xf32>
    %reshape3A = vector.shape_cast %dot_general3A_43 : vector<512x27x27xf32> to vector<512x729xf32>
    %get3A_44 = arith.constant 0 : index
    %get3A_45 = arith.constant 0 : index
    %get3A_46 = vector.load %arg9[%get3A_44, %get3A_45] : memref<512x64xf32, #tpu.memory_space<vmem>>, vector<512x64xf32>
    %dot_general3A_47 = arith.constant dense<0.000000e+00> : vector<512x512xf32>
    %dot_general3A_48 = tpu.matmul %max3A_37, %get3A_46, %dot_general3A_47 {dimension_numbers = #tpu.dot_dimension_numbers<[1], [1], [0], [0], [0, 0, 1, 0], [], []>, transpose_lhs_hint = false} : vector<512x64xf32>, vector<512x64xf32>, vector<512x512xf32> -> vector<512x512xf32>
    %get3A_49 = arith.constant 0 : index
    %get3A_50 = arith.constant 0 : index
    %get3A_51 = vector.load %arg10[%get3A_49, %get3A_50] : memref<512x729xf32, #tpu.memory_space<vmem>>, vector<512x729xf32>
    %dot_general3A_52 = arith.constant dense<0.000000e+00> : vector<512x512xf32>
    %dot_general3A_53 = tpu.matmul %reshape3A, %get3A_51, %dot_general3A_52 {dimension_numbers = #tpu.dot_dimension_numbers<[1], [1], [0], [0], [0, 0, 1, 0], [], []>, transpose_lhs_hint = false} : vector<512x729xf32>, vector<512x729xf32>, vector<512x512xf32> -> vector<512x512xf32>
    %add3A_54 = arith.addf %dot_general3A_48, %dot_general3A_53 : vector<512x512xf32>
    %get3A_55 = arith.constant 0 : index
    %get3A_56 = arith.constant 0 : index
    %get3A_57 = vector.load %arg11[%get3A_55, %get3A_56] : memref<1x512xf32, #tpu.memory_space<vmem>>, vector<1x512xf32>
    %add3A_58 = vector.broadcast %get3A_57 : vector<1x512xf32> to vector<512x512xf32>
    %add3A_59 = arith.addf %add3A_54, %add3A_58 : vector<512x512xf32>
    %max3A_60 = arith.constant 0.000000e+00 : f32
    %max3A_61 = vector.broadcast %max3A_60 : f32 to vector<512x512xf32>
    %max3A_62 = arith.maximumf %add3A_59, %max3A_61 : vector<512x512xf32>
    %get3A_63 = arith.constant 0 : index
    %get3A_64 = arith.constant 0 : index
    %get3A_65 = vector.load %arg12[%get3A_63, %get3A_64] : memref<256x512xf32, #tpu.memory_space<vmem>>, vector<256x512xf32>
    %dot_general3A_66 = arith.constant dense<0.000000e+00> : vector<512x256xf32>
    %dot_general3A_67 = tpu.matmul %max3A_62, %get3A_65, %dot_general3A_66 {dimension_numbers = #tpu.dot_dimension_numbers<[1], [1], [0], [0], [0, 0, 1, 0], [], []>, transpose_lhs_hint = false} : vector<512x512xf32>, vector<256x512xf32>, vector<512x256xf32> -> vector<512x256xf32>
    %get3A_68 = arith.constant 0 : index
    %get3A_69 = arith.constant 0 : index
    %get3A_70 = vector.load %arg13[%get3A_68, %get3A_69] : memref<1x256xf32, #tpu.memory_space<vmem>>, vector<1x256xf32>
    %add3A_71 = vector.broadcast %get3A_70 : vector<1x256xf32> to vector<512x256xf32>
    %add3A_72 = arith.addf %dot_general3A_67, %add3A_71 : vector<512x256xf32>
    %max3A_73 = arith.constant 0.000000e+00 : f32
    %max3A_74 = vector.broadcast %max3A_73 : f32 to vector<512x256xf32>
    %max3A_75 = arith.maximumf %add3A_72, %max3A_74 : vector<512x256xf32>
    %get3A_76 = arith.constant 0 : index
    %get3A_77 = arith.constant 0 : index
    %get3A_78 = vector.load %arg14[%get3A_76, %get3A_77] : memref<128x256xf32, #tpu.memory_space<vmem>>, vector<128x256xf32>
    %dot_general3A_79 = arith.constant dense<0.000000e+00> : vector<512x128xf32>
    %dot_general3A_80 = tpu.matmul %max3A_75, %get3A_78, %dot_general3A_79 {dimension_numbers = #tpu.dot_dimension_numbers<[1], [1], [0], [0], [0, 0, 1, 0], [], []>, transpose_lhs_hint = false} : vector<512x256xf32>, vector<128x256xf32>, vector<512x128xf32> -> vector<512x128xf32>
    %get3A_81 = arith.constant 0 : index
    %get3A_82 = arith.constant 0 : index
    %get3A_83 = vector.load %arg15[%get3A_81, %get3A_82] : memref<1x128xf32, #tpu.memory_space<vmem>>, vector<1x128xf32>
    %add3A_84 = vector.broadcast %get3A_83 : vector<1x128xf32> to vector<512x128xf32>
    %add3A_85 = arith.addf %dot_general3A_80, %add3A_84 : vector<512x128xf32>
    %logistic3A = arith.negf %add3A_85 : vector<512x128xf32>
    %logistic3A_86 = math.exp %logistic3A : vector<512x128xf32>
    %logistic3A_87 = arith.constant 1.000000e+00 : f32
    %logistic3A_88 = vector.broadcast %logistic3A_87 : f32 to vector<512x128xf32>
    %logistic3A_89 = arith.addf %logistic3A_88, %logistic3A_86 : vector<512x128xf32>
    %logistic3A_90 = arith.divf %logistic3A_88, %logistic3A_89 : vector<512x128xf32>
    %slice3A = vector.extract_strided_slice %logistic3A_90 {offsets = [0, 0], sizes = [512, 1], strides = [1, 1]} : vector<512x128xf32> to vector<512x1xf32>
    %swap3A = arith.constant 0 : index
    %swap3A_91 = arith.constant 0 : index
    %swap3A_92 = vector.load %arg16[%swap3A, %swap3A_91] : memref<512x1xf32, #tpu.memory_space<vmem>>, vector<512x1xf32>
    tpu.vector_store %arg16[%swap3A, %swap3A_91], %slice3A {strides = array<i32>} : memref<512x1xf32, #tpu.memory_space<vmem>>, vector<512x1xf32>,
    return
  }
  func.func @transform_0(%arg0: i32) -> (i32, i32) {
    %c0_i32 = arith.constant 0 : i32
    %c0_i32_0 = arith.constant 0 : i32
    return %arg0, %c0_i32 : i32, i32
  }
  func.func @transform_1(%arg0: i32) -> (i32, i32, i32) {
    %c0_i32 = arith.constant 0 : i32
    %c0_i32_0 = arith.constant 0 : i32
    %c0_i32_1 = arith.constant 0 : i32
    return %arg0, %c0_i32, %c0_i32_0 : i32, i32, i32
  }
  func.func @transform_2(%arg0: i32) -> (i32, i32) {
    %c0_i32 = arith.constant 0 : i32
    %c0_i32_0 = arith.constant 0 : i32
    %c0_i32_1 = arith.constant 0 : i32
    return %c0_i32, %c0_i32_0 : i32, i32
  }
  func.func @transform_3(%arg0: i32) -> (i32, i32) {
    %c0_i32 = arith.constant 0 : i32
    %c0_i32_0 = arith.constant 0 : i32
    %c0_i32_1 = arith.constant 0 : i32
    return %c0_i32, %c0_i32_0 : i32, i32
  }
  func.func @transform_4(%arg0: i32) -> (i32, i32) {
    %c0_i32 = arith.constant 0 : i32
    %c0_i32_0 = arith.constant 0 : i32
    %c0_i32_1 = arith.constant 0 : i32
    return %c0_i32, %c0_i32_0 : i32, i32
  }
  func.func @transform_5(%arg0: i32) -> (i32, i32) {
    %c0_i32 = arith.constant 0 : i32
    %c0_i32_0 = arith.constant 0 : i32
    %c0_i32_1 = arith.constant 0 : i32
    return %c0_i32, %c0_i32_0 : i32, i32
  }
  func.func @transform_6(%arg0: i32) -> (i32, i32) {
    %c0_i32 = arith.constant 0 : i32
    %c0_i32_0 = arith.constant 0 : i32
    %c0_i32_1 = arith.constant 0 : i32
    return %c0_i32, %c0_i32_0 : i32, i32
  }
  func.func @transform_7(%arg0: i32) -> (i32, i32) {
    %c0_i32 = arith.constant 0 : i32
    %c0_i32_0 = arith.constant 0 : i32
    %c0_i32_1 = arith.constant 0 : i32
    return %c0_i32, %c0_i32_0 : i32, i32
  }
  func.func @transform_8(%arg0: i32) -> (i32, i32) {
    %c0_i32 = arith.constant 0 : i32
    %c0_i32_0 = arith.constant 0 : i32
    %c0_i32_1 = arith.constant 0 : i32
    return %c0_i32, %c0_i32_0 : i32, i32
  }
  func.func @transform_9(%arg0: i32) -> (i32, i32) {
    %c0_i32 = arith.constant 0 : i32
    %c0_i32_0 = arith.constant 0 : i32
    %c0_i32_1 = arith.constant 0 : i32
    return %c0_i32, %c0_i32_0 : i32, i32
  }
  func.func @transform_10(%arg0: i32) -> (i32, i32) {
    %c0_i32 = arith.constant 0 : i32
    %c0_i32_0 = arith.constant 0 : i32
    %c0_i32_1 = arith.constant 0 : i32
    return %c0_i32, %c0_i32_0 : i32, i32
  }
  func.func @transform_11(%arg0: i32) -> (i32, i32) {
    %c0_i32 = arith.constant 0 : i32
    %c0_i32_0 = arith.constant 0 : i32
    %c0_i32_1 = arith.constant 0 : i32
    return %c0_i32, %c0_i32_0 : i32, i32
  }
  func.func @transform_12(%arg0: i32) -> (i32, i32) {
    %c0_i32 = arith.constant 0 : i32
    %c0_i32_0 = arith.constant 0 : i32
    %c0_i32_1 = arith.constant 0 : i32
    return %c0_i32, %c0_i32_0 : i32, i32
  }
  func.func @transform_13(%arg0: i32) -> (i32, i32) {
    %c0_i32 = arith.constant 0 : i32
    %c0_i32_0 = arith.constant 0 : i32
    %c0_i32_1 = arith.constant 0 : i32
    return %c0_i32, %c0_i32_0 : i32, i32
  }
  func.func @transform_14(%arg0: i32) -> (i32, i32) {
    %c0_i32 = arith.constant 0 : i32
    %c0_i32_0 = arith.constant 0 : i32
    %c0_i32_1 = arith.constant 0 : i32
    return %c0_i32, %c0_i32_0 : i32, i32
  }
  func.func @transform_15(%arg0: i32) -> (i32, i32) {
    %c0_i32 = arith.constant 0 : i32
    %c0_i32_0 = arith.constant 0 : i32
    return %arg0, %c0_i32 : i32, i32
  }
}

</mosaic_0001>

<sc_bundles>
// kernel: kernel.4.cloned.1.call-start
scs
__scs_entry_jumppad:
0x0: {  	(pc) =	sbr.rel $0x88, $3  }
0x1: {  	(tag) =	ssettag $0x0;
	lr =	simm.s32 $0x1  }
0x2: {  	[smem:$0x3F92] =	sst lr;
	_ =	strace $0xD0000000  }
0x3: {  	_ = 	snop  }
0x4: {  	_ = 	snop  }
0x5: {  	_ = 	snop  }
0x6: {  	_ = 	snop  }
0x7: {  	_ = 	snop  }
__scs_overlays_trampoline_lowered:
0x8: {  	[smem:$0x3FA1] =	sst s0  }
0x9: {  	[smem:$0x3FA2] =	sst s1  }
0xa: {  	[smem:$0x3FA3] =	sst s2  }
0xb: {  	[smem:$0x3FA4] =	sst s3  }
0xc: {  	[smem:$0x3FA5] =	sst s4  }
0xd: {  	[smem:$0x3FA6] =	sst s5  }
0xe: {  	[smem:$0x3FA7] =	sst s6  }
0xf: {  	[smem:$0x3FA8] =	sst s7  }
0x10: {  	[smem:$0x3FA9] =	sst s8  }
0x11: {  	[smem:$0x3FAA] =	sst s9;
	s0 =	simm.s32 @!p0 $0x0  }
0x12: {  	s1 =	sld [smem:$0x3F90];
	s0 =	simm.s32 @p0 $0x1  }
0x13: {  	[smem:$0x3FAB] =	sst s0;
	s0 =	simm.s32 @!p1 $0x0  }
0x14: {  	s2 =	sld [smem:$0x3F8F];
	s0 =	simm.s32 @p1 $0x1  }
0x15: {  	[smem:$0x3FAC] =	sst s0;
	s0 =	simm.s32 @!p2 $0x0  }
0x16: {  	s3 =	sld [smem:$0x3FDB];
	s0 =	simm.s32 @p2 $0x1  }
0x17: {  	s4 =	simm.s32 $0x1BF5;
	[smem:$0x3FAE] =	sst s0  }
0x18: {  	s0 =	sld [smem:$0x3F91];
	_ =	swait.ge [sflag:s4], $0x0  }
0x19: {  	s7 =	sld [smem:$0x3F92]  }
0x1a: {  	s8 =	sadd.s32 $0xFFFFE003, lr  }
0x1b: {  	s9 =	sadd.s32 $0xFFFFFEF7, lr;
	s5 =	simm.s32 $0xFFFFFFFF;
	p2 =	slt.u32 s8, $0xFFFFF086  }
0x1c: {  	p1 =	slt.u32 s9, $0xF7A;
	s5 =	simm.s32 @!p2 $0x0  }
0x1d: {  	s5 =	simm.s32 @p1 $0x1;
	p0 =	seq.s32 s7, s2  }
0x1e: {  	s7 =	smul.u32 @!p0 $0xF7A, s2;
	p2 =	seq.s32 @!p0 s5, $0x0  }
0x1f: {  	s9 =	smul.u32 $0xF7A, s1;
	s8 =	simm.s32 @!p0 $0x1BF5;
	p2 =	por !p2, p0  }
0x20: {  	[sflag:s8] =	ssyncset.s32 @!p0 $0xFFFFF086;
	s6 =	sadd.s32 @!p0 s3, s7;
	s7 =	simm.s32 @!p0 $0x108  }
0x21: {  	s3 =	sadd.s32 s3, s9;
	s6 =	sadd.s32 @!p0 $0x88, s6;
	s7 =	simm.s32 @p2 $0x1082  }
0x22: {  	[simem:s7], [sflag:s8] =	dma.local @!p0 [hbm:s6], $0xF7A  }
0x23: {  	s9 =	sor.u32 $0xD0000000, s2;
	s6 =	simm.s32 $0x108;
	_ =	swait.ge @!p0 [sflag:s8], $0x0  }
0x24: {  	s3 =	sadd.s32 $0x88, s3;
	s6 =	simm.s32 @!p1 $0x1082;
	[sflag:s4] =	ssyncset.s32 $0xFFFFF086  }
0x25: {  	[simem:s6], [sflag:s4] =	dma.local [hbm:s3], $0xF7A  }
0x26: {  	[smem:$0x3F92] =	sst s1;
	(tag) =	ssettag s2;
	_ =	strace s9  }
0x27: {  	s1 =	sld [smem:$0x3FA2]  }
0x28: {  	s2 =	sld [smem:$0x3FA3]  }
0x29: {  	s4 =	sld [smem:$0x3FA5]  }
0x2a: {  	p0 =	seq.s32 s5, $0x0;
	s5 =	sld [smem:$0x3FA6]  }
0x2b: {  	s6 =	sld [smem:$0x3FA7]  }
0x2c: {  	s7 =	sld [smem:$0x3FA8]  }
0x2d: {  	s3 =	simm.s32 $0x108;
	s8 =	sld [smem:$0x3FA9]  }
0x2e: {  	s3 =	simm.s32 @!p0 $0x1082;
	s9 =	sld [smem:$0x3FAA]  }
0x2f: {  	lr =	sadd.s32 s0, s3;
	s0 =	sld [smem:$0x3FA1]  }
0x30: {  	s3 =	sld [smem:$0x3FA4]  }
0x31: {  	[smem:$0x3FAD] =	sst s10  }
0x32: {  	s10 =	sld [smem:$0x3FAB];
	_ =	sdelay $0x3  }
0x33: {  	p0 =	seq.s32 s10, $0x1;
	s10 =	sld [smem:$0x3FAD];
	_ =	sdelay $0x3  }
0x34: {  	[smem:$0x3FAD] =	sst s10  }
0x35: {  	s10 =	sld [smem:$0x3FAC];
	_ =	sdelay $0x3  }
0x36: {  	p1 =	seq.s32 s10, $0x1;
	s10 =	sld [smem:$0x3FAD];
	_ =	sdelay $0x3  }
0x37: {  	[smem:$0x3FAD] =	sst s10  }
0x38: {  	s10 =	sld [smem:$0x3FAE]  }
0x39: {  	_ = 	snop;
	(pc) =	sbr.ind lr, $3  }
0x3a: {  	_ = 	snop  }
0x3b: {  	_ = 	snop  }
0x3c: {  	p2 =	seq.s32 s10, $0x1;
	s10 =	sld [smem:$0x3FAD]  }
0x3d: {  	_ =	shalt  }
0x3e: {  	_ =	shalt  }
0x3f: {  	_ =	shalt  }
0x40: {  	_ =	shalt  }
0x41: {  	_ =	shalt  }
0x42: {  	_ =	shalt  }
0x43: {  	_ =	shalt  }
0x44: {  	_ =	shalt  }
0x45: {  	_ =	shalt  }
0x46: {  	_ =	shalt  }
0x47: {  	_ =	shalt  }
0x48: {  	_ =	shalt  }
0x49: {  	_ =	shalt  }
0x4a: {  	_ =	shalt  }
0x4b: {  	_ =	shalt  }
0x4c: {  	_ =	shalt  }
0x4d: {  	_ =	shalt  }
0x4e: {  	_ =	shalt  }
0x4f: {  	_ =	shalt  }
0x50: {  	_ =	shalt  }
0x51: {  	_ =	shalt  }
0x52: {  	_ =	shalt  }
0x53: {  	_ =	shalt  }
0x54: {  	_ =	shalt  }
0x55: {  	_ =	shalt  }
0x56: {  	_ =	shalt  }
0x57: {  	_ =	shalt  }
0x58: {  	_ =	shalt  }
0x59: {  	_ =	shalt  }
0x5a: {  	_ =	shalt  }
0x5b: {  	_ =	shalt  }
0x5c: {  	_ =	shalt  }
0x5d: {  	_ =	shalt  }
0x5e: {  	_ =	shalt  }
0x5f: {  	_ =	shalt  }
0x60: {  	_ =	shalt  }
0x61: {  	_ =	shalt  }
0x62: {  	_ =	shalt  }
0x63: {  	_ =	shalt  }
0x64: {  	_ =	shalt  }
0x65: {  	_ =	shalt  }
0x66: {  	_ =	shalt  }
0x67: {  	_ =	shalt  }
0x68: {  	_ =	shalt  }
0x69: {  	_ =	shalt  }
0x6a: {  	_ =	shalt  }
0x6b: {  	_ =	shalt  }
0x6c: {  	_ =	shalt  }
0x6d: {  	_ =	shalt  }
0x6e: {  	_ =	shalt  }
0x6f: {  	_ =	shalt  }
0x70: {  	_ =	shalt  }
0x71: {  	_ =	shalt  }
0x72: {  	_ =	shalt  }
0x73: {  	_ =	shalt  }
0x74: {  	_ =	shalt  }
0x75: {  	_ =	shalt  }
0x76: {  	_ =	shalt  }
0x77: {  	_ =	shalt  }
0x78: {  	_ =	shalt  }
0x79: {  	_ =	shalt  }
0x7a: {  	_ =	shalt  }
0x7b: {  	_ =	shalt  }
0x7c: {  	_ =	shalt  }
0x7d: {  	_ =	shalt  }
0x7e: {  	_ =	shalt  }
0x7f: {  	_ =	shalt  }
0x80: {  	_ =	shalt  }
0x81: {  	_ =	shalt  }
0x82: {  	_ =	shalt  }
0x83: {  	_ =	shalt  }
0x84: {  	_ =	shalt  }
0x85: {  	_ =	shalt  }
0x86: {  	_ =	shalt  }
0x87: {  	_ =	shalt  }
.Lfunc_end0:
.L_simem_size_0:
called_computation_lowered:
.L_overlay_start_0:
0x88: {  	s2 =	sld [smem:$0x3FD9]  }
0x89: {  	s3 =	sld [smem:$0x3FFE];
	_ =	sdelay $0x1  }
0x8a: {  	s1 =	srdreg.scid  }
0x8b: {  	s0 =	sand.u32 $0x1, s1  }
0x8c: {  	s17 =	sshll.u32 s0, $0xA;
	s2 =	sadd.s32 s3, s2  }
0x8d: {  	s2 =	sadd.s32 s2, s17  }
0x8e: {  	[smem:$0x3FB9] =	sst s2  }
0x8f: {  	_ = 	snop  }
0x90: {  	s2 =	sld [smem:$0x3FC8]  }
0x91: {  	s18 =	sld [smem:$0x3FC7];
	(tm) =	ssettm $0x1  }
0x92: {  	s4 =	sld [smem:$0x3FFB];
	_ =	sdelay $0x3  }
0x93: {  	_ =	strace s4  }
0x94: {  	s4 =	sld [smem:$0x3FFC];
	_ =	sdelay $0x3  }
0x95: {  	_ =	strace s4  }
0x96: {  	s4 =	sld [smem:$0x3FFD];
	_ =	sdelay $0x3  }
0x97: {  	_ =	strace s4  }
0x98: {  	_ =	strace $0x8FFFFFFF  }
0x99: {  	s19 =	sld [smem:$0x3FDB];
	_ =	sdelay $0x1  }
0x9a: {  	s5 =	simm.s32 $_scs_section_size  }
0x9b: {  	s6 =	simm.s32 $_size__tile_overlayer_lowered;
	s7 =	simm.s32 $_tile_overlayer_lowered  }
0x9c: {  	s22 =	simm.s32 $0x1BFF;
	s21 =	sshll.u32 s7, $0x1;
	s4 =	sadd.s32 s5, s19  }
0x9d: {  	s8 =	simm.s32 $0x0;
	s20 =	sshll.u32 s6, $0x1;
	s6 =	sadd.s32 s21, s4  }
0x9e: {  	[timem:s8], [sflag:s22] =	dma.local [hbm:s6], s20  }
0x9f: {  	_ =	swait.ge [sflag:s22], s20  }
0xa0: {  	s5 =	ssub.s32 $0x0, s20;
	[sflag:s22] =	ssyncset.done $0x0  }
0xa1: {  	[sflag:s22] =	ssyncadd.s32 s5;
	_ =	sdelay $0x1  }
0xa2: {  	s23 =	simm.s32 $0x1B8B  }
0xa3: {  	_ =	swait.ge [sflag:s23], $0x1  }
0xa4: {  	[sflag:s23] =	ssyncset.done $0x0  }
0xa5: {  	s25 =	simm.s32 $0x1B8E;
	s24 =	sld [smem:$0x3FFE];
	[sflag:s23] =	ssyncadd.s32 $0xFFFFFFFF  }
0xa6: {  	s26 =	simm.s32 $execute0_lowered;
	[smem:$0x3FD2] =	sst s25  }
0xa7: {  	s6 =	sshll.u32 s26, $0x1;
	_ =	strace $0x80000046;
	[dreg:$0x1] =	wrdreg $0xFFFFFFFF  }
0xa8: {  	s28 =	simm.s32 $_size_execute0_lowered;
	s4 =	sadd.s32 s4, s6;
	[dreg:$0x0] =	wrdreg $0x0  }
0xa9: {  	s6 =	sshll.u32 s28, $0x1;
	[dreg:$0x2] =	wrdreg s4  }
0xaa: {  	[dreg:$0x3] =	wrdreg s6  }
0xab: {  	[dreg:$0x4] =	wrdreg $0xC0  }
0xac: {  	_ =	task [dreg:s8], $0x5FFFF  }
0xad: {  	[dreg:$0x1] =	wrdreg $0xFFFFFFFF  }
0xae: {  	[dreg:$0x0] =	wrdreg $0x60  }
0xaf: {  	[dreg:$0x2] =	wrdreg s18  }
0xb0: {  	[dreg:$0x3] =	wrdreg s2  }
0xb1: {  	[dreg:$0x4] =	wrdreg s24  }
0xb2: {  	[dreg:$0x5] =	wrdreg $0x9  }
0xb3: {  	_ =	task.clear_ibuf [dreg:s8], $0x6FFFF;
	_ =	strace $0x90000046  }
0xb4: {  	s29 =	simm.s32 $0x9;
	_ =	strace $0x80000048  }
0xb5: {  	_ =	swait.ge [sflag:s29], $0x1  }
0xb6: {  	[sflag:s29] =	ssyncadd.s32 $0xFFFFFFFF  }
0xb7: {  	_ =	strace $0x90000048  }
0xb8: {  	_ =	sfence  }
0xb9: {  	s30 =	sld [smem:$0x0];
	_ =	sdelay $0x2  }
0xba: {  	s31 =	sshll.u32 s1, $0xD;
	s1 =	sshrl.u32 s1, $0x2  }
0xbb: {  	s3 =	sand.u32 $0x4000, s31;
	s1 =	sadd.s32 s1, s30  }
0xbc: {  	s0 =	sor.u32 s3, s0;
	s1 =	sshll.u32 s1, $0x11  }
0xbd: {  	s0 =	sor.u32 s1, s0  }
0xbe: {  	s0 =	sadd.s32 $0x8F2B, s0  }
0xbf: {  	[sflag:s0] =	ssyncadd.remote.s32 $0x1  }
0xc0: {  	_ =	sfence.sel $0xFFFF  }
0xc1: {  	[dreg:$0x0] =	wrdreg $0xFFFFFFFF;
	(pc) =	sbr.abs _section_cstart, $3  }
0xc2: {  	[dreg:$0x1] =	wrdreg $0xFFFFFFFF  }
0xc3: {  	_ =	task.clear_ibuf [dreg:s8], $0x2FFFF;
	_ =	strace $0x9FFFFFFF  }
0xc4: {  	(tm) =	ssettm $0x7FFFFFFF  }
0xc5: {  	_ =	shalt  }
tec
execute0_lowered:
.L_overlay_start_1:
0x0: {  	(tag) =	ssettag $0x1  }
0x1: {  	s1 =	rddreg [dreg:$0x0]  }
0x2: {  	s3 =	rddreg [dreg:$0x1];
	s2 =	srdreg.scid  }
0x3: {  	s0 =	stileid.u32;
	s5 =	rddreg [dreg:$0x2];
	s4 =	simm.s32 $0x0  }
0x4: {  	s13 =	simm.s32 $0x1;
	s14 =	simm.s32 $0x0;
	s7 =	smul.u32 $0x68, s0  }
0x5: {  	s6 =	sand.u32 $0x1, s2;
	s2 =	rddreg [dreg:$0x3];
	s10 =	smul.u32 $0x3400, s0  }
0x6: {  	[smem:$0x7FF] =	sst s4;
	s8 =	smul.u32 $0x34, s6;
	s9 =	ssub.s32 $0x2, s6  }
0x7: {  	s5 =	sadd.s32 $0x2200, s5;
	s12 =	smul.u32 $0x1A00, s6;
	s11 =	sshrl.u32 s9, $0x1  }
0x8: {  	_ =	strace $0x80000047;
	s31 =	ssub.s32 s9, s11;
	s7 =	sadd.s32 s8, s7  }
0x9: {  	s8 =	sadd.s32 s12, s10;
	s9 =	simm.s32 $0x80;
	s10 =	simm.s32 $0x400  }
0xa: {  	s11 =	simm.s32 $0x2;
	s12 =	simm.s32 $0x19700;
	s6 =	smax.u32 s31, $0x1  }
.LBB2_1:
0xb: {  	s16 =	simm.s32 $0xFFFFFFFF;
	s15 =	smov.u32 s8;
	s17 =	simm.s32 $0x0  }
.LBB2_2:
0xc: {  	s20 =	sadd.s32 s17, s7  }
0xd: {  	s22 =	smov.u32 s16;
	s18 =	sshrl.u32 s20, $0x3  }
0xe: {  	p0 =	seq.s32 s17, $0x0;
	s16 =	sshrl.u32 s20, $0x6;
	s21 =	smul.u32 $0xC3800, s18  }
0xf: {  	s19 =	sand.u32 $0x380, s15;
	p1 =	seq.s32 @!p0 s16, s22  }
0x10: {  	p0 =	por p0, !p1;
	s21 =	sor.u32 s19, s21  }
0x11: {  	s20 =	sshll.u32 @p0 s16, $0x4;
	s21 =	sshrl.u32 s21, $0x3  }
0x12: {  	s22 =	simm.s32 @p0 $0x400;
	s23 =	simm.s32 @p0 $0x18700;
	s21 =	sadd.s32 s1, s21  }
0x13: {  	[tilespmem:s4], [sflag:$0x2] =	stream.strided.gather [hbm4b:s21+s9], $0x18700, s10, s9, $0x38;
	[tilespmem:$0x1A700] =	vst v63  }
0x14: {  	s20 =	sand.u32 @p0 $0x70, s20;
	s21 =	sshll.u32 @p0 s16, $0x9;
	_ =	swait.ge [sflag:s11], $0x18700  }
0x15: {  	s20 =	sadd.s32 @p0 s3, s20;
	s21 =	sand.u32 @p0 $0xFFFF000, s21;
	[sflag:s11] =	ssyncset.done $0x0  }
0x16: {  	s20 =	sadd.s32 @p0 s21, s20;
	s21 =	simm.s32 @p0 $0x80;
	[sflag:s11] =	ssyncadd.s32 $0xFFFE7900  }
0x17: {  	[tilespmem:s23], [sflag:$0x2] =	stream.strided.gather @p0 [hbm4b:s20+s21], $0x1000, s22, s21, $0x38;
	[tilespmem:$0x1A700] =	vst v63  }
0x18: {  	s20 =	simm.s32 @p0 $0x2  }
0x19: {  	_ =	swait.ge @p0 [sflag:s20], $0x1000  }
0x1a: {  	p1 =	seq.s32 @p0 s17, $0x0;
	[sflag:s20] =	ssyncset.done @p0 $0x0  }
0x1b: {  	p1 =	por !p0, !p1;
	[sflag:s20] =	ssyncadd.s32 @p0 $0xFFFFF000  }
0x1c: {  	_ =	swait.ge @p1 [sflag:s13], $0x1000  }
0x1d: {  	[sflag:s13] =	ssyncset.done @p1 $0x0  }
0x1e: {  	[sflag:s13] =	ssyncadd.s32 @p1 $0xFFFFF000  }
0x1f: {  	v0 =	vld [tilespmem:$0x18700];
	_ =	sdelay $0x5  }
0x20: {  	v1 =	vld [tilespmem:$0x18710];
	_ =	sdelay $0x1  }
0x21: {  	v0 =	vld.idx.msk [tilespmem:v0+s4+$0x0], $0xffff;
	_ =	sdelay $0x3  }
0x22: {  	v2 =	vld [tilespmem:$0x18720]  }
0x23: {  	[tilespmem:$0x19700] =	vst v0  }
0x24: {  	v0 =	vld.idx.msk [tilespmem:v1+s4+$0x0], $0xffff;
	_ =	sdelay $0x3  }
0x25: {  	v52 =	vld [tilespmem:$0x18730]  }
0x26: {  	[tilespmem:$0x19710] =	vst v0  }
0x27: {  	v0 =	vld.idx.msk [tilespmem:v2+s4+$0x0], $0xffff;
	_ =	sdelay $0x3  }
0x28: {  	v53 =	vld [tilespmem:$0x18740]  }
0x29: {  	[tilespmem:$0x19720] =	vst v0  }
0x2a: {  	v0 =	vld.idx.msk [tilespmem:v52+s4+$0x0], $0xffff;
	_ =	sdelay $0x3  }
0x2b: {  	v54 =	vld [tilespmem:$0x18750]  }
0x2c: {  	[tilespmem:$0x19730] =	vst v0  }
0x2d: {  	v0 =	vld.idx.msk [tilespmem:v53+s4+$0x0], $0xffff;
	_ =	sdelay $0x3  }
0x2e: {  	v55 =	vld [tilespmem:$0x18760]  }
0x2f: {  	[tilespmem:$0x19740] =	vst v0  }
0x30: {  	v0 =	vld.idx.msk [tilespmem:v54+s4+$0x0], $0xffff;
	_ =	sdelay $0x3  }
0x31: {  	v56 =	vld [tilespmem:$0x18770]  }
0x32: {  	[tilespmem:$0x19750] =	vst v0  }
0x33: {  	v0 =	vld.idx.msk [tilespmem:v55+s4+$0x0], $0xffff;
	_ =	sdelay $0x3  }
0x34: {  	v57 =	vld [tilespmem:$0x18780]  }
0x35: {  	[tilespmem:$0x19760] =	vst v0  }
0x36: {  	v0 =	vld.idx.msk [tilespmem:v56+s4+$0x0], $0xffff;
	_ =	sdelay $0x3  }
0x37: {  	v58 =	vld [tilespmem:$0x18790]  }
0x38: {  	[tilespmem:$0x19770] =	vst v0  }
0x39: {  	v0 =	vld.idx.msk [tilespmem:v57+s4+$0x0], $0xffff;
	_ =	sdelay $0x3  }
0x3a: {  	v59 =	vld [tilespmem:$0x187A0]  }
0x3b: {  	[tilespmem:$0x19780] =	vst v0  }
0x3c: {  	v0 =	vld.idx.msk [tilespmem:v58+s4+$0x0], $0xffff;
	_ =	sdelay $0x3  }
0x3d: {  	v60 =	vld [tilespmem:$0x187B0]  }
0x3e: {  	[tilespmem:$0x19790] =	vst v0  }
0x3f: {  	v0 =	vld.idx.msk [tilespmem:v59+s4+$0x0], $0xffff;
	_ =	sdelay $0x3  }
0x40: {  	v61 =	vld [tilespmem:$0x187C0]  }
0x41: {  	[tilespmem:$0x197A0] =	vst v0  }
0x42: {  	v0 =	vld.idx.msk [tilespmem:v60+s4+$0x0], $0xffff;
	_ =	sdelay $0x3  }
0x43: {  	v62 =	vld [tilespmem:$0x187D0]  }
0x44: {  	[tilespmem:$0x197B0] =	vst v0  }
0x45: {  	v0 =	vld.idx.msk [tilespmem:v61+s4+$0x0], $0xffff;
	_ =	sdelay $0x3  }
0x46: {  	v63 =	vld [tilespmem:$0x187E0]  }
0x47: {  	[tilespmem:$0x197C0] =	vst v0  }
0x48: {  	v0 =	vld.idx.msk [tilespmem:v62+s4+$0x0], $0xffff;
	_ =	sdelay $0x3  }
0x49: {  	v4 =	vld [tilespmem:$0x187F0]  }
0x4a: {  	[tilespmem:$0x197D0] =	vst v0  }
0x4b: {  	v0 =	vld.idx.msk [tilespmem:v63+s4+$0x0], $0xffff;
	_ =	sdelay $0x3  }
0x4c: {  	v5 =	vld [tilespmem:$0x18800]  }
0x4d: {  	[tilespmem:$0x197E0] =	vst v0  }
0x4e: {  	v0 =	vld.idx.msk [tilespmem:v4+s4+$0x0], $0xffff;
	_ =	sdelay $0x3  }
0x4f: {  	v6 =	vld [tilespmem:$0x18810]  }
0x50: {  	[tilespmem:$0x197F0] =	vst v0  }
0x51: {  	v0 =	vld.idx.msk [tilespmem:v5+s4+$0x0], $0xffff;
	_ =	sdelay $0x3  }
0x52: {  	v7 =	vld [tilespmem:$0x18820]  }
0x53: {  	[tilespmem:$0x19800] =	vst v0  }
0x54: {  	v0 =	vld.idx.msk [tilespmem:v6+s4+$0x0], $0xffff;
	_ =	sdelay $0x3  }
0x55: {  	v8 =	vld [tilespmem:$0x18830]  }
0x56: {  	[tilespmem:$0x19810] =	vst v0  }
0x57: {  	v0 =	vld.idx.msk [tilespmem:v7+s4+$0x0], $0xffff;
	_ =	sdelay $0x3  }
0x58: {  	v9 =	vld [tilespmem:$0x18840]  }
0x59: {  	[tilespmem:$0x19820] =	vst v0  }
0x5a: {  	v0 =	vld.idx.msk [tilespmem:v8+s4+$0x0], $0xffff;
	_ =	sdelay $0x3  }
0x5b: {  	v10 =	vld [tilespmem:$0x18850]  }
0x5c: {  	[tilespmem:$0x19830] =	vst v0  }
0x5d: {  	v0 =	vld.idx.msk [tilespmem:v9+s4+$0x0], $0xffff;
	_ =	sdelay $0x3  }
0x5e: {  	v11 =	vld [tilespmem:$0x18860]  }
0x5f: {  	[tilespmem:$0x19840] =	vst v0  }
0x60: {  	v0 =	vld.idx.msk [tilespmem:v10+s4+$0x0], $0xffff;
	_ =	sdelay $0x3  }
0x61: {  	v12 =	vld [tilespmem:$0x18870]  }
0x62: {  	[tilespmem:$0x19850] =	vst v0  }
0x63: {  	v0 =	vld.idx.msk [tilespmem:v11+s4+$0x0], $0xffff;
	_ =	sdelay $0x3  }
0x64: {  	v13 =	vld [tilespmem:$0x18880]  }
0x65: {  	[tilespmem:$0x19860] =	vst v0  }
0x66: {  	v0 =	vld.idx.msk [tilespmem:v12+s4+$0x0], $0xffff;
	_ =	sdelay $0x3  }
0x67: {  	v14 =	vld [tilespmem:$0x18890]  }
0x68: {  	[tilespmem:$0x19870] =	vst v0  }
0x69: {  	v0 =	vld.idx.msk [tilespmem:v13+s4+$0x0], $0xffff;
	_ =	sdelay $0x3  }
0x6a: {  	v15 =	vld [tilespmem:$0x188A0]  }
0x6b: {  	[tilespmem:$0x19880] =	vst v0  }
0x6c: {  	v0 =	vld.idx.msk [tilespmem:v14+s4+$0x0], $0xffff;
	_ =	sdelay $0x3  }
0x6d: {  	v16 =	vld [tilespmem:$0x188B0]  }
0x6e: {  	[tilespmem:$0x19890] =	vst v0  }
0x6f: {  	v0 =	vld.idx.msk [tilespmem:v15+s4+$0x0], $0xffff;
	_ =	sdelay $0x3  }
0x70: {  	v17 =	vld [tilespmem:$0x188C0]  }
0x71: {  	[tilespmem:$0x198A0] =	vst v0  }
0x72: {  	v0 =	vld.idx.msk [tilespmem:v16+s4+$0x0], $0xffff;
	_ =	sdelay $0x3  }
0x73: {  	v18 =	vld [tilespmem:$0x188D0]  }
0x74: {  	[tilespmem:$0x198B0] =	vst v0  }
0x75: {  	v0 =	vld.idx.msk [tilespmem:v17+s4+$0x0], $0xffff;
	_ =	sdelay $0x3  }
0x76: {  	v19 =	vld [tilespmem:$0x188E0]  }
0x77: {  	[tilespmem:$0x198C0] =	vst v0  }
0x78: {  	v0 =	vld.idx.msk [tilespmem:v18+s4+$0x0], $0xffff;
	_ =	sdelay $0x3  }
0x79: {  	v20 =	vld [tilespmem:$0x188F0]  }
0x7a: {  	[tilespmem:$0x198D0] =	vst v0  }
0x7b: {  	v0 =	vld.idx.msk [tilespmem:v19+s4+$0x0], $0xffff;
	_ =	sdelay $0x3  }
0x7c: {  	v21 =	vld [tilespmem:$0x18900]  }
0x7d: {  	[tilespmem:$0x198E0] =	vst v0  }
0x7e: {  	v0 =	vld.idx.msk [tilespmem:v20+s4+$0x0], $0xffff;
	_ =	sdelay $0x3  }
0x7f: {  	v22 =	vld [tilespmem:$0x18910]  }
0x80: {  	[tilespmem:$0x198F0] =	vst v0  }
0x81: {  	v0 =	vld.idx.msk [tilespmem:v21+s4+$0x0], $0xffff;
	_ =	sdelay $0x3  }
0x82: {  	v23 =	vld [tilespmem:$0x18920]  }
0x83: {  	[tilespmem:$0x19900] =	vst v0  }
0x84: {  	v0 =	vld.idx.msk [tilespmem:v22+s4+$0x0], $0xffff;
	_ =	sdelay $0x3  }
0x85: {  	v24 =	vld [tilespmem:$0x18930]  }
0x86: {  	[tilespmem:$0x19910] =	vst v0  }
0x87: {  	v0 =	vld.idx.msk [tilespmem:v23+s4+$0x0], $0xffff;
	_ =	sdelay $0x3  }
0x88: {  	v25 =	vld [tilespmem:$0x18940]  }
0x89: {  	[tilespmem:$0x19920] =	vst v0  }
0x8a: {  	v0 =	vld.idx.msk [tilespmem:v24+s4+$0x0], $0xffff;
	_ =	sdelay $0x3  }
0x8b: {  	v26 =	vld [tilespmem:$0x18950]  }
0x8c: {  	[tilespmem:$0x19930] =	vst v0  }
0x8d: {  	v0 =	vld.idx.msk [tilespmem:v25+s4+$0x0], $0xffff;
	_ =	sdelay $0x3  }
0x8e: {  	v27 =	vld [tilespmem:$0x18960]  }
0x8f: {  	[tilespmem:$0x19940] =	vst v0  }
0x90: {  	v0 =	vld.idx.msk [tilespmem:v26+s4+$0x0], $0xffff;
	_ =	sdelay $0x3  }
0x91: {  	v28 =	vld [tilespmem:$0x18970]  }
0x92: {  	[tilespmem:$0x19950] =	vst v0  }
0x93: {  	v0 =	vld.idx.msk [tilespmem:v27+s4+$0x0], $0xffff;
	_ =	sdelay $0x3  }
0x94: {  	v29 =	vld [tilespmem:$0x18980]  }
0x95: {  	[tilespmem:$0x19960] =	vst v0  }
0x96: {  	v0 =	vld.idx.msk [tilespmem:v28+s4+$0x0], $0xffff;
	_ =	sdelay $0x3  }
0x97: {  	v30 =	vld [tilespmem:$0x18990]  }
0x98: {  	[tilespmem:$0x19970] =	vst v0  }
0x99: {  	v0 =	vld.idx.msk [tilespmem:v29+s4+$0x0], $0xffff;
	_ =	sdelay $0x3  }
0x9a: {  	v31 =	vld [tilespmem:$0x189A0]  }
0x9b: {  	[tilespmem:$0x19980] =	vst v0  }
0x9c: {  	v0 =	vld.idx.msk [tilespmem:v30+s4+$0x0], $0xffff;
	_ =	sdelay $0x3  }
0x9d: {  	v32 =	vld [tilespmem:$0x189B0]  }
0x9e: {  	[tilespmem:$0x19990] =	vst v0  }
0x9f: {  	v0 =	vld.idx.msk [tilespmem:v31+s4+$0x0], $0xffff;
	_ =	sdelay $0x3  }
0xa0: {  	v33 =	vld [tilespmem:$0x189C0]  }
0xa1: {  	[tilespmem:$0x199A0] =	vst v0  }
0xa2: {  	v0 =	vld.idx.msk [tilespmem:v32+s4+$0x0], $0xffff;
	_ =	sdelay $0x3  }
0xa3: {  	v34 =	vld [tilespmem:$0x189D0]  }
0xa4: {  	[tilespmem:$0x199B0] =	vst v0  }
0xa5: {  	v0 =	vld.idx.msk [tilespmem:v33+s4+$0x0], $0xffff;
	_ =	sdelay $0x3  }
0xa6: {  	v35 =	vld [tilespmem:$0x189E0]  }
0xa7: {  	[tilespmem:$0x199C0] =	vst v0  }
0xa8: {  	v0 =	vld.idx.msk [tilespmem:v34+s4+$0x0], $0xffff;
	_ =	sdelay $0x3  }
0xa9: {  	v36 =	vld [tilespmem:$0x189F0]  }
0xaa: {  	[tilespmem:$0x199D0] =	vst v0  }
0xab: {  	v0 =	vld.idx.msk [tilespmem:v35+s4+$0x0], $0xffff;
	_ =	sdelay $0x3  }
0xac: {  	v37 =	vld [tilespmem:$0x18A00]  }
0xad: {  	[tilespmem:$0x199E0] =	vst v0  }
0xae: {  	v0 =	vld.idx.msk [tilespmem:v36+s4+$0x0], $0xffff;
	_ =	sdelay $0x3  }
0xaf: {  	v38 =	vld [tilespmem:$0x18A10]  }
0xb0: {  	[tilespmem:$0x199F0] =	vst v0  }
0xb1: {  	v0 =	vld.idx.msk [tilespmem:v37+s4+$0x0], $0xffff;
	_ =	sdelay $0x3  }
0xb2: {  	v39 =	vld [tilespmem:$0x18A20]  }
0xb3: {  	[tilespmem:$0x19A00] =	vst v0  }
0xb4: {  	v0 =	vld.idx.msk [tilespmem:v38+s4+$0x0], $0xffff;
	_ =	sdelay $0x3  }
0xb5: {  	v40 =	vld [tilespmem:$0x18A30]  }
0xb6: {  	[tilespmem:$0x19A10] =	vst v0  }
0xb7: {  	v0 =	vld.idx.msk [tilespmem:v39+s4+$0x0], $0xffff;
	_ =	sdelay $0x3  }
0xb8: {  	v41 =	vld [tilespmem:$0x18A40]  }
0xb9: {  	[tilespmem:$0x19A20] =	vst v0  }
0xba: {  	v0 =	vld.idx.msk [tilespmem:v40+s4+$0x0], $0xffff;
	_ =	sdelay $0x3  }
0xbb: {  	v42 =	vld [tilespmem:$0x18A50]  }
0xbc: {  	[tilespmem:$0x19A30] =	vst v0  }
0xbd: {  	v0 =	vld.idx.msk [tilespmem:v41+s4+$0x0], $0xffff;
	_ =	sdelay $0x3  }
0xbe: {  	v43 =	vld [tilespmem:$0x18A60]  }
0xbf: {  	[tilespmem:$0x19A40] =	vst v0  }
0xc0: {  	v0 =	vld.idx.msk [tilespmem:v42+s4+$0x0], $0xffff;
	_ =	sdelay $0x3  }
0xc1: {  	v44 =	vld [tilespmem:$0x18A70]  }
0xc2: {  	[tilespmem:$0x19A50] =	vst v0  }
0xc3: {  	v0 =	vld.idx.msk [tilespmem:v43+s4+$0x0], $0xffff;
	_ =	sdelay $0x3  }
0xc4: {  	v45 =	vld [tilespmem:$0x18A80]  }
0xc5: {  	[tilespmem:$0x19A60] =	vst v0  }
0xc6: {  	v0 =	vld.idx.msk [tilespmem:v44+s4+$0x0], $0xffff;
	_ =	sdelay $0x3  }
0xc7: {  	v46 =	vld [tilespmem:$0x18A90]  }
0xc8: {  	[tilespmem:$0x19A70] =	vst v0  }
0xc9: {  	v0 =	vld.idx.msk [tilespmem:v45+s4+$0x0], $0xffff;
	_ =	sdelay $0x3  }
0xca: {  	v47 =	vld [tilespmem:$0x18AA0]  }
0xcb: {  	[tilespmem:$0x19A80] =	vst v0  }
0xcc: {  	v0 =	vld.idx.msk [tilespmem:v46+s4+$0x0], $0xffff;
	_ =	sdelay $0x3  }
0xcd: {  	v48 =	vld [tilespmem:$0x18AB0]  }
0xce: {  	[tilespmem:$0x19A90] =	vst v0  }
0xcf: {  	v0 =	vld.idx.msk [tilespmem:v47+s4+$0x0], $0xffff;
	_ =	sdelay $0x3  }
0xd0: {  	v49 =	vld [tilespmem:$0x18AC0]  }
0xd1: {  	[tilespmem:$0x19AA0] =	vst v0  }
0xd2: {  	v0 =	vld.idx.msk [tilespmem:v48+s4+$0x0], $0xffff;
	_ =	sdelay $0x3  }
0xd3: {  	v50 =	vld [tilespmem:$0x18AD0]  }
0xd4: {  	[tilespmem:$0x19AB0] =	vst v0  }
0xd5: {  	v0 =	vld.idx.msk [tilespmem:v49+s4+$0x0], $0xffff;
	_ =	sdelay $0x3  }
0xd6: {  	v51 =	vld [tilespmem:$0x18AE0]  }
0xd7: {  	[tilespmem:$0x19AC0] =	vst v0  }
0xd8: {  	v0 =	vld.idx.msk [tilespmem:v50+s4+$0x0], $0xffff;
	_ =	sdelay $0x3  }
0xd9: {  	v52 =	vld [tilespmem:$0x18AF0]  }
0xda: {  	[tilespmem:$0x19AD0] =	vst v0  }
0xdb: {  	v0 =	vld.idx.msk [tilespmem:v51+s4+$0x0], $0xffff;
	_ =	sdelay $0x3  }
0xdc: {  	v53 =	vld [tilespmem:$0x18B00]  }
0xdd: {  	[tilespmem:$0x19AE0] =	vst v0  }
0xde: {  	v0 =	vld.idx.msk [tilespmem:v52+s4+$0x0], $0xffff;
	_ =	sdelay $0x3  }
0xdf: {  	v54 =	vld [tilespmem:$0x18B10]  }
0xe0: {  	[tilespmem:$0x19AF0] =	vst v0  }
0xe1: {  	v0 =	vld.idx.msk [tilespmem:v53+s4+$0x0], $0xffff;
	_ =	sdelay $0x3  }
0xe2: {  	v55 =	vld [tilespmem:$0x18B20]  }
0xe3: {  	[tilespmem:$0x19B00] =	vst v0  }
0xe4: {  	v0 =	vld.idx.msk [tilespmem:v54+s4+$0x0], $0xffff;
	_ =	sdelay $0x3  }
0xe5: {  	v56 =	vld [tilespmem:$0x18B30]  }
0xe6: {  	[tilespmem:$0x19B10] =	vst v0  }
0xe7: {  	v0 =	vld.idx.msk [tilespmem:v55+s4+$0x0], $0xffff;
	_ =	sdelay $0x3  }
0xe8: {  	v57 =	vld [tilespmem:$0x18B40]  }
0xe9: {  	[tilespmem:$0x19B20] =	vst v0  }
0xea: {  	v0 =	vld.idx.msk [tilespmem:v56+s4+$0x0], $0xffff;
	_ =	sdelay $0x3  }
0xeb: {  	v58 =	vld [tilespmem:$0x18B50]  }
0xec: {  	[tilespmem:$0x19B30] =	vst v0  }
0xed: {  	v0 =	vld.idx.msk [tilespmem:v57+s4+$0x0], $0xffff;
	_ =	sdelay $0x3  }
0xee: {  	v59 =	vld [tilespmem:$0x18B60]  }
0xef: {  	[tilespmem:$0x19B40] =	vst v0  }
0xf0: {  	v0 =	vld.idx.msk [tilespmem:v58+s4+$0x0], $0xffff;
	_ =	sdelay $0x3  }
0xf1: {  	v60 =	vld [tilespmem:$0x18B70]  }
0xf2: {  	[tilespmem:$0x19B50] =	vst v0  }
0xf3: {  	v0 =	vld.idx.msk [tilespmem:v59+s4+$0x0], $0xffff;
	_ =	sdelay $0x3  }
0xf4: {  	v61 =	vld [tilespmem:$0x18B80]  }
0xf5: {  	[tilespmem:$0x19B60] =	vst v0  }
0xf6: {  	v0 =	vld.idx.msk [tilespmem:v60+s4+$0x0], $0xffff;
	_ =	sdelay $0x3  }
0xf7: {  	v62 =	vld [tilespmem:$0x18B90]  }
0xf8: {  	[tilespmem:$0x19B70] =	vst v0  }
0xf9: {  	v0 =	vld.idx.msk [tilespmem:v61+s4+$0x0], $0xffff;
	_ =	sdelay $0x3  }
0xfa: {  	v63 =	vld [tilespmem:$0x18BA0]  }
0xfb: {  	[tilespmem:$0x19B80] =	vst v0  }
0xfc: {  	v0 =	vld.idx.msk [tilespmem:v62+s4+$0x0], $0xffff;
	_ =	sdelay $0x3  }
0xfd: {  	v4 =	vld [tilespmem:$0x18BB0]  }
0xfe: {  	[tilespmem:$0x19B90] =	vst v0  }
0xff: {  	v0 =	vld.idx.msk [tilespmem:v63+s4+$0x0], $0xffff;
	_ =	sdelay $0x3  }
0x100: {  	v5 =	vld [tilespmem:$0x18BC0]  }
0x101: {  	[tilespmem:$0x19BA0] =	vst v0  }
0x102: {  	v0 =	vld.idx.msk [tilespmem:v4+s4+$0x0], $0xffff;
	_ =	sdelay $0x3  }
0x103: {  	v6 =	vld [tilespmem:$0x18BD0]  }
0x104: {  	[tilespmem:$0x19BB0] =	vst v0  }
0x105: {  	v0 =	vld.idx.msk [tilespmem:v5+s4+$0x0], $0xffff;
	_ =	sdelay $0x3  }
0x106: {  	v7 =	vld [tilespmem:$0x18BE0]  }
0x107: {  	[tilespmem:$0x19BC0] =	vst v0  }
0x108: {  	v0 =	vld.idx.msk [tilespmem:v6+s4+$0x0], $0xffff;
	_ =	sdelay $0x3  }
0x109: {  	v8 =	vld [tilespmem:$0x18BF0]  }
0x10a: {  	[tilespmem:$0x19BD0] =	vst v0  }
0x10b: {  	v0 =	vld.idx.msk [tilespmem:v7+s4+$0x0], $0xffff;
	_ =	sdelay $0x3  }
0x10c: {  	v9 =	vld [tilespmem:$0x18C00]  }
0x10d: {  	[tilespmem:$0x19BE0] =	vst v0  }
0x10e: {  	v0 =	vld.idx.msk [tilespmem:v8+s4+$0x0], $0xffff;
	_ =	sdelay $0x3  }
0x10f: {  	v10 =	vld [tilespmem:$0x18C10]  }
0x110: {  	[tilespmem:$0x19BF0] =	vst v0  }
0x111: {  	v0 =	vld.idx.msk [tilespmem:v9+s4+$0x0], $0xffff;
	_ =	sdelay $0x3  }
0x112: {  	v11 =	vld [tilespmem:$0x18C20]  }
0x113: {  	[tilespmem:$0x19C00] =	vst v0  }
0x114: {  	v0 =	vld.idx.msk [tilespmem:v10+s4+$0x0], $0xffff;
	_ =	sdelay $0x3  }
0x115: {  	v12 =	vld [tilespmem:$0x18C30]  }
0x116: {  	[tilespmem:$0x19C10] =	vst v0  }
0x117: {  	v0 =	vld.idx.msk [tilespmem:v11+s4+$0x0], $0xffff;
	_ =	sdelay $0x3  }
0x118: {  	v13 =	vld [tilespmem:$0x18C40]  }
0x119: {  	[tilespmem:$0x19C20] =	vst v0  }
0x11a: {  	v0 =	vld.idx.msk [tilespmem:v12+s4+$0x0], $0xffff;
	_ =	sdelay $0x3  }
0x11b: {  	v14 =	vld [tilespmem:$0x18C50]  }
0x11c: {  	[tilespmem:$0x19C30] =	vst v0  }
0x11d: {  	v0 =	vld.idx.msk [tilespmem:v13+s4+$0x0], $0xffff;
	_ =	sdelay $0x3  }
0x11e: {  	v15 =	vld [tilespmem:$0x18C60]  }
0x11f: {  	[tilespmem:$0x19C40] =	vst v0  }
0x120: {  	v0 =	vld.idx.msk [tilespmem:v14+s4+$0x0], $0xffff;
	_ =	sdelay $0x3  }
0x121: {  	v16 =	vld [tilespmem:$0x18C70]  }
0x122: {  	[tilespmem:$0x19C50] =	vst v0  }
0x123: {  	v0 =	vld.idx.msk [tilespmem:v15+s4+$0x0], $0xffff;
	_ =	sdelay $0x3  }
0x124: {  	v17 =	vld [tilespmem:$0x18C80]  }
0x125: {  	[tilespmem:$0x19C60] =	vst v0  }
0x126: {  	v0 =	vld.idx.msk [tilespmem:v16+s4+$0x0], $0xffff;
	_ =	sdelay $0x3  }
0x127: {  	v18 =	vld [tilespmem:$0x18C90]  }
0x128: {  	[tilespmem:$0x19C70] =	vst v0  }
0x129: {  	v0 =	vld.idx.msk [tilespmem:v17+s4+$0x0], $0xffff;
	_ =	sdelay $0x4  }
0x12a: {  	[tilespmem:$0x19C80] =	vst v0  }
0x12b: {  	v0 =	vld.idx.msk [tilespmem:v18+s4+$0x0], $0xffff;
	_ =	sdelay $0x4  }
0x12c: {  	[tilespmem:$0x19C90] =	vst v0  }
0x12d: {  	v0 =	vld [tilespmem:$0x18CA0];
	_ =	sdelay $0x5  }
0x12e: {  	v19 =	vld [tilespmem:$0x18CB0];
	_ =	sdelay $0x1  }
0x12f: {  	v0 =	vld.idx.msk [tilespmem:v0+s4+$0x0], $0xffff;
	_ =	sdelay $0x3  }
0x130: {  	v20 =	vld [tilespmem:$0x18CC0]  }
0x131: {  	[tilespmem:$0x19CA0] =	vst v0  }
0x132: {  	v0 =	vld.idx.msk [tilespmem:v19+s4+$0x0], $0xffff;
	_ =	sdelay $0x3  }
0x133: {  	v21 =	vld [tilespmem:$0x18CD0]  }
0x134: {  	[tilespmem:$0x19CB0] =	vst v0  }
0x135: {  	v0 =	vld.idx.msk [tilespmem:v20+s4+$0x0], $0xffff;
	_ =	sdelay $0x3  }
0x136: {  	v22 =	vld [tilespmem:$0x18CE0]  }
0x137: {  	[tilespmem:$0x19CC0] =	vst v0  }
0x138: {  	v0 =	vld.idx.msk [tilespmem:v21+s4+$0x0], $0xffff;
	_ =	sdelay $0x3  }
0x139: {  	v23 =	vld [tilespmem:$0x18CF0]  }
0x13a: {  	[tilespmem:$0x19CD0] =	vst v0  }
0x13b: {  	v0 =	vld.idx.msk [tilespmem:v22+s4+$0x0], $0xffff;
	_ =	sdelay $0x3  }
0x13c: {  	v24 =	vld [tilespmem:$0x18D00]  }
0x13d: {  	[tilespmem:$0x19CE0] =	vst v0  }
0x13e: {  	v0 =	vld.idx.msk [tilespmem:v23+s4+$0x0], $0xffff;
	_ =	sdelay $0x3  }
0x13f: {  	v25 =	vld [tilespmem:$0x18D10]  }
0x140: {  	[tilespmem:$0x19CF0] =	vst v0  }
0x141: {  	v0 =	vld.idx.msk [tilespmem:v24+s4+$0x0], $0xffff;
	_ =	sdelay $0x3  }
0x142: {  	v26 =	vld [tilespmem:$0x18D20]  }
0x143: {  	[tilespmem:$0x19D00] =	vst v0  }
0x144: {  	v0 =	vld.idx.msk [tilespmem:v25+s4+$0x0], $0xffff;
	_ =	sdelay $0x3  }
0x145: {  	v27 =	vld [tilespmem:$0x18D30]  }
0x146: {  	[tilespmem:$0x19D10] =	vst v0  }
0x147: {  	v0 =	vld.idx.msk [tilespmem:v26+s4+$0x0], $0xffff;
	_ =	sdelay $0x3  }
0x148: {  	v28 =	vld [tilespmem:$0x18D40]  }
0x149: {  	[tilespmem:$0x19D20] =	vst v0  }
0x14a: {  	v0 =	vld.idx.msk [tilespmem:v27+s4+$0x0], $0xffff;
	_ =	sdelay $0x3  }
0x14b: {  	v29 =	vld [tilespmem:$0x18D50]  }
0x14c: {  	[tilespmem:$0x19D30] =	vst v0  }
0x14d: {  	v0 =	vld.idx.msk [tilespmem:v28+s4+$0x0], $0xffff;
	_ =	sdelay $0x3  }
0x14e: {  	v30 =	vld [tilespmem:$0x18D60]  }
0x14f: {  	[tilespmem:$0x19D40] =	vst v0  }
0x150: {  	v0 =	vld.idx.msk [tilespmem:v29+s4+$0x0], $0xffff;
	_ =	sdelay $0x3  }
0x151: {  	v31 =	vld [tilespmem:$0x18D70]  }
0x152: {  	[tilespmem:$0x19D50] =	vst v0  }
0x153: {  	v0 =	vld.idx.msk [tilespmem:v30+s4+$0x0], $0xffff;
	_ =	sdelay $0x3  }
0x154: {  	v32 =	vld [tilespmem:$0x18D80]  }
0x155: {  	[tilespmem:$0x19D60] =	vst v0  }
0x156: {  	v0 =	vld.idx.msk [tilespmem:v31+s4+$0x0], $0xffff;
	_ =	sdelay $0x3  }
0x157: {  	v33 =	vld [tilespmem:$0x18D90]  }
0x158: {  	[tilespmem:$0x19D70] =	vst v0  }
0x159: {  	v0 =	vld.idx.msk [tilespmem:v32+s4+$0x0], $0xffff;
	_ =	sdelay $0x3  }
0x15a: {  	v34 =	vld [tilespmem:$0x18DA0]  }
0x15b: {  	[tilespmem:$0x19D80] =	vst v0  }
0x15c: {  	v0 =	vld.idx.msk [tilespmem:v33+s4+$0x0], $0xffff;
	_ =	sdelay $0x3  }
0x15d: {  	v35 =	vld [tilespmem:$0x18DB0]  }
0x15e: {  	[tilespmem:$0x19D90] =	vst v0  }
0x15f: {  	v0 =	vld.idx.msk [tilespmem:v34+s4+$0x0], $0xffff;
	_ =	sdelay $0x3  }
0x160: {  	v36 =	vld [tilespmem:$0x18DC0]  }
0x161: {  	[tilespmem:$0x19DA0] =	vst v0  }
0x162: {  	v0 =	vld.idx.msk [tilespmem:v35+s4+$0x0], $0xffff;
	_ =	sdelay $0x3  }
0x163: {  	v37 =	vld [tilespmem:$0x18DD0]  }
0x164: {  	[tilespmem:$0x19DB0] =	vst v0  }
0x165: {  	v0 =	vld.idx.msk [tilespmem:v36+s4+$0x0], $0xffff;
	_ =	sdelay $0x3  }
0x166: {  	v38 =	vld [tilespmem:$0x18DE0]  }
0x167: {  	[tilespmem:$0x19DC0] =	vst v0  }
0x168: {  	v0 =	vld.idx.msk [tilespmem:v37+s4+$0x0], $0xffff;
	_ =	sdelay $0x3  }
0x169: {  	v39 =	vld [tilespmem:$0x18DF0]  }
0x16a: {  	[tilespmem:$0x19DD0] =	vst v0  }
0x16b: {  	v0 =	vld.idx.msk [tilespmem:v38+s4+$0x0], $0xffff;
	_ =	sdelay $0x3  }
0x16c: {  	v40 =	vld [tilespmem:$0x18E00]  }
0x16d: {  	[tilespmem:$0x19DE0] =	vst v0  }
0x16e: {  	v0 =	vld.idx.msk [tilespmem:v39+s4+$0x0], $0xffff;
	_ =	sdelay $0x3  }
0x16f: {  	v41 =	vld [tilespmem:$0x18E10]  }
0x170: {  	[tilespmem:$0x19DF0] =	vst v0  }
0x171: {  	v0 =	vld.idx.msk [tilespmem:v40+s4+$0x0], $0xffff;
	_ =	sdelay $0x3  }
0x172: {  	v42 =	vld [tilespmem:$0x18E20]  }
0x173: {  	[tilespmem:$0x19E00] =	vst v0  }
0x174: {  	v0 =	vld.idx.msk [tilespmem:v41+s4+$0x0], $0xffff;
	_ =	sdelay $0x3  }
0x175: {  	v43 =	vld [tilespmem:$0x18E30]  }
0x176: {  	[tilespmem:$0x19E10] =	vst v0  }
0x177: {  	v0 =	vld.idx.msk [tilespmem:v42+s4+$0x0], $0xffff;
	_ =	sdelay $0x3  }
0x178: {  	v44 =	vld [tilespmem:$0x18E40]  }
0x179: {  	[tilespmem:$0x19E20] =	vst v0  }
0x17a: {  	v0 =	vld.idx.msk [tilespmem:v43+s4+$0x0], $0xffff;
	_ =	sdelay $0x3  }
0x17b: {  	v45 =	vld [tilespmem:$0x18E50]  }
0x17c: {  	[tilespmem:$0x19E30] =	vst v0  }
0x17d: {  	v0 =	vld.idx.msk [tilespmem:v44+s4+$0x0], $0xffff;
	_ =	sdelay $0x3  }
0x17e: {  	v46 =	vld [tilespmem:$0x18E60]  }
0x17f: {  	[tilespmem:$0x19E40] =	vst v0  }
0x180: {  	v0 =	vld.idx.msk [tilespmem:v45+s4+$0x0], $0xffff;
	_ =	sdelay $0x3  }
0x181: {  	v47 =	vld [tilespmem:$0x18E70]  }
0x182: {  	[tilespmem:$0x19E50] =	vst v0  }
0x183: {  	v0 =	vld.idx.msk [tilespmem:v46+s4+$0x0], $0xffff;
	_ =	sdelay $0x3  }
0x184: {  	v48 =	vld [tilespmem:$0x18E80]  }
0x185: {  	[tilespmem:$0x19E60] =	vst v0  }
0x186: {  	v0 =	vld.idx.msk [tilespmem:v47+s4+$0x0], $0xffff;
	_ =	sdelay $0x3  }
0x187: {  	v49 =	vld [tilespmem:$0x18E90]  }
0x188: {  	[tilespmem:$0x19E70] =	vst v0  }
0x189: {  	v0 =	vld.idx.msk [tilespmem:v48+s4+$0x0], $0xffff;
	_ =	sdelay $0x3  }
0x18a: {  	v50 =	vld [tilespmem:$0x18EA0]  }
0x18b: {  	[tilespmem:$0x19E80] =	vst v0  }
0x18c: {  	v0 =	vld.idx.msk [tilespmem:v49+s4+$0x0], $0xffff;
	_ =	sdelay $0x3  }
0x18d: {  	v51 =	vld [tilespmem:$0x18EB0]  }
0x18e: {  	[tilespmem:$0x19E90] =	vst v0  }
0x18f: {  	v0 =	vld.idx.msk [tilespmem:v50+s4+$0x0], $0xffff;
	_ =	sdelay $0x3  }
0x190: {  	v52 =	vld [tilespmem:$0x18EC0]  }
0x191: {  	[tilespmem:$0x19EA0] =	vst v0  }
0x192: {  	v0 =	vld.idx.msk [tilespmem:v51+s4+$0x0], $0xffff;
	_ =	sdelay $0x3  }
0x193: {  	v53 =	vld [tilespmem:$0x18ED0]  }
0x194: {  	[tilespmem:$0x19EB0] =	vst v0  }
0x195: {  	v0 =	vld.idx.msk [tilespmem:v52+s4+$0x0], $0xffff;
	_ =	sdelay $0x3  }
0x196: {  	v54 =	vld [tilespmem:$0x18EE0]  }
0x197: {  	[tilespmem:$0x19EC0] =	vst v0  }
0x198: {  	v0 =	vld.idx.msk [tilespmem:v53+s4+$0x0], $0xffff;
	_ =	sdelay $0x3  }
0x199: {  	v55 =	vld [tilespmem:$0x18EF0]  }
0x19a: {  	[tilespmem:$0x19ED0] =	vst v0  }
0x19b: {  	v0 =	vld.idx.msk [tilespmem:v54+s4+$0x0], $0xffff;
	_ =	sdelay $0x3  }
0x19c: {  	v56 =	vld [tilespmem:$0x18F00]  }
0x19d: {  	[tilespmem:$0x19EE0] =	vst v0  }
0x19e: {  	v0 =	vld.idx.msk [tilespmem:v55+s4+$0x0], $0xffff;
	_ =	sdelay $0x3  }
0x19f: {  	v57 =	vld [tilespmem:$0x18F10]  }
0x1a0: {  	[tilespmem:$0x19EF0] =	vst v0  }
0x1a1: {  	v0 =	vld.idx.msk [tilespmem:v56+s4+$0x0], $0xffff;
	_ =	sdelay $0x3  }
0x1a2: {  	v58 =	vld [tilespmem:$0x18F20]  }
0x1a3: {  	[tilespmem:$0x19F00] =	vst v0  }
0x1a4: {  	v0 =	vld.idx.msk [tilespmem:v57+s4+$0x0], $0xffff;
	_ =	sdelay $0x3  }
0x1a5: {  	v59 =	vld [tilespmem:$0x18F30]  }
0x1a6: {  	[tilespmem:$0x19F10] =	vst v0  }
0x1a7: {  	v0 =	vld.idx.msk [tilespmem:v58+s4+$0x0], $0xffff;
	_ =	sdelay $0x3  }
0x1a8: {  	v60 =	vld [tilespmem:$0x18F40]  }
0x1a9: {  	[tilespmem:$0x19F20] =	vst v0  }
0x1aa: {  	v0 =	vld.idx.msk [tilespmem:v59+s4+$0x0], $0xffff;
	_ =	sdelay $0x3  }
0x1ab: {  	v61 =	vld [tilespmem:$0x18F50]  }
0x1ac: {  	[tilespmem:$0x19F30] =	vst v0  }
0x1ad: {  	v0 =	vld.idx.msk [tilespmem:v60+s4+$0x0], $0xffff;
	_ =	sdelay $0x3  }
0x1ae: {  	v62 =	vld [tilespmem:$0x18F60]  }
0x1af: {  	[tilespmem:$0x19F40] =	vst v0  }
0x1b0: {  	v0 =	vld.idx.msk [tilespmem:v61+s4+$0x0], $0xffff;
	_ =	sdelay $0x3  }
0x1b1: {  	v63 =	vld [tilespmem:$0x18F70]  }
0x1b2: {  	[tilespmem:$0x19F50] =	vst v0  }
0x1b3: {  	v0 =	vld.idx.msk [tilespmem:v62+s4+$0x0], $0xffff;
	_ =	sdelay $0x3  }
0x1b4: {  	v4 =	vld [tilespmem:$0x18F80]  }
0x1b5: {  	[tilespmem:$0x19F60] =	vst v0  }
0x1b6: {  	v0 =	vld.idx.msk [tilespmem:v63+s4+$0x0], $0xffff;
	_ =	sdelay $0x3  }
0x1b7: {  	v5 =	vld [tilespmem:$0x18F90]  }
0x1b8: {  	[tilespmem:$0x19F70] =	vst v0  }
0x1b9: {  	v0 =	vld.idx.msk [tilespmem:v4+s4+$0x0], $0xffff;
	_ =	sdelay $0x3  }
0x1ba: {  	v6 =	vld [tilespmem:$0x18FA0]  }
0x1bb: {  	[tilespmem:$0x19F80] =	vst v0  }
0x1bc: {  	v0 =	vld.idx.msk [tilespmem:v5+s4+$0x0], $0xffff;
	_ =	sdelay $0x3  }
0x1bd: {  	v7 =	vld [tilespmem:$0x18FB0]  }
0x1be: {  	[tilespmem:$0x19F90] =	vst v0  }
0x1bf: {  	v0 =	vld.idx.msk [tilespmem:v6+s4+$0x0], $0xffff;
	_ =	sdelay $0x3  }
0x1c0: {  	v8 =	vld [tilespmem:$0x18FC0]  }
0x1c1: {  	[tilespmem:$0x19FA0] =	vst v0  }
0x1c2: {  	v0 =	vld.idx.msk [tilespmem:v7+s4+$0x0], $0xffff;
	_ =	sdelay $0x3  }
0x1c3: {  	v9 =	vld [tilespmem:$0x18FD0]  }
0x1c4: {  	[tilespmem:$0x19FB0] =	vst v0  }
0x1c5: {  	v0 =	vld.idx.msk [tilespmem:v8+s4+$0x0], $0xffff;
	_ =	sdelay $0x3  }
0x1c6: {  	v10 =	vld [tilespmem:$0x18FE0]  }
0x1c7: {  	[tilespmem:$0x19FC0] =	vst v0  }
0x1c8: {  	v0 =	vld.idx.msk [tilespmem:v9+s4+$0x0], $0xffff;
	_ =	sdelay $0x3  }
0x1c9: {  	v11 =	vld [tilespmem:$0x18FF0]  }
0x1ca: {  	[tilespmem:$0x19FD0] =	vst v0  }
0x1cb: {  	v0 =	vld.idx.msk [tilespmem:v10+s4+$0x0], $0xffff;
	_ =	sdelay $0x3  }
0x1cc: {  	v12 =	vld [tilespmem:$0x19000]  }
0x1cd: {  	[tilespmem:$0x19FE0] =	vst v0  }
0x1ce: {  	v0 =	vld.idx.msk [tilespmem:v11+s4+$0x0], $0xffff;
	_ =	sdelay $0x3  }
0x1cf: {  	v13 =	vld [tilespmem:$0x19010]  }
0x1d0: {  	[tilespmem:$0x19FF0] =	vst v0  }
0x1d1: {  	v0 =	vld.idx.msk [tilespmem:v12+s4+$0x0], $0xffff;
	_ =	sdelay $0x3  }
0x1d2: {  	v14 =	vld [tilespmem:$0x19020]  }
0x1d3: {  	[tilespmem:$0x1A000] =	vst v0  }
0x1d4: {  	v0 =	vld.idx.msk [tilespmem:v13+s4+$0x0], $0xffff;
	_ =	sdelay $0x3  }
0x1d5: {  	v15 =	vld [tilespmem:$0x19030]  }
0x1d6: {  	[tilespmem:$0x1A010] =	vst v0  }
0x1d7: {  	v0 =	vld.idx.msk [tilespmem:v14+s4+$0x0], $0xffff;
	_ =	sdelay $0x3  }
0x1d8: {  	v16 =	vld [tilespmem:$0x19040]  }
0x1d9: {  	[tilespmem:$0x1A020] =	vst v0  }
0x1da: {  	v0 =	vld.idx.msk [tilespmem:v15+s4+$0x0], $0xffff;
	_ =	sdelay $0x3  }
0x1db: {  	v17 =	vld [tilespmem:$0x19050]  }
0x1dc: {  	[tilespmem:$0x1A030] =	vst v0  }
0x1dd: {  	v0 =	vld.idx.msk [tilespmem:v16+s4+$0x0], $0xffff;
	_ =	sdelay $0x3  }
0x1de: {  	v18 =	vld [tilespmem:$0x19060]  }
0x1df: {  	[tilespmem:$0x1A040] =	vst v0  }
0x1e0: {  	v0 =	vld.idx.msk [tilespmem:v17+s4+$0x0], $0xffff;
	_ =	sdelay $0x3  }
0x1e1: {  	v19 =	vld [tilespmem:$0x19070]  }
0x1e2: {  	[tilespmem:$0x1A050] =	vst v0  }
0x1e3: {  	v0 =	vld.idx.msk [tilespmem:v18+s4+$0x0], $0xffff;
	_ =	sdelay $0x3  }
0x1e4: {  	v20 =	vld [tilespmem:$0x19080]  }
0x1e5: {  	[tilespmem:$0x1A060] =	vst v0  }
0x1e6: {  	v0 =	vld.idx.msk [tilespmem:v19+s4+$0x0], $0xffff;
	_ =	sdelay $0x3  }
0x1e7: {  	v21 =	vld [tilespmem:$0x19090]  }
0x1e8: {  	[tilespmem:$0x1A070] =	vst v0  }
0x1e9: {  	v0 =	vld.idx.msk [tilespmem:v20+s4+$0x0], $0xffff;
	_ =	sdelay $0x3  }
0x1ea: {  	v22 =	vld [tilespmem:$0x190A0]  }
0x1eb: {  	[tilespmem:$0x1A080] =	vst v0  }
0x1ec: {  	v0 =	vld.idx.msk [tilespmem:v21+s4+$0x0], $0xffff;
	_ =	sdelay $0x3  }
0x1ed: {  	v23 =	vld [tilespmem:$0x190B0]  }
0x1ee: {  	[tilespmem:$0x1A090] =	vst v0  }
0x1ef: {  	v0 =	vld.idx.msk [tilespmem:v22+s4+$0x0], $0xffff;
	_ =	sdelay $0x3  }
0x1f0: {  	v24 =	vld [tilespmem:$0x190C0]  }
0x1f1: {  	[tilespmem:$0x1A0A0] =	vst v0  }
0x1f2: {  	v0 =	vld.idx.msk [tilespmem:v23+s4+$0x0], $0xffff;
	_ =	sdelay $0x3  }
0x1f3: {  	v25 =	vld [tilespmem:$0x190D0]  }
0x1f4: {  	[tilespmem:$0x1A0B0] =	vst v0  }
0x1f5: {  	v0 =	vld.idx.msk [tilespmem:v24+s4+$0x0], $0xffff;
	_ =	sdelay $0x3  }
0x1f6: {  	v26 =	vld [tilespmem:$0x190E0]  }
0x1f7: {  	[tilespmem:$0x1A0C0] =	vst v0  }
0x1f8: {  	v0 =	vld.idx.msk [tilespmem:v25+s4+$0x0], $0xffff;
	_ =	sdelay $0x3  }
0x1f9: {  	v27 =	vld [tilespmem:$0x190F0]  }
0x1fa: {  	[tilespmem:$0x1A0D0] =	vst v0  }
0x1fb: {  	v0 =	vld.idx.msk [tilespmem:v26+s4+$0x0], $0xffff;
	_ =	sdelay $0x3  }
0x1fc: {  	v28 =	vld [tilespmem:$0x19100]  }
0x1fd: {  	[tilespmem:$0x1A0E0] =	vst v0  }
0x1fe: {  	v0 =	vld.idx.msk [tilespmem:v27+s4+$0x0], $0xffff;
	_ =	sdelay $0x3  }
0x1ff: {  	v29 =	vld [tilespmem:$0x19110]  }
0x200: {  	[tilespmem:$0x1A0F0] =	vst v0  }
0x201: {  	v0 =	vld.idx.msk [tilespmem:v28+s4+$0x0], $0xffff;
	_ =	sdelay $0x3  }
0x202: {  	v30 =	vld [tilespmem:$0x19120]  }
0x203: {  	[tilespmem:$0x1A100] =	vst v0  }
0x204: {  	v0 =	vld.idx.msk [tilespmem:v29+s4+$0x0], $0xffff;
	_ =	sdelay $0x3  }
0x205: {  	v31 =	vld [tilespmem:$0x19130]  }
0x206: {  	[tilespmem:$0x1A110] =	vst v0  }
0x207: {  	v0 =	vld.idx.msk [tilespmem:v30+s4+$0x0], $0xffff;
	_ =	sdelay $0x3  }
0x208: {  	v32 =	vld [tilespmem:$0x19140]  }
0x209: {  	[tilespmem:$0x1A120] =	vst v0  }
0x20a: {  	v0 =	vld.idx.msk [tilespmem:v31+s4+$0x0], $0xffff;
	_ =	sdelay $0x3  }
0x20b: {  	v33 =	vld [tilespmem:$0x19150]  }
0x20c: {  	[tilespmem:$0x1A130] =	vst v0  }
0x20d: {  	v0 =	vld.idx.msk [tilespmem:v32+s4+$0x0], $0xffff;
	_ =	sdelay $0x3  }
0x20e: {  	v34 =	vld [tilespmem:$0x19160]  }
0x20f: {  	[tilespmem:$0x1A140] =	vst v0  }
0x210: {  	v0 =	vld.idx.msk [tilespmem:v33+s4+$0x0], $0xffff;
	_ =	sdelay $0x3  }
0x211: {  	v35 =	vld [tilespmem:$0x19170]  }
0x212: {  	[tilespmem:$0x1A150] =	vst v0  }
0x213: {  	v0 =	vld.idx.msk [tilespmem:v34+s4+$0x0], $0xffff;
	_ =	sdelay $0x3  }
0x214: {  	v36 =	vld [tilespmem:$0x19180]  }
0x215: {  	[tilespmem:$0x1A160] =	vst v0  }
0x216: {  	v0 =	vld.idx.msk [tilespmem:v35+s4+$0x0], $0xffff;
	_ =	sdelay $0x3  }
0x217: {  	v37 =	vld [tilespmem:$0x19190]  }
0x218: {  	[tilespmem:$0x1A170] =	vst v0  }
0x219: {  	v0 =	vld.idx.msk [tilespmem:v36+s4+$0x0], $0xffff;
	_ =	sdelay $0x3  }
0x21a: {  	v38 =	vld [tilespmem:$0x191A0]  }
0x21b: {  	[tilespmem:$0x1A180] =	vst v0  }
0x21c: {  	v0 =	vld.idx.msk [tilespmem:v37+s4+$0x0], $0xffff;
	_ =	sdelay $0x3  }
0x21d: {  	v39 =	vld [tilespmem:$0x191B0]  }
0x21e: {  	[tilespmem:$0x1A190] =	vst v0  }
0x21f: {  	v0 =	vld.idx.msk [tilespmem:v38+s4+$0x0], $0xffff;
	_ =	sdelay $0x3  }
0x220: {  	v40 =	vld [tilespmem:$0x191C0]  }
0x221: {  	[tilespmem:$0x1A1A0] =	vst v0  }
0x222: {  	v0 =	vld.idx.msk [tilespmem:v39+s4+$0x0], $0xffff;
	_ =	sdelay $0x3  }
0x223: {  	v41 =	vld [tilespmem:$0x191D0]  }
0x224: {  	[tilespmem:$0x1A1B0] =	vst v0  }
0x225: {  	v0 =	vld.idx.msk [tilespmem:v40+s4+$0x0], $0xffff;
	_ =	sdelay $0x3  }
0x226: {  	v42 =	vld [tilespmem:$0x191E0]  }
0x227: {  	[tilespmem:$0x1A1C0] =	vst v0  }
0x228: {  	v0 =	vld.idx.msk [tilespmem:v41+s4+$0x0], $0xffff;
	_ =	sdelay $0x3  }
0x229: {  	v43 =	vld [tilespmem:$0x191F0]  }
0x22a: {  	[tilespmem:$0x1A1D0] =	vst v0  }
0x22b: {  	v0 =	vld.idx.msk [tilespmem:v42+s4+$0x0], $0xffff;
	_ =	sdelay $0x3  }
0x22c: {  	v44 =	vld [tilespmem:$0x19200]  }
0x22d: {  	[tilespmem:$0x1A1E0] =	vst v0  }
0x22e: {  	v0 =	vld.idx.msk [tilespmem:v43+s4+$0x0], $0xffff;
	_ =	sdelay $0x3  }
0x22f: {  	v45 =	vld [tilespmem:$0x19210]  }
0x230: {  	[tilespmem:$0x1A1F0] =	vst v0  }
0x231: {  	v0 =	vld.idx.msk [tilespmem:v44+s4+$0x0], $0xffff;
	_ =	sdelay $0x3  }
0x232: {  	v46 =	vld [tilespmem:$0x19220]  }
0x233: {  	[tilespmem:$0x1A200] =	vst v0  }
0x234: {  	v0 =	vld.idx.msk [tilespmem:v45+s4+$0x0], $0xffff;
	_ =	sdelay $0x3  }
0x235: {  	v47 =	vld [tilespmem:$0x19230]  }
0x236: {  	[tilespmem:$0x1A210] =	vst v0  }
0x237: {  	v0 =	vld.idx.msk [tilespmem:v46+s4+$0x0], $0xffff;
	_ =	sdelay $0x3  }
0x238: {  	v48 =	vld [tilespmem:$0x19240]  }
0x239: {  	[tilespmem:$0x1A220] =	vst v0  }
0x23a: {  	v0 =	vld.idx.msk [tilespmem:v47+s4+$0x0], $0xffff;
	_ =	sdelay $0x3  }
0x23b: {  	v49 =	vld [tilespmem:$0x19250]  }
0x23c: {  	[tilespmem:$0x1A230] =	vst v0  }
0x23d: {  	v0 =	vld.idx.msk [tilespmem:v48+s4+$0x0], $0xffff;
	_ =	sdelay $0x3  }
0x23e: {  	v50 =	vld [tilespmem:$0x19260]  }
0x23f: {  	[tilespmem:$0x1A240] =	vst v0  }
0x240: {  	v0 =	vld.idx.msk [tilespmem:v49+s4+$0x0], $0xffff;
	_ =	sdelay $0x3  }
0x241: {  	v51 =	vld [tilespmem:$0x19270]  }
0x242: {  	[tilespmem:$0x1A250] =	vst v0  }
0x243: {  	v0 =	vld.idx.msk [tilespmem:v50+s4+$0x0], $0xffff;
	_ =	sdelay $0x3  }
0x244: {  	v52 =	vld [tilespmem:$0x19280]  }
0x245: {  	[tilespmem:$0x1A260] =	vst v0  }
0x246: {  	v0 =	vld.idx.msk [tilespmem:v51+s4+$0x0], $0xffff;
	_ =	sdelay $0x3  }
0x247: {  	v53 =	vld [tilespmem:$0x19290]  }
0x248: {  	[tilespmem:$0x1A270] =	vst v0  }
0x249: {  	v0 =	vld.idx.msk [tilespmem:v52+s4+$0x0], $0xffff;
	_ =	sdelay $0x3  }
0x24a: {  	v54 =	vld [tilespmem:$0x192A0]  }
0x24b: {  	[tilespmem:$0x1A280] =	vst v0  }
0x24c: {  	v0 =	vld.idx.msk [tilespmem:v53+s4+$0x0], $0xffff;
	_ =	sdelay $0x3  }
0x24d: {  	v55 =	vld [tilespmem:$0x192B0]  }
0x24e: {  	[tilespmem:$0x1A290] =	vst v0  }
0x24f: {  	v0 =	vld.idx.msk [tilespmem:v54+s4+$0x0], $0xffff;
	_ =	sdelay $0x3  }
0x250: {  	v56 =	vld [tilespmem:$0x192C0]  }
0x251: {  	[tilespmem:$0x1A2A0] =	vst v0  }
0x252: {  	v0 =	vld.idx.msk [tilespmem:v55+s4+$0x0], $0xffff;
	_ =	sdelay $0x3  }
0x253: {  	v57 =	vld [tilespmem:$0x192D0]  }
0x254: {  	[tilespmem:$0x1A2B0] =	vst v0  }
0x255: {  	v0 =	vld.idx.msk [tilespmem:v56+s4+$0x0], $0xffff;
	_ =	sdelay $0x3  }
0x256: {  	v58 =	vld [tilespmem:$0x192E0]  }
0x257: {  	[tilespmem:$0x1A2C0] =	vst v0  }
0x258: {  	v0 =	vld.idx.msk [tilespmem:v57+s4+$0x0], $0xffff;
	_ =	sdelay $0x3  }
0x259: {  	v59 =	vld [tilespmem:$0x192F0]  }
0x25a: {  	[tilespmem:$0x1A2D0] =	vst v0  }
0x25b: {  	v0 =	vld.idx.msk [tilespmem:v58+s4+$0x0], $0xffff;
	_ =	sdelay $0x3  }
0x25c: {  	v60 =	vld [tilespmem:$0x19300]  }
0x25d: {  	[tilespmem:$0x1A2E0] =	vst v0  }
0x25e: {  	v0 =	vld.idx.msk [tilespmem:v59+s4+$0x0], $0xffff;
	_ =	sdelay $0x3  }
0x25f: {  	v61 =	vld [tilespmem:$0x19310]  }
0x260: {  	[tilespmem:$0x1A2F0] =	vst v0  }
0x261: {  	v0 =	vld.idx.msk [tilespmem:v60+s4+$0x0], $0xffff;
	_ =	sdelay $0x3  }
0x262: {  	v62 =	vld [tilespmem:$0x19320]  }
0x263: {  	[tilespmem:$0x1A300] =	vst v0  }
0x264: {  	v0 =	vld.idx.msk [tilespmem:v61+s4+$0x0], $0xffff;
	_ =	sdelay $0x3  }
0x265: {  	v63 =	vld [tilespmem:$0x19330]  }
0x266: {  	[tilespmem:$0x1A310] =	vst v0  }
0x267: {  	v0 =	vld.idx.msk [tilespmem:v62+s4+$0x0], $0xffff;
	_ =	sdelay $0x3  }
0x268: {  	v4 =	vld [tilespmem:$0x19340]  }
0x269: {  	[tilespmem:$0x1A320] =	vst v0  }
0x26a: {  	v0 =	vld.idx.msk [tilespmem:v63+s4+$0x0], $0xffff;
	_ =	sdelay $0x3  }
0x26b: {  	v5 =	vld [tilespmem:$0x19350]  }
0x26c: {  	[tilespmem:$0x1A330] =	vst v0  }
0x26d: {  	v0 =	vld.idx.msk [tilespmem:v4+s4+$0x0], $0xffff;
	_ =	sdelay $0x3  }
0x26e: {  	v6 =	vld [tilespmem:$0x19360]  }
0x26f: {  	[tilespmem:$0x1A340] =	vst v0  }
0x270: {  	v0 =	vld.idx.msk [tilespmem:v5+s4+$0x0], $0xffff;
	_ =	sdelay $0x3  }
0x271: {  	v7 =	vld [tilespmem:$0x19370]  }
0x272: {  	[tilespmem:$0x1A350] =	vst v0  }
0x273: {  	v0 =	vld.idx.msk [tilespmem:v6+s4+$0x0], $0xffff;
	_ =	sdelay $0x3  }
0x274: {  	v8 =	vld [tilespmem:$0x19380]  }
0x275: {  	[tilespmem:$0x1A360] =	vst v0  }
0x276: {  	v0 =	vld.idx.msk [tilespmem:v7+s4+$0x0], $0xffff;
	_ =	sdelay $0x3  }
0x277: {  	v9 =	vld [tilespmem:$0x19390]  }
0x278: {  	[tilespmem:$0x1A370] =	vst v0  }
0x279: {  	v0 =	vld.idx.msk [tilespmem:v8+s4+$0x0], $0xffff;
	_ =	sdelay $0x3  }
0x27a: {  	v10 =	vld [tilespmem:$0x193A0]  }
0x27b: {  	[tilespmem:$0x1A380] =	vst v0  }
0x27c: {  	v0 =	vld.idx.msk [tilespmem:v9+s4+$0x0], $0xffff;
	_ =	sdelay $0x3  }
0x27d: {  	v11 =	vld [tilespmem:$0x193B0]  }
0x27e: {  	[tilespmem:$0x1A390] =	vst v0  }
0x27f: {  	v0 =	vld.idx.msk [tilespmem:v10+s4+$0x0], $0xffff;
	_ =	sdelay $0x3  }
0x280: {  	v12 =	vld [tilespmem:$0x193C0]  }
0x281: {  	[tilespmem:$0x1A3A0] =	vst v0  }
0x282: {  	v0 =	vld.idx.msk [tilespmem:v11+s4+$0x0], $0xffff;
	_ =	sdelay $0x3  }
0x283: {  	v13 =	vld [tilespmem:$0x193D0]  }
0x284: {  	[tilespmem:$0x1A3B0] =	vst v0  }
0x285: {  	v0 =	vld.idx.msk [tilespmem:v12+s4+$0x0], $0xffff;
	_ =	sdelay $0x3  }
0x286: {  	v14 =	vld [tilespmem:$0x193E0]  }
0x287: {  	[tilespmem:$0x1A3C0] =	vst v0  }
0x288: {  	v0 =	vld.idx.msk [tilespmem:v13+s4+$0x0], $0xffff;
	_ =	sdelay $0x3  }
0x289: {  	v15 =	vld [tilespmem:$0x193F0]  }
0x28a: {  	[tilespmem:$0x1A3D0] =	vst v0  }
0x28b: {  	v0 =	vld.idx.msk [tilespmem:v14+s4+$0x0], $0xffff;
	_ =	sdelay $0x3  }
0x28c: {  	v16 =	vld [tilespmem:$0x19400]  }
0x28d: {  	[tilespmem:$0x1A3E0] =	vst v0  }
0x28e: {  	v0 =	vld.idx.msk [tilespmem:v15+s4+$0x0], $0xffff;
	_ =	sdelay $0x3  }
0x28f: {  	v17 =	vld [tilespmem:$0x19410]  }
0x290: {  	[tilespmem:$0x1A3F0] =	vst v0  }
0x291: {  	v0 =	vld.idx.msk [tilespmem:v16+s4+$0x0], $0xffff;
	_ =	sdelay $0x3  }
0x292: {  	v18 =	vld [tilespmem:$0x19420]  }
0x293: {  	[tilespmem:$0x1A400] =	vst v0  }
0x294: {  	v0 =	vld.idx.msk [tilespmem:v17+s4+$0x0], $0xffff;
	_ =	sdelay $0x3  }
0x295: {  	v19 =	vld [tilespmem:$0x19430]  }
0x296: {  	[tilespmem:$0x1A410] =	vst v0  }
0x297: {  	v0 =	vld.idx.msk [tilespmem:v18+s4+$0x0], $0xffff;
	_ =	sdelay $0x3  }
0x298: {  	v20 =	vld [tilespmem:$0x19440]  }
0x299: {  	[tilespmem:$0x1A420] =	vst v0  }
0x29a: {  	v0 =	vld.idx.msk [tilespmem:v19+s4+$0x0], $0xffff;
	_ =	sdelay $0x3  }
0x29b: {  	v21 =	vld [tilespmem:$0x19450]  }
0x29c: {  	[tilespmem:$0x1A430] =	vst v0  }
0x29d: {  	v0 =	vld.idx.msk [tilespmem:v20+s4+$0x0], $0xffff;
	_ =	sdelay $0x3  }
0x29e: {  	v22 =	vld [tilespmem:$0x19460]  }
0x29f: {  	[tilespmem:$0x1A440] =	vst v0  }
0x2a0: {  	v0 =	vld.idx.msk [tilespmem:v21+s4+$0x0], $0xffff;
	_ =	sdelay $0x3  }
0x2a1: {  	v23 =	vld [tilespmem:$0x19470]  }
0x2a2: {  	[tilespmem:$0x1A450] =	vst v0  }
0x2a3: {  	v0 =	vld.idx.msk [tilespmem:v22+s4+$0x0], $0xffff;
	_ =	sdelay $0x3  }
0x2a4: {  	v24 =	vld [tilespmem:$0x19480]  }
0x2a5: {  	[tilespmem:$0x1A460] =	vst v0  }
0x2a6: {  	v0 =	vld.idx.msk [tilespmem:v23+s4+$0x0], $0xffff;
	_ =	sdelay $0x3  }
0x2a7: {  	v25 =	vld [tilespmem:$0x19490]  }
0x2a8: {  	[tilespmem:$0x1A470] =	vst v0  }
0x2a9: {  	v0 =	vld.idx.msk [tilespmem:v24+s4+$0x0], $0xffff;
	_ =	sdelay $0x3  }
0x2aa: {  	v26 =	vld [tilespmem:$0x194A0]  }
0x2ab: {  	[tilespmem:$0x1A480] =	vst v0  }
0x2ac: {  	v0 =	vld.idx.msk [tilespmem:v25+s4+$0x0], $0xffff;
	_ =	sdelay $0x3  }
0x2ad: {  	v27 =	vld [tilespmem:$0x194B0]  }
0x2ae: {  	[tilespmem:$0x1A490] =	vst v0  }
0x2af: {  	v0 =	vld.idx.msk [tilespmem:v26+s4+$0x0], $0xffff;
	_ =	sdelay $0x3  }
0x2b0: {  	v28 =	vld [tilespmem:$0x194C0]  }
0x2b1: {  	[tilespmem:$0x1A4A0] =	vst v0  }
0x2b2: {  	v0 =	vld.idx.msk [tilespmem:v27+s4+$0x0], $0xffff;
	_ =	sdelay $0x3  }
0x2b3: {  	v29 =	vld [tilespmem:$0x194D0]  }
0x2b4: {  	[tilespmem:$0x1A4B0] =	vst v0  }
0x2b5: {  	v0 =	vld.idx.msk [tilespmem:v28+s4+$0x0], $0xffff;
	_ =	sdelay $0x3  }
0x2b6: {  	v30 =	vld [tilespmem:$0x194E0]  }
0x2b7: {  	[tilespmem:$0x1A4C0] =	vst v0  }
0x2b8: {  	v0 =	vld.idx.msk [tilespmem:v29+s4+$0x0], $0xffff;
	_ =	sdelay $0x3  }
0x2b9: {  	v31 =	vld [tilespmem:$0x194F0]  }
0x2ba: {  	[tilespmem:$0x1A4D0] =	vst v0  }
0x2bb: {  	v0 =	vld.idx.msk [tilespmem:v30+s4+$0x0], $0xffff;
	_ =	sdelay $0x3  }
0x2bc: {  	v32 =	vld [tilespmem:$0x19500]  }
0x2bd: {  	[tilespmem:$0x1A4E0] =	vst v0  }
0x2be: {  	v0 =	vld.idx.msk [tilespmem:v31+s4+$0x0], $0xffff;
	_ =	sdelay $0x3  }
0x2bf: {  	v33 =	vld [tilespmem:$0x19510]  }
0x2c0: {  	[tilespmem:$0x1A4F0] =	vst v0  }
0x2c1: {  	v0 =	vld.idx.msk [tilespmem:v32+s4+$0x0], $0xffff;
	_ =	sdelay $0x3  }
0x2c2: {  	v34 =	vld [tilespmem:$0x19520]  }
0x2c3: {  	[tilespmem:$0x1A500] =	vst v0  }
0x2c4: {  	v0 =	vld.idx.msk [tilespmem:v33+s4+$0x0], $0xffff;
	_ =	sdelay $0x3  }
0x2c5: {  	v35 =	vld [tilespmem:$0x19530]  }
0x2c6: {  	[tilespmem:$0x1A510] =	vst v0  }
0x2c7: {  	v0 =	vld.idx.msk [tilespmem:v34+s4+$0x0], $0xffff;
	_ =	sdelay $0x3  }
0x2c8: {  	v36 =	vld [tilespmem:$0x19540]  }
0x2c9: {  	[tilespmem:$0x1A520] =	vst v0  }
0x2ca: {  	v0 =	vld.idx.msk [tilespmem:v35+s4+$0x0], $0xffff;
	_ =	sdelay $0x3  }
0x2cb: {  	v37 =	vld [tilespmem:$0x19550]  }
0x2cc: {  	[tilespmem:$0x1A530] =	vst v0  }
0x2cd: {  	v0 =	vld.idx.msk [tilespmem:v36+s4+$0x0], $0xffff;
	_ =	sdelay $0x3  }
0x2ce: {  	v38 =	vld [tilespmem:$0x19560]  }
0x2cf: {  	[tilespmem:$0x1A540] =	vst v0  }
0x2d0: {  	v0 =	vld.idx.msk [tilespmem:v37+s4+$0x0], $0xffff;
	_ =	sdelay $0x3  }
0x2d1: {  	v39 =	vld [tilespmem:$0x19570]  }
0x2d2: {  	[tilespmem:$0x1A550] =	vst v0  }
0x2d3: {  	v0 =	vld.idx.msk [tilespmem:v38+s4+$0x0], $0xffff;
	_ =	sdelay $0x3  }
0x2d4: {  	v40 =	vld [tilespmem:$0x19580]  }
0x2d5: {  	[tilespmem:$0x1A560] =	vst v0  }
0x2d6: {  	v0 =	vld.idx.msk [tilespmem:v39+s4+$0x0], $0xffff;
	_ =	sdelay $0x3  }
0x2d7: {  	v41 =	vld [tilespmem:$0x19590]  }
0x2d8: {  	[tilespmem:$0x1A570] =	vst v0  }
0x2d9: {  	v0 =	vld.idx.msk [tilespmem:v40+s4+$0x0], $0xffff;
	_ =	sdelay $0x3  }
0x2da: {  	v42 =	vld [tilespmem:$0x195A0]  }
0x2db: {  	[tilespmem:$0x1A580] =	vst v0  }
0x2dc: {  	v0 =	vld.idx.msk [tilespmem:v41+s4+$0x0], $0xffff;
	_ =	sdelay $0x3  }
0x2dd: {  	v43 =	vld [tilespmem:$0x195B0]  }
0x2de: {  	[tilespmem:$0x1A590] =	vst v0  }
0x2df: {  	v0 =	vld.idx.msk [tilespmem:v42+s4+$0x0], $0xffff;
	_ =	sdelay $0x3  }
0x2e0: {  	v44 =	vld [tilespmem:$0x195C0]  }
0x2e1: {  	[tilespmem:$0x1A5A0] =	vst v0  }
0x2e2: {  	v0 =	vld.idx.msk [tilespmem:v43+s4+$0x0], $0xffff;
	_ =	sdelay $0x3  }
0x2e3: {  	v45 =	vld [tilespmem:$0x195D0]  }
0x2e4: {  	[tilespmem:$0x1A5B0] =	vst v0  }
0x2e5: {  	v0 =	vld.idx.msk [tilespmem:v44+s4+$0x0], $0xffff;
	_ =	sdelay $0x3  }
0x2e6: {  	v46 =	vld [tilespmem:$0x195E0]  }
0x2e7: {  	[tilespmem:$0x1A5C0] =	vst v0  }
0x2e8: {  	v0 =	vld.idx.msk [tilespmem:v45+s4+$0x0], $0xffff;
	_ =	sdelay $0x3  }
0x2e9: {  	v47 =	vld [tilespmem:$0x195F0]  }
0x2ea: {  	[tilespmem:$0x1A5D0] =	vst v0  }
0x2eb: {  	v0 =	vld.idx.msk [tilespmem:v46+s4+$0x0], $0xffff;
	_ =	sdelay $0x3  }
0x2ec: {  	v48 =	vld [tilespmem:$0x19600]  }
0x2ed: {  	[tilespmem:$0x1A5E0] =	vst v0  }
0x2ee: {  	v0 =	vld.idx.msk [tilespmem:v47+s4+$0x0], $0xffff;
	_ =	sdelay $0x3  }
0x2ef: {  	v49 =	vld [tilespmem:$0x19610]  }
0x2f0: {  	[tilespmem:$0x1A5F0] =	vst v0  }
0x2f1: {  	v0 =	vld.idx.msk [tilespmem:v48+s4+$0x0], $0xffff;
	_ =	sdelay $0x3  }
0x2f2: {  	v50 =	vld [tilespmem:$0x19620]  }
0x2f3: {  	[tilespmem:$0x1A600] =	vst v0  }
0x2f4: {  	v0 =	vld.idx.msk [tilespmem:v49+s4+$0x0], $0xffff;
	_ =	sdelay $0x3  }
0x2f5: {  	v51 =	vld [tilespmem:$0x19630]  }
0x2f6: {  	[tilespmem:$0x1A610] =	vst v0  }
0x2f7: {  	v0 =	vld.idx.msk [tilespmem:v50+s4+$0x0], $0xffff;
	_ =	sdelay $0x3  }
0x2f8: {  	v52 =	vld [tilespmem:$0x19640]  }
0x2f9: {  	[tilespmem:$0x1A620] =	vst v0  }
0x2fa: {  	v0 =	vld.idx.msk [tilespmem:v51+s4+$0x0], $0xffff;
	_ =	sdelay $0x3  }
0x2fb: {  	v53 =	vld [tilespmem:$0x19650]  }
0x2fc: {  	[tilespmem:$0x1A630] =	vst v0  }
0x2fd: {  	v0 =	vld.idx.msk [tilespmem:v52+s4+$0x0], $0xffff;
	_ =	sdelay $0x3  }
0x2fe: {  	v54 =	vld [tilespmem:$0x19660]  }
0x2ff: {  	[tilespmem:$0x1A640] =	vst v0  }
0x300: {  	v0 =	vld.idx.msk [tilespmem:v53+s4+$0x0], $0xffff;
	_ =	sdelay $0x3  }
0x301: {  	v55 =	vld [tilespmem:$0x19670]  }
0x302: {  	[tilespmem:$0x1A650] =	vst v0  }
0x303: {  	v0 =	vld.idx.msk [tilespmem:v54+s4+$0x0], $0xffff;
	_ =	sdelay $0x3  }
0x304: {  	v56 =	vld [tilespmem:$0x19680]  }
0x305: {  	[tilespmem:$0x1A660] =	vst v0  }
0x306: {  	v0 =	vld.idx.msk [tilespmem:v55+s4+$0x0], $0xffff;
	_ =	sdelay $0x3  }
0x307: {  	v57 =	vld [tilespmem:$0x19690]  }
0x308: {  	[tilespmem:$0x1A670] =	vst v0  }
0x309: {  	v0 =	vld.idx.msk [tilespmem:v56+s4+$0x0], $0xffff;
	_ =	sdelay $0x3  }
0x30a: {  	v58 =	vld [tilespmem:$0x196A0]  }
0x30b: {  	[tilespmem:$0x1A680] =	vst v0  }
0x30c: {  	v0 =	vld.idx.msk [tilespmem:v57+s4+$0x0], $0xffff;
	_ =	sdelay $0x3  }
0x30d: {  	v59 =	vld [tilespmem:$0x196B0]  }
0x30e: {  	[tilespmem:$0x1A690] =	vst v0  }
0x30f: {  	v0 =	vld.idx.msk [tilespmem:v58+s4+$0x0], $0xffff;
	_ =	sdelay $0x3  }
0x310: {  	v60 =	vld [tilespmem:$0x196C0]  }
0x311: {  	[tilespmem:$0x1A6A0] =	vst v0  }
0x312: {  	v0 =	vld.idx.msk [tilespmem:v59+s4+$0x0], $0xffff;
	_ =	sdelay $0x3  }
0x313: {  	v61 =	vld [tilespmem:$0x196D0]  }
0x314: {  	[tilespmem:$0x1A6B0] =	vst v0  }
0x315: {  	v0 =	vld.idx.msk [tilespmem:v60+s4+$0x0], $0xffff;
	_ =	sdelay $0x3  }
0x316: {  	v62 =	vld [tilespmem:$0x196E0]  }
0x317: {  	[tilespmem:$0x1A6C0] =	vst v0  }
0x318: {  	v0 =	vld.idx.msk [tilespmem:v61+s4+$0x0], $0xffff;
	_ =	sdelay $0x3  }
0x319: {  	v63 =	vld [tilespmem:$0x196F0]  }
0x31a: {  	[tilespmem:$0x1A6D0] =	vst v0  }
0x31b: {  	v0 =	vld.idx.msk [tilespmem:v62+s4+$0x0], $0xffff;
	_ =	sdelay $0x4  }
0x31c: {  	[tilespmem:$0x1A6E0] =	vst v0  }
0x31d: {  	s17 =	sadd.s32 $0x1, s17;
	v0 =	vld.idx.msk [tilespmem:v63+s4+$0x0], $0xffff  }
0x31e: {  	p0 =	sne.s32 s17, $0x34  }
.Ltmp0:
0x31f: {  	s18 =	sshll.u32 s18, $0xF;
	(pc) =	sbr.rel @p0 .LBB2_2-.Ltmp0, $4  }
0x320: {  	s18 =	sor.u32 s19, s18  }
0x321: {  	s18 =	sshrl.u32 s18, $0x3  }
0x322: {  	s15 =	sadd.s32 $0x80, s15;
	s18 =	sadd.s32 s5, s18;
	[tilespmem:$0x1A6F0] =	vst v0  }
0x323: {  	[hbm4b:s18+s9] =	stream.strided.scatter [tilespmem:s12], [sflag:$0x1], $0x1000, s10, s9, $0x38;
	[tilespmem:$0x1A700] =	vst v63  }
0x324: {  	s14 =	sadd.s32 $0x1, s14  }
0x325: {  	p0 =	sne.s32 s14, s6  }
.Ltmp1:
0x326: {  	_ = 	snop;
	(pc) =	sbr.rel @p0 .LBB2_1-.Ltmp1, $4  }
0x327: {  	_ = 	snop  }
0x328: {  	_ =	swait.ge [sflag:s13], $0x1000  }
0x329: {  	[sflag:s13] =	ssyncset.done $0x0  }
0x32a: {  	[sflag:s13] =	ssyncadd.s32 $0xFFFFF000  }
0x32b: {  	_ =	sfence.sel $0x180000  }
0x32c: {  	[bflag:$0x0] =	sbarrier.arrive $0xFFFF  }
0x32d: {  	p0 =	sne.s32 s0, $0x0;
	_ =	strace $0x90000047  }
0x32e: {  	s0 =	sadd.s32 @!p0 $0x100000, s2;
	[bflag:$0x2] =	sbarrier.arrive $0xFFFF  }
0x32f: {  	[sflag:s0] =	ssyncadd.tile.s32 @!p0 $0x1;
	_ =	shalt  }
.Lfunc_end2:
_tile_overlayer_lowered:
.L_overlay_start_2:
0x330: {  	(tag) =	ssettag $0x2  }
0x331: {  	s0 =	rddreg [dreg:$0x0];
	s2 =	stileid.u32  }
0x332: {  	s1 =	rddreg [dreg:$0x1];
	p0 =	sne.s32 s2, $0x0  }
0x333: {  	s3 =	rddreg [dreg:$0x2];
	[bflag:$0x3] =	sbarrier.arrive $0xFFFF;
	s2 =	simm.s32 @!p0 $0x1C02  }
0x334: {  	[timem:s3], [sflag:s2] =	dma.local @!p0 [hbm:s0], s1  }
0x335: {  	s0 =	simm.s32 @!p0 $0x2  }
0x336: {  	_ =	swait.ge @!p0 [sflag:s0], s1  }
0x337: {  	s1 =	ssub.s32 @!p0 $0x0, s1;
	[sflag:s0] =	ssyncset.done @!p0 $0x0  }
0x338: {  	[sflag:s0] =	ssyncadd.s32 @!p0 s1  }
0x339: {  	[bflag:$0x3] =	sbarrier.arrive $0xFFFF  }
0x33a: {  	_ =	shalt  }

</sc_bundles>
